<compile_context>
chip_gen: v7x
topology: tpu7x:2x2x1
jax: 0.10.2.dev20260603
libtpu: 0.0.44.dev20260713+nightly
codegen_flags: <defaults>
</compile_context>

<pallas_src>
import jax
import jax.numpy as jnp
from jax import lax
from jax.experimental import pallas as pl
from jax.experimental.pallas import tpu as pltpu
from jax.experimental.pallas import tpu_sc as plsc

RES = 128
NUM_CELLS = RES * RES * RES
N_QUERIES = 4194304
NC, NS, L = 2, 16, 16
NW = NC * NS
PTS_PER_W = N_QUERIES // NW
P = 8192
NCH = PTS_PER_W // P
ND = P // 128
FRES = float(RES)


def _occ_body(x_hbm, tab_hbm, occs_out, bin_out,
              c0, c1, i0, i1, g0, g1, o0, o1, b0, b1,
              gs0, gs1, os0, os1):
    wid = lax.axis_index("s") * NC + lax.axis_index("c")
    base = pl.multiple_of(wid * PTS_PER_W, PTS_PER_W)
    zero = jnp.float32(0.0)
    poison = jnp.int32(NUM_CELLS)
    mantissa = jnp.int32(0x7FFFFFFF)

    coords = (c0, c1)
    idxs = (i0, i1)
    gath = (g0, g1)
    occv = (o0, o1)
    binv = (b0, b1)
    gsems = (gs0, gs1)
    osems = (os0, os1)

    def compute(cref, iref):
        def vstep(i, c):
            b = i * L
            x0 = cref[pl.ds(b, L)]
            x1 = cref[pl.ds(P + b, L)]
            x2 = cref[pl.ds(2 * P + b, L)]
            c0_ = (x0 * FRES).astype(jnp.int32)
            c1_ = (x1 * FRES).astype(jnp.int32)
            c2_ = (x2 * FRES).astype(jnp.int32)
            valid = (x0 > zero) & (x1 > zero) & (x2 > zero)
            flat = (c0_ << 14) + (c1_ << 7) + c2_
            iref[pl.ds(b, L)] = jnp.where(valid, flat, poison)
            return c

        lax.fori_loop(0, P // L, vstep, 0)

    def unpack(gref, oref, bref):
        def vstep(i, c):
            b = i * L
            v = gref[pl.ds(b, L)]
            oref[pl.ds(b, L)] = v & mantissa
            bref[pl.ds(b, L)] = lax.shift_right_logical(v, 31)
            return c

        lax.fori_loop(0, P // L, vstep, 0)

    def fire_gathers(iref, gref, sem):
        for j in range(ND):
            s = pl.ds(j * 128, 128)
            pltpu.async_copy(tab_hbm.at[iref.at[s]], gref.at[s], sem)

    def wait_gathers(gref, sem):
        pltpu.make_async_copy(tab_hbm.at[pl.ds(0, P)], gref, sem).wait()

    def fire_stores(oref, bref, off, sem):
        pltpu.async_copy(oref, occs_out.at[pl.ds(off, P)], sem)
        pltpu.async_copy(bref, bin_out.at[pl.ds(off, P)], sem)

    def wait_stores(oref, bref, sem):
        pltpu.make_async_copy(oref, occs_out.at[pl.ds(0, P)], sem).wait()
        pltpu.make_async_copy(bref, bin_out.at[pl.ds(0, P)], sem).wait()

    def body(hg, carry):
        g = hg * 2
        for u in range(2):
            t = g + u
            pu = 1 - u
            off = pl.multiple_of(base + t * P, P)
            for k in range(3):
                pltpu.sync_copy(x_hbm.at[pl.ds(k * N_QUERIES + off, P)],
                                coords[u].at[pl.ds(k * P, P)])
            compute(coords[u], idxs[u])

            @pl.when(t >= 2)
            def _():
                wait_stores(occv[u], binv[u], osems[u])

            fire_gathers(idxs[u], gath[u], gsems[u])

            @pl.when(t >= 1)
            def _():
                wait_gathers(gath[pu], gsems[pu])
                unpack(gath[pu], occv[pu], binv[pu])
                poff = pl.multiple_of(base + (t - 1) * P, P)
                fire_stores(occv[pu], binv[pu], poff, osems[pu])

        return carry

    lax.fori_loop(0, NCH // 2, body, 0)

    wait_gathers(gath[1], gsems[1])
    unpack(gath[1], occv[1], binv[1])
    last = pl.multiple_of(base + (NCH - 1) * P, P)
    pltpu.sync_copy(occv[1], occs_out.at[pl.ds(last, P)])
    pltpu.sync_copy(binv[1], bin_out.at[pl.ds(last, P)])
    wait_stores(occv[0], binv[0], osems[0])


_occ_call = pl.kernel(
    _occ_body,
    out_type=(jax.ShapeDtypeStruct((N_QUERIES,), jnp.int32),
              jax.ShapeDtypeStruct((N_QUERIES,), jnp.int32)),
    mesh=plsc.VectorSubcoreMesh(core_axis_name="c", subcore_axis_name="s"),
    compiler_params=pltpu.CompilerParams(needs_layout_passes=False),
    scratch_types=[
        pltpu.VMEM((3 * P,), jnp.float32),
        pltpu.VMEM((3 * P,), jnp.float32),
        pltpu.VMEM((P,), jnp.int32),
        pltpu.VMEM((P,), jnp.int32),
        pltpu.VMEM((P,), jnp.int32),
        pltpu.VMEM((P,), jnp.int32),
        pltpu.VMEM((P,), jnp.int32),
        pltpu.VMEM((P,), jnp.int32),
        pltpu.VMEM((P,), jnp.int32),
        pltpu.VMEM((P,), jnp.int32),
        pltpu.SemaphoreType.DMA,
        pltpu.SemaphoreType.DMA,
        pltpu.SemaphoreType.DMA,
        pltpu.SemaphoreType.DMA,
    ],
)


def kernel(x, occ_grid, occ_grid_binary):
    xflat = x.T.reshape(-1)
    bits = lax.bitcast_convert_type(occ_grid, jnp.int32)
    packed = bits | (occ_grid_binary.astype(jnp.int32) << 31)
    tab = jnp.concatenate([packed, jnp.zeros((1,), jnp.int32)])
    occ_bits, binv = _occ_call(xflat, tab)
    return lax.bitcast_convert_type(occ_bits, jnp.float32), binv.astype(bool)

# --- scband reference (transcript-rebuilt; emitter-appended) ---
"""Pipeline reference for scband-occupancy-field-15307263443022 (READ-ONLY COPY).

The authoritative reference and input builder live on the scoring server;
editing this copy changes nothing except your own understanding.
"""

import jax, jax.numpy as jnp
import numpy as np

RES = 128
NUM_CELLS = RES * RES * RES
N_QUERIES = 4194304
AABB_MIN = jnp.array([0.0, 0.0, 0.0], dtype=jnp.float32)
AABB_MAX = jnp.array([1.0, 1.0, 1.0], dtype=jnp.float32)


def setup_inputs(seed: int = 0) -> dict:
    key = jax.random.key(seed)
    k1, k2, k3 = jax.random.split(key, 3)
    x = jax.random.uniform(k1, (N_QUERIES, 3), dtype=jnp.float32)
    occ_grid = jax.random.uniform(k2, (NUM_CELLS,), dtype=jnp.float32)
    occ_grid_binary = jax.random.bernoulli(k3, 0.5, (NUM_CELLS,))
    return {"x": x, "occ_grid": occ_grid, "occ_grid_binary": occ_grid_binary}


def reference(x, occ_grid, occ_grid_binary):
    # query_occ: normalize points into [0,1), compute flat grid indices, gather.
    resolution = jnp.array([RES, RES, RES], dtype=jnp.float32)
    xn = (x - AABB_MIN) / (AABB_MAX - AABB_MIN)
    selector = jnp.all((xn > 0.0) & (xn < 1.0), axis=-1)
    grid_coords = jnp.floor(xn * resolution).astype(jnp.int32)
    grid_indices = (
        grid_coords[..., 0] * RES * RES
        + grid_coords[..., 1] * RES
        + grid_coords[..., 2]
    )
    safe_indices = jnp.clip(grid_indices, 0, NUM_CELLS - 1)
    # torch: occs = zeros; occs[selector] = occ_grid[grid_indices[selector]]
    occs = jnp.where(selector, jnp.take(occ_grid, safe_indices, axis=0), 0.0)
    occs_binary = jnp.where(
        selector, jnp.take(occ_grid_binary, safe_indices, axis=0), False
    )
    return occs, occs_binary

if __name__ == "__main__":
    import jax
    _d = setup_inputs()
    print(jax.jit(kernel)(*tuple(_d.values())))

</pallas_src>

<mosaic_0001>
#map = affine_map<(d0, d1) -> (0)>
module attributes {stable_mosaic.version = 14 : i64} {
  func.func @_occ_body(%arg0: i32, %arg1: i32, %arg2: memref<12582912xf32, #tpu.memory_space<hbm>>, %arg3: memref<2097153xi32, #tpu.memory_space<hbm>>, %arg4: memref<4194304xi32, #tpu.memory_space<hbm>>, %arg5: memref<4194304xi32, #tpu.memory_space<hbm>>, %arg6: memref<24576xf32, #tpu.memory_space<vmem>>, %arg7: memref<24576xf32, #tpu.memory_space<vmem>>, %arg8: memref<8192xi32, #tpu.memory_space<vmem>>, %arg9: memref<8192xi32, #tpu.memory_space<vmem>>, %arg10: memref<8192xi32, #tpu.memory_space<vmem>>, %arg11: memref<8192xi32, #tpu.memory_space<vmem>>, %arg12: memref<8192xi32, #tpu.memory_space<vmem>>, %arg13: memref<8192xi32, #tpu.memory_space<vmem>>, %arg14: memref<8192xi32, #tpu.memory_space<vmem>>, %arg15: memref<8192xi32, #tpu.memory_space<vmem>>, %arg16: memref<!tpu.dma_semaphore, #tpu.memory_space<semaphore_mem>>, %arg17: memref<!tpu.dma_semaphore, #tpu.memory_space<semaphore_mem>>, %arg18: memref<!tpu.dma_semaphore, #tpu.memory_space<semaphore_mem>>, %arg19: memref<!tpu.dma_semaphore, #tpu.memory_space<semaphore_mem>>) attributes {dimension_semantics = [#tpu.dimension_semantics<core_parallel>, #tpu.dimension_semantics<subcore_parallel>], iteration_bounds = array<i64: 2, 16>, scalar_prefetch = 0 : i64, scratch_operands = 14 : i64, tpu.core_type = #tpu.core_type<sc_vector_subcore>, window_params = [{transform_indices = #map}, {transform_indices = #map}, {transform_indices = #map}, {transform_indices = #map}]} {
    %mul3A = arith.constant 2 : i32
    %mul3A_0 = arith.muli %arg1, %mul3A : i32
    %add3A = arith.addi %mul3A_0, %arg0 : i32
    %mul3A_1 = arith.constant 131072 : i32
    %mul3A_2 = arith.muli %add3A, %mul3A_1 : i32
    %multiple_of3A = tpu.assume_multiple %mul3A_2, 131072 : i32
    %scan3A = arith.constant 0 : i32
    %scan3A_3 = arith.constant 0.000000e+00 : f32
    %scan3A_4 = arith.constant 2097152 : i32
    %scan3A_5 = arith.constant 2147483647 : i32
    %scan3A_6 = arith.constant 0 : i32
    %scan3A_7 = arith.constant 8 : i32
    %scan3A_8 = arith.addi %scan3A_6, %scan3A_7 : i32
    %scan3A_9 = arith.constant 1 : i32
    scf.for %scan3A_32 = %scan3A_6 to %scan3A_8 step %scan3A_9  : i32 {
      %mul3A_33 = arith.constant 2 : i32
      %mul3A_34 = arith.muli %scan3A_32, %mul3A_33 : i32
      %add3A_35 = arith.constant 0 : i32
      %add3A_36 = arith.addi %mul3A_34, %add3A_35 : i32
      %mul3A_37 = arith.constant 8192 : i32
      %mul3A_38 = arith.muli %add3A_36, %mul3A_37 : i32
      %add3A_39 = arith.addi %multiple_of3A, %mul3A_38 : i32
      %multiple_of3A_40 = tpu.assume_multiple %add3A_39, 8192 : i32
      %add3A_41 = arith.constant 0 : i32
      %add3A_42 = arith.addi %add3A_41, %multiple_of3A_40 : i32
      "tpu.region"() ({
        %run_scoped3A = tpu.sem_alloc : memref<!tpu.dma_semaphore, #tpu.memory_space<semaphore_mem>>
        %dma_start3A_855 = arith.constant 0 : i32
        %dma_start3A_856 = tpu.memref_slice %arg6[%dma_start3A_855] : memref<24576xf32, #tpu.memory_space<vmem>> -> memref<8192xf32, #tpu.memory_space<vmem>>
        %dma_start3A_857 = tpu.memref_slice %arg2[%add3A_42] : memref<12582912xf32, #tpu.memory_space<hbm>> -> memref<8192xf32, #tpu.memory_space<hbm>>
        %dma_start3A_858 = arith.constant 0 : i32
        %dma_start3A_859 = tpu.memref_slice %arg6[%dma_start3A_858] : memref<24576xf32, #tpu.memory_space<vmem>> -> memref<8192xf32, #tpu.memory_space<vmem>>
        %dma_start3A_860 = tpu.memref_slice %arg2[%add3A_42] : memref<12582912xf32, #tpu.memory_space<hbm>> -> memref<8192xf32, #tpu.memory_space<hbm>>
        tpu.enqueue_dma source(%dma_start3A_860 : memref<8192xf32, #tpu.memory_space<hbm>>) target(%dma_start3A_859 : memref<8192xf32, #tpu.memory_space<vmem>>) target_semaphore(%run_scoped3A : memref<!tpu.dma_semaphore, #tpu.memory_space<semaphore_mem>>)
        %dma_wait3A_861 = arith.constant 0 : i32
        %dma_wait3A_862 = tpu.memref_slice %arg6[%dma_wait3A_861] : memref<24576xf32, #tpu.memory_space<vmem>> -> memref<8192xf32, #tpu.memory_space<vmem>>
        %dma_wait3A_863 = tpu.memref_slice %arg2[%add3A_42] : memref<12582912xf32, #tpu.memory_space<hbm>> -> memref<8192xf32, #tpu.memory_space<hbm>>
        %dma_wait3A_864 = arith.constant 0 : i32
        %dma_wait3A_865 = tpu.memref_slice %arg6[%dma_wait3A_864] : memref<24576xf32, #tpu.memory_space<vmem>> -> memref<8192xf32, #tpu.memory_space<vmem>>
        %dma_wait3A_866 = tpu.memref_slice %arg2[%add3A_42] : memref<12582912xf32, #tpu.memory_space<hbm>> -> memref<8192xf32, #tpu.memory_space<hbm>>
        tpu.wait_dma2 semaphore(%run_scoped3A : memref<!tpu.dma_semaphore, #tpu.memory_space<semaphore_mem>>) src(%dma_wait3A_866 : memref<8192xf32, #tpu.memory_space<hbm>>) dst(%dma_wait3A_865 : memref<8192xf32, #tpu.memory_space<vmem>>)
        tpu.yield
      }) : () -> ()
      %add3A_43 = arith.constant 4194304 : i32
      %add3A_44 = arith.addi %add3A_43, %multiple_of3A_40 : i32
      "tpu.region"() ({
        %run_scoped3A = tpu.sem_alloc : memref<!tpu.dma_semaphore, #tpu.memory_space<semaphore_mem>>
        %dma_start3A_855 = arith.constant 8192 : i32
        %dma_start3A_856 = tpu.memref_slice %arg6[%dma_start3A_855] : memref<24576xf32, #tpu.memory_space<vmem>> -> memref<8192xf32, #tpu.memory_space<vmem>>
        %dma_start3A_857 = tpu.memref_slice %arg2[%add3A_44] : memref<12582912xf32, #tpu.memory_space<hbm>> -> memref<8192xf32, #tpu.memory_space<hbm>>
        %dma_start3A_858 = arith.constant 8192 : i32
        %dma_start3A_859 = tpu.memref_slice %arg6[%dma_start3A_858] : memref<24576xf32, #tpu.memory_space<vmem>> -> memref<8192xf32, #tpu.memory_space<vmem>>
        %dma_start3A_860 = tpu.memref_slice %arg2[%add3A_44] : memref<12582912xf32, #tpu.memory_space<hbm>> -> memref<8192xf32, #tpu.memory_space<hbm>>
        tpu.enqueue_dma source(%dma_start3A_860 : memref<8192xf32, #tpu.memory_space<hbm>>) target(%dma_start3A_859 : memref<8192xf32, #tpu.memory_space<vmem>>) target_semaphore(%run_scoped3A : memref<!tpu.dma_semaphore, #tpu.memory_space<semaphore_mem>>)
        %dma_wait3A_861 = arith.constant 8192 : i32
        %dma_wait3A_862 = tpu.memref_slice %arg6[%dma_wait3A_861] : memref<24576xf32, #tpu.memory_space<vmem>> -> memref<8192xf32, #tpu.memory_space<vmem>>
        %dma_wait3A_863 = tpu.memref_slice %arg2[%add3A_44] : memref<12582912xf32, #tpu.memory_space<hbm>> -> memref<8192xf32, #tpu.memory_space<hbm>>
        %dma_wait3A_864 = arith.constant 8192 : i32
        %dma_wait3A_865 = tpu.memref_slice %arg6[%dma_wait3A_864] : memref<24576xf32, #tpu.memory_space<vmem>> -> memref<8192xf32, #tpu.memory_space<vmem>>
        %dma_wait3A_866 = tpu.memref_slice %arg2[%add3A_44] : memref<12582912xf32, #tpu.memory_space<hbm>> -> memref<8192xf32, #tpu.memory_space<hbm>>
        tpu.wait_dma2 semaphore(%run_scoped3A : memref<!tpu.dma_semaphore, #tpu.memory_space<semaphore_mem>>) src(%dma_wait3A_866 : memref<8192xf32, #tpu.memory_space<hbm>>) dst(%dma_wait3A_865 : memref<8192xf32, #tpu.memory_space<vmem>>)
        tpu.yield
      }) : () -> ()
      %add3A_45 = arith.constant 8388608 : i32
      %add3A_46 = arith.addi %add3A_45, %multiple_of3A_40 : i32
      "tpu.region"() ({
        %run_scoped3A = tpu.sem_alloc : memref<!tpu.dma_semaphore, #tpu.memory_space<semaphore_mem>>
        %dma_start3A_855 = arith.constant 16384 : i32
        %dma_start3A_856 = tpu.memref_slice %arg6[%dma_start3A_855] : memref<24576xf32, #tpu.memory_space<vmem>> -> memref<8192xf32, #tpu.memory_space<vmem>>
        %dma_start3A_857 = tpu.memref_slice %arg2[%add3A_46] : memref<12582912xf32, #tpu.memory_space<hbm>> -> memref<8192xf32, #tpu.memory_space<hbm>>
        %dma_start3A_858 = arith.constant 16384 : i32
        %dma_start3A_859 = tpu.memref_slice %arg6[%dma_start3A_858] : memref<24576xf32, #tpu.memory_space<vmem>> -> memref<8192xf32, #tpu.memory_space<vmem>>
        %dma_start3A_860 = tpu.memref_slice %arg2[%add3A_46] : memref<12582912xf32, #tpu.memory_space<hbm>> -> memref<8192xf32, #tpu.memory_space<hbm>>
        tpu.enqueue_dma source(%dma_start3A_860 : memref<8192xf32, #tpu.memory_space<hbm>>) target(%dma_start3A_859 : memref<8192xf32, #tpu.memory_space<vmem>>) target_semaphore(%run_scoped3A : memref<!tpu.dma_semaphore, #tpu.memory_space<semaphore_mem>>)
        %dma_wait3A_861 = arith.constant 16384 : i32
        %dma_wait3A_862 = tpu.memref_slice %arg6[%dma_wait3A_861] : memref<24576xf32, #tpu.memory_space<vmem>> -> memref<8192xf32, #tpu.memory_space<vmem>>
        %dma_wait3A_863 = tpu.memref_slice %arg2[%add3A_46] : memref<12582912xf32, #tpu.memory_space<hbm>> -> memref<8192xf32, #tpu.memory_space<hbm>>
        %dma_wait3A_864 = arith.constant 16384 : i32
        %dma_wait3A_865 = tpu.memref_slice %arg6[%dma_wait3A_864] : memref<24576xf32, #tpu.memory_space<vmem>> -> memref<8192xf32, #tpu.memory_space<vmem>>
        %dma_wait3A_866 = tpu.memref_slice %arg2[%add3A_46] : memref<12582912xf32, #tpu.memory_space<hbm>> -> memref<8192xf32, #tpu.memory_space<hbm>>
        tpu.wait_dma2 semaphore(%run_scoped3A : memref<!tpu.dma_semaphore, #tpu.memory_space<semaphore_mem>>) src(%dma_wait3A_866 : memref<8192xf32, #tpu.memory_space<hbm>>) dst(%dma_wait3A_865 : memref<8192xf32, #tpu.memory_space<vmem>>)
        tpu.yield
      }) : () -> ()
      %scan3A_47 = arith.constant 0 : i32
      %scan3A_48 = arith.constant 0 : i32
      %scan3A_49 = arith.constant 512 : i32
      %scan3A_50 = arith.addi %scan3A_48, %scan3A_49 : i32
      %scan3A_51 = arith.constant 1 : i32
      scf.for %scan3A_855 = %scan3A_48 to %scan3A_50 step %scan3A_51  : i32 {
        %mul3A_856 = arith.constant 16 : i32
        %mul3A_857 = arith.muli %scan3A_855, %mul3A_856 : i32
        %get3A = arith.index_cast %mul3A_857 : i32 to index
        %get3A_858 = tpu.vector_load %arg6[%get3A] {strides = array<i32>} : memref<24576xf32, #tpu.memory_space<vmem>>, vector<16xf32>,
        %add3A_859 = arith.constant 8192 : i32
        %add3A_860 = arith.addi %add3A_859, %mul3A_857 : i32
        %get3A_861 = arith.index_cast %add3A_860 : i32 to index
        %get3A_862 = tpu.vector_load %arg6[%get3A_861] {strides = array<i32>} : memref<24576xf32, #tpu.memory_space<vmem>>, vector<16xf32>,
        %add3A_863 = arith.constant 16384 : i32
        %add3A_864 = arith.addi %add3A_863, %mul3A_857 : i32
        %get3A_865 = arith.index_cast %add3A_864 : i32 to index
        %get3A_866 = tpu.vector_load %arg6[%get3A_865] {strides = array<i32>} : memref<24576xf32, #tpu.memory_space<vmem>>, vector<16xf32>,
        %mul3A_867 = arith.constant 1.280000e+02 : f32
        %mul3A_868 = vector.broadcast %mul3A_867 : f32 to vector<16xf32>
        %mul3A_869 = arith.mulf %get3A_858, %mul3A_868 : vector<16xf32>
        %convert_element_type3A_870 = arith.fptosi %mul3A_869 : vector<16xf32> to vector<16xi32>
        %mul3A_871 = arith.constant 1.280000e+02 : f32
        %mul3A_872 = vector.broadcast %mul3A_871 : f32 to vector<16xf32>
        %mul3A_873 = arith.mulf %get3A_862, %mul3A_872 : vector<16xf32>
        %convert_element_type3A_874 = arith.fptosi %mul3A_873 : vector<16xf32> to vector<16xi32>
        %mul3A_875 = arith.constant 1.280000e+02 : f32
        %mul3A_876 = vector.broadcast %mul3A_875 : f32 to vector<16xf32>
        %mul3A_877 = arith.mulf %get3A_866, %mul3A_876 : vector<16xf32>
        %convert_element_type3A_878 = arith.fptosi %mul3A_877 : vector<16xf32> to vector<16xi32>
        %gt3A = vector.broadcast %scan3A_3 : f32 to vector<16xf32>
        %gt3A_879 = arith.cmpf ogt, %get3A_858, %gt3A : vector<16xf32>
        %gt3A_880 = vector.broadcast %scan3A_3 : f32 to vector<16xf32>
        %gt3A_881 = arith.cmpf ogt, %get3A_862, %gt3A_880 : vector<16xf32>
        %and3A = arith.andi %gt3A_879, %gt3A_881 : vector<16xi1>
        %gt3A_882 = vector.broadcast %scan3A_3 : f32 to vector<16xf32>
        %gt3A_883 = arith.cmpf ogt, %get3A_866, %gt3A_882 : vector<16xf32>
        %and3A_884 = arith.andi %and3A, %gt3A_883 : vector<16xi1>
        %shift_left3A = arith.constant 14 : i32
        %shift_left3A_885 = vector.broadcast %shift_left3A : i32 to vector<16xi32>
        %shift_left3A_886 = arith.shli %convert_element_type3A_870, %shift_left3A_885 : vector<16xi32>
        %shift_left3A_887 = arith.constant 7 : i32
        %shift_left3A_888 = vector.broadcast %shift_left3A_887 : i32 to vector<16xi32>
        %shift_left3A_889 = arith.shli %convert_element_type3A_874, %shift_left3A_888 : vector<16xi32>
        %add3A_890 = arith.addi %shift_left3A_886, %shift_left3A_889 : vector<16xi32>
        %add3A_891 = arith.addi %add3A_890, %convert_element_type3A_878 : vector<16xi32>
        %broadcast_in_dim3A = vector.broadcast %scan3A_4 : i32 to vector<16xi32>
        %select_n3A = arith.select %and3A_884, %add3A_891, %broadcast_in_dim3A : vector<16xi1>, vector<16xi32>
        %swap3A = arith.index_cast %mul3A_857 : i32 to index
        %swap3A_892 = tpu.vector_load %arg8[%swap3A] {strides = array<i32>} : memref<8192xi32, #tpu.memory_space<vmem>>, vector<16xi32>,
        tpu.vector_store %arg8[%swap3A], %select_n3A {strides = array<i32>} : memref<8192xi32, #tpu.memory_space<vmem>>, vector<16xi32>,
      }
      %scan3A_52 = arith.constant 512 : i32
      %ge3A = arith.constant 2 : i32
      %ge3A_53 = arith.cmpi sge, %add3A_36, %ge3A : i32
      %convert_element_type3A = arith.extui %ge3A_53 : i1 to i32
      %cond3A = arith.constant 0 : i32
      %cond3A_54 = arith.cmpi ne, %convert_element_type3A, %cond3A : i32
      scf.if %cond3A_54 {
        %dma_wait3A_855 = arith.constant 0 : i32
        %dma_wait3A_856 = tpu.memref_slice %arg4[%dma_wait3A_855] : memref<4194304xi32, #tpu.memory_space<hbm>> -> memref<8192xi32, #tpu.memory_space<hbm>>
        %dma_wait3A_857 = arith.constant 0 : i32
        %dma_wait3A_858 = tpu.memref_slice %arg4[%dma_wait3A_857] : memref<4194304xi32, #tpu.memory_space<hbm>> -> memref<8192xi32, #tpu.memory_space<hbm>>
        tpu.wait_dma2 semaphore(%arg18 : memref<!tpu.dma_semaphore, #tpu.memory_space<semaphore_mem>>) src(%arg12 : memref<8192xi32, #tpu.memory_space<vmem>>) dst(%dma_wait3A_858 : memref<8192xi32, #tpu.memory_space<hbm>>)
        %dma_wait3A_859 = arith.constant 0 : i32
        %dma_wait3A_860 = tpu.memref_slice %arg5[%dma_wait3A_859] : memref<4194304xi32, #tpu.memory_space<hbm>> -> memref<8192xi32, #tpu.memory_space<hbm>>
        %dma_wait3A_861 = arith.constant 0 : i32
        %dma_wait3A_862 = tpu.memref_slice %arg5[%dma_wait3A_861] : memref<4194304xi32, #tpu.memory_space<hbm>> -> memref<8192xi32, #tpu.memory_space<hbm>>
        tpu.wait_dma2 semaphore(%arg18 : memref<!tpu.dma_semaphore, #tpu.memory_space<semaphore_mem>>) src(%arg14 : memref<8192xi32, #tpu.memory_space<vmem>>) dst(%dma_wait3A_862 : memref<8192xi32, #tpu.memory_space<hbm>>)
      } else {
      }
      %dma_start3A = arith.constant 0 : i32
      %dma_start3A_55 = tpu.memref_slice %arg10[%dma_start3A] : memref<8192xi32, #tpu.memory_space<vmem>> -> memref<128xi32, #tpu.memory_space<vmem>>
      %dma_start3A_56 = arith.constant 0 : i32
      %dma_start3A_57 = tpu.memref_slice %arg8[%dma_start3A_56] : memref<8192xi32, #tpu.memory_space<vmem>> -> memref<128xi32, #tpu.memory_space<vmem>>
      %dma_start3A_58 = arith.constant 0 : i32
      %dma_start3A_59 = tpu.memref_slice %arg3[%dma_start3A_58] : memref<2097153xi32, #tpu.memory_space<hbm>> -> memref<2097153xi32, #tpu.memory_space<hbm>>
      tpu.enqueue_indirect_dma source(%dma_start3A_59 : memref<2097153xi32, #tpu.memory_space<hbm>>) target(%dma_start3A_55 : memref<128xi32, #tpu.memory_space<vmem>>) offsets(%dma_start3A_57 : memref<128xi32, #tpu.memory_space<vmem>>) semaphore(%arg16 : memref<!tpu.dma_semaphore, #tpu.memory_space<semaphore_mem>>)
      %dma_start3A_60 = arith.constant 128 : i32
      %dma_start3A_61 = tpu.memref_slice %arg10[%dma_start3A_60] : memref<8192xi32, #tpu.memory_space<vmem>> -> memref<128xi32, #tpu.memory_space<vmem>>
      %dma_start3A_62 = arith.constant 128 : i32
      %dma_start3A_63 = tpu.memref_slice %arg8[%dma_start3A_62] : memref<8192xi32, #tpu.memory_space<vmem>> -> memref<128xi32, #tpu.memory_space<vmem>>
      %dma_start3A_64 = arith.constant 0 : i32
      %dma_start3A_65 = tpu.memref_slice %arg3[%dma_start3A_64] : memref<2097153xi32, #tpu.memory_space<hbm>> -> memref<2097153xi32, #tpu.memory_space<hbm>>
      tpu.enqueue_indirect_dma source(%dma_start3A_65 : memref<2097153xi32, #tpu.memory_space<hbm>>) target(%dma_start3A_61 : memref<128xi32, #tpu.memory_space<vmem>>) offsets(%dma_start3A_63 : memref<128xi32, #tpu.memory_space<vmem>>) semaphore(%arg16 : memref<!tpu.dma_semaphore, #tpu.memory_space<semaphore_mem>>)
      %dma_start3A_66 = arith.constant 256 : i32
      %dma_start3A_67 = tpu.memref_slice %arg10[%dma_start3A_66] : memref<8192xi32, #tpu.memory_space<vmem>> -> memref<128xi32, #tpu.memory_space<vmem>>
      %dma_start3A_68 = arith.constant 256 : i32
      %dma_start3A_69 = tpu.memref_slice %arg8[%dma_start3A_68] : memref<8192xi32, #tpu.memory_space<vmem>> -> memref<128xi32, #tpu.memory_space<vmem>>
      %dma_start3A_70 = arith.constant 0 : i32
      %dma_start3A_71 = tpu.memref_slice %arg3[%dma_start3A_70] : memref<2097153xi32, #tpu.memory_space<hbm>> -> memref<2097153xi32, #tpu.memory_space<hbm>>
      tpu.enqueue_indirect_dma source(%dma_start3A_71 : memref<2097153xi32, #tpu.memory_space<hbm>>) target(%dma_start3A_67 : memref<128xi32, #tpu.memory_space<vmem>>) offsets(%dma_start3A_69 : memref<128xi32, #tpu.memory_space<vmem>>) semaphore(%arg16 : memref<!tpu.dma_semaphore, #tpu.memory_space<semaphore_mem>>)
      %dma_start3A_72 = arith.constant 384 : i32
      %dma_start3A_73 = tpu.memref_slice %arg10[%dma_start3A_72] : memref<8192xi32, #tpu.memory_space<vmem>> -> memref<128xi32, #tpu.memory_space<vmem>>
      %dma_start3A_74 = arith.constant 384 : i32
      %dma_start3A_75 = tpu.memref_slice %arg8[%dma_start3A_74] : memref<8192xi32, #tpu.memory_space<vmem>> -> memref<128xi32, #tpu.memory_space<vmem>>
      %dma_start3A_76 = arith.constant 0 : i32
      %dma_start3A_77 = tpu.memref_slice %arg3[%dma_start3A_76] : memref<2097153xi32, #tpu.memory_space<hbm>> -> memref<2097153xi32, #tpu.memory_space<hbm>>
      tpu.enqueue_indirect_dma source(%dma_start3A_77 : memref<2097153xi32, #tpu.memory_space<hbm>>) target(%dma_start3A_73 : memref<128xi32, #tpu.memory_space<vmem>>) offsets(%dma_start3A_75 : memref<128xi32, #tpu.memory_space<vmem>>) semaphore(%arg16 : memref<!tpu.dma_semaphore, #tpu.memory_space<semaphore_mem>>)
      %dma_start3A_78 = arith.constant 512 : i32
      %dma_start3A_79 = tpu.memref_slice %arg10[%dma_start3A_78] : memref<8192xi32, #tpu.memory_space<vmem>> -> memref<128xi32, #tpu.memory_space<vmem>>
      %dma_start3A_80 = arith.constant 512 : i32
      %dma_start3A_81 = tpu.memref_slice %arg8[%dma_start3A_80] : memref<8192xi32, #tpu.memory_space<vmem>> -> memref<128xi32, #tpu.memory_space<vmem>>
      %dma_start3A_82 = arith.constant 0 : i32
      %dma_start3A_83 = tpu.memref_slice %arg3[%dma_start3A_82] : memref<2097153xi32, #tpu.memory_space<hbm>> -> memref<2097153xi32, #tpu.memory_space<hbm>>
      tpu.enqueue_indirect_dma source(%dma_start3A_83 : memref<2097153xi32, #tpu.memory_space<hbm>>) target(%dma_start3A_79 : memref<128xi32, #tpu.memory_space<vmem>>) offsets(%dma_start3A_81 : memref<128xi32, #tpu.memory_space<vmem>>) semaphore(%arg16 : memref<!tpu.dma_semaphore, #tpu.memory_space<semaphore_mem>>)
      %dma_start3A_84 = arith.constant 640 : i32
      %dma_start3A_85 = tpu.memref_slice %arg10[%dma_start3A_84] : memref<8192xi32, #tpu.memory_space<vmem>> -> memref<128xi32, #tpu.memory_space<vmem>>
      %dma_start3A_86 = arith.constant 640 : i32
      %dma_start3A_87 = tpu.memref_slice %arg8[%dma_start3A_86] : memref<8192xi32, #tpu.memory_space<vmem>> -> memref<128xi32, #tpu.memory_space<vmem>>
      %dma_start3A_88 = arith.constant 0 : i32
      %dma_start3A_89 = tpu.memref_slice %arg3[%dma_start3A_88] : memref<2097153xi32, #tpu.memory_space<hbm>> -> memref<2097153xi32, #tpu.memory_space<hbm>>
      tpu.enqueue_indirect_dma source(%dma_start3A_89 : memref<2097153xi32, #tpu.memory_space<hbm>>) target(%dma_start3A_85 : memref<128xi32, #tpu.memory_space<vmem>>) offsets(%dma_start3A_87 : memref<128xi32, #tpu.memory_space<vmem>>) semaphore(%arg16 : memref<!tpu.dma_semaphore, #tpu.memory_space<semaphore_mem>>)
      %dma_start3A_90 = arith.constant 768 : i32
      %dma_start3A_91 = tpu.memref_slice %arg10[%dma_start3A_90] : memref<8192xi32, #tpu.memory_space<vmem>> -> memref<128xi32, #tpu.memory_space<vmem>>
      %dma_start3A_92 = arith.constant 768 : i32
      %dma_start3A_93 = tpu.memref_slice %arg8[%dma_start3A_92] : memref<8192xi32, #tpu.memory_space<vmem>> -> memref<128xi32, #tpu.memory_space<vmem>>
      %dma_start3A_94 = arith.constant 0 : i32
      %dma_start3A_95 = tpu.memref_slice %arg3[%dma_start3A_94] : memref<2097153xi32, #tpu.memory_space<hbm>> -> memref<2097153xi32, #tpu.memory_space<hbm>>
      tpu.enqueue_indirect_dma source(%dma_start3A_95 : memref<2097153xi32, #tpu.memory_space<hbm>>) target(%dma_start3A_91 : memref<128xi32, #tpu.memory_space<vmem>>) offsets(%dma_start3A_93 : memref<128xi32, #tpu.memory_space<vmem>>) semaphore(%arg16 : memref<!tpu.dma_semaphore, #tpu.memory_space<semaphore_mem>>)
      %dma_start3A_96 = arith.constant 896 : i32
      %dma_start3A_97 = tpu.memref_slice %arg10[%dma_start3A_96] : memref<8192xi32, #tpu.memory_space<vmem>> -> memref<128xi32, #tpu.memory_space<vmem>>
      %dma_start3A_98 = arith.constant 896 : i32
      %dma_start3A_99 = tpu.memref_slice %arg8[%dma_start3A_98] : memref<8192xi32, #tpu.memory_space<vmem>> -> memref<128xi32, #tpu.memory_space<vmem>>
      %dma_start3A_100 = arith.constant 0 : i32
      %dma_start3A_101 = tpu.memref_slice %arg3[%dma_start3A_100] : memref<2097153xi32, #tpu.memory_space<hbm>> -> memref<2097153xi32, #tpu.memory_space<hbm>>
      tpu.enqueue_indirect_dma source(%dma_start3A_101 : memref<2097153xi32, #tpu.memory_space<hbm>>) target(%dma_start3A_97 : memref<128xi32, #tpu.memory_space<vmem>>) offsets(%dma_start3A_99 : memref<128xi32, #tpu.memory_space<vmem>>) semaphore(%arg16 : memref<!tpu.dma_semaphore, #tpu.memory_space<semaphore_mem>>)
      %dma_start3A_102 = arith.constant 1024 : i32
      %dma_start3A_103 = tpu.memref_slice %arg10[%dma_start3A_102] : memref<8192xi32, #tpu.memory_space<vmem>> -> memref<128xi32, #tpu.memory_space<vmem>>
      %dma_start3A_104 = arith.constant 1024 : i32
      %dma_start3A_105 = tpu.memref_slice %arg8[%dma_start3A_104] : memref<8192xi32, #tpu.memory_space<vmem>> -> memref<128xi32, #tpu.memory_space<vmem>>
      %dma_start3A_106 = arith.constant 0 : i32
      %dma_start3A_107 = tpu.memref_slice %arg3[%dma_start3A_106] : memref<2097153xi32, #tpu.memory_space<hbm>> -> memref<2097153xi32, #tpu.memory_space<hbm>>
      tpu.enqueue_indirect_dma source(%dma_start3A_107 : memref<2097153xi32, #tpu.memory_space<hbm>>) target(%dma_start3A_103 : memref<128xi32, #tpu.memory_space<vmem>>) offsets(%dma_start3A_105 : memref<128xi32, #tpu.memory_space<vmem>>) semaphore(%arg16 : memref<!tpu.dma_semaphore, #tpu.memory_space<semaphore_mem>>)
      %dma_start3A_108 = arith.constant 1152 : i32
      %dma_start3A_109 = tpu.memref_slice %arg10[%dma_start3A_108] : memref<8192xi32, #tpu.memory_space<vmem>> -> memref<128xi32, #tpu.memory_space<vmem>>
      %dma_start3A_110 = arith.constant 1152 : i32
      %dma_start3A_111 = tpu.memref_slice %arg8[%dma_start3A_110] : memref<8192xi32, #tpu.memory_space<vmem>> -> memref<128xi32, #tpu.memory_space<vmem>>
      %dma_start3A_112 = arith.constant 0 : i32
      %dma_start3A_113 = tpu.memref_slice %arg3[%dma_start3A_112] : memref<2097153xi32, #tpu.memory_space<hbm>> -> memref<2097153xi32, #tpu.memory_space<hbm>>
      tpu.enqueue_indirect_dma source(%dma_start3A_113 : memref<2097153xi32, #tpu.memory_space<hbm>>) target(%dma_start3A_109 : memref<128xi32, #tpu.memory_space<vmem>>) offsets(%dma_start3A_111 : memref<128xi32, #tpu.memory_space<vmem>>) semaphore(%arg16 : memref<!tpu.dma_semaphore, #tpu.memory_space<semaphore_mem>>)
      %dma_start3A_114 = arith.constant 1280 : i32
      %dma_start3A_115 = tpu.memref_slice %arg10[%dma_start3A_114] : memref<8192xi32, #tpu.memory_space<vmem>> -> memref<128xi32, #tpu.memory_space<vmem>>
      %dma_start3A_116 = arith.constant 1280 : i32
      %dma_start3A_117 = tpu.memref_slice %arg8[%dma_start3A_116] : memref<8192xi32, #tpu.memory_space<vmem>> -> memref<128xi32, #tpu.memory_space<vmem>>
      %dma_start3A_118 = arith.constant 0 : i32
      %dma_start3A_119 = tpu.memref_slice %arg3[%dma_start3A_118] : memref<2097153xi32, #tpu.memory_space<hbm>> -> memref<2097153xi32, #tpu.memory_space<hbm>>
      tpu.enqueue_indirect_dma source(%dma_start3A_119 : memref<2097153xi32, #tpu.memory_space<hbm>>) target(%dma_start3A_115 : memref<128xi32, #tpu.memory_space<vmem>>) offsets(%dma_start3A_117 : memref<128xi32, #tpu.memory_space<vmem>>) semaphore(%arg16 : memref<!tpu.dma_semaphore, #tpu.memory_space<semaphore_mem>>)
      %dma_start3A_120 = arith.constant 1408 : i32
      %dma_start3A_121 = tpu.memref_slice %arg10[%dma_start3A_120] : memref<8192xi32, #tpu.memory_space<vmem>> -> memref<128xi32, #tpu.memory_space<vmem>>
      %dma_start3A_122 = arith.constant 1408 : i32
      %dma_start3A_123 = tpu.memref_slice %arg8[%dma_start3A_122] : memref<8192xi32, #tpu.memory_space<vmem>> -> memref<128xi32, #tpu.memory_space<vmem>>
      %dma_start3A_124 = arith.constant 0 : i32
      %dma_start3A_125 = tpu.memref_slice %arg3[%dma_start3A_124] : memref<2097153xi32, #tpu.memory_space<hbm>> -> memref<2097153xi32, #tpu.memory_space<hbm>>
      tpu.enqueue_indirect_dma source(%dma_start3A_125 : memref<2097153xi32, #tpu.memory_space<hbm>>) target(%dma_start3A_121 : memref<128xi32, #tpu.memory_space<vmem>>) offsets(%dma_start3A_123 : memref<128xi32, #tpu.memory_space<vmem>>) semaphore(%arg16 : memref<!tpu.dma_semaphore, #tpu.memory_space<semaphore_mem>>)
      %dma_start3A_126 = arith.constant 1536 : i32
      %dma_start3A_127 = tpu.memref_slice %arg10[%dma_start3A_126] : memref<8192xi32, #tpu.memory_space<vmem>> -> memref<128xi32, #tpu.memory_space<vmem>>
      %dma_start3A_128 = arith.constant 1536 : i32
      %dma_start3A_129 = tpu.memref_slice %arg8[%dma_start3A_128] : memref<8192xi32, #tpu.memory_space<vmem>> -> memref<128xi32, #tpu.memory_space<vmem>>
      %dma_start3A_130 = arith.constant 0 : i32
      %dma_start3A_131 = tpu.memref_slice %arg3[%dma_start3A_130] : memref<2097153xi32, #tpu.memory_space<hbm>> -> memref<2097153xi32, #tpu.memory_space<hbm>>
      tpu.enqueue_indirect_dma source(%dma_start3A_131 : memref<2097153xi32, #tpu.memory_space<hbm>>) target(%dma_start3A_127 : memref<128xi32, #tpu.memory_space<vmem>>) offsets(%dma_start3A_129 : memref<128xi32, #tpu.memory_space<vmem>>) semaphore(%arg16 : memref<!tpu.dma_semaphore, #tpu.memory_space<semaphore_mem>>)
      %dma_start3A_132 = arith.constant 1664 : i32
      %dma_start3A_133 = tpu.memref_slice %arg10[%dma_start3A_132] : memref<8192xi32, #tpu.memory_space<vmem>> -> memref<128xi32, #tpu.memory_space<vmem>>
      %dma_start3A_134 = arith.constant 1664 : i32
      %dma_start3A_135 = tpu.memref_slice %arg8[%dma_start3A_134] : memref<8192xi32, #tpu.memory_space<vmem>> -> memref<128xi32, #tpu.memory_space<vmem>>
      %dma_start3A_136 = arith.constant 0 : i32
      %dma_start3A_137 = tpu.memref_slice %arg3[%dma_start3A_136] : memref<2097153xi32, #tpu.memory_space<hbm>> -> memref<2097153xi32, #tpu.memory_space<hbm>>
      tpu.enqueue_indirect_dma source(%dma_start3A_137 : memref<2097153xi32, #tpu.memory_space<hbm>>) target(%dma_start3A_133 : memref<128xi32, #tpu.memory_space<vmem>>) offsets(%dma_start3A_135 : memref<128xi32, #tpu.memory_space<vmem>>) semaphore(%arg16 : memref<!tpu.dma_semaphore, #tpu.memory_space<semaphore_mem>>)
      %dma_start3A_138 = arith.constant 1792 : i32
      %dma_start3A_139 = tpu.memref_slice %arg10[%dma_start3A_138] : memref<8192xi32, #tpu.memory_space<vmem>> -> memref<128xi32, #tpu.memory_space<vmem>>
      %dma_start3A_140 = arith.constant 1792 : i32
      %dma_start3A_141 = tpu.memref_slice %arg8[%dma_start3A_140] : memref<8192xi32, #tpu.memory_space<vmem>> -> memref<128xi32, #tpu.memory_space<vmem>>
      %dma_start3A_142 = arith.constant 0 : i32
      %dma_start3A_143 = tpu.memref_slice %arg3[%dma_start3A_142] : memref<2097153xi32, #tpu.memory_space<hbm>> -> memref<2097153xi32, #tpu.memory_space<hbm>>
      tpu.enqueue_indirect_dma source(%dma_start3A_143 : memref<2097153xi32, #tpu.memory_space<hbm>>) target(%dma_start3A_139 : memref<128xi32, #tpu.memory_space<vmem>>) offsets(%dma_start3A_141 : memref<128xi32, #tpu.memory_space<vmem>>) semaphore(%arg16 : memref<!tpu.dma_semaphore, #tpu.memory_space<semaphore_mem>>)
      %dma_start3A_144 = arith.constant 1920 : i32
      %dma_start3A_145 = tpu.memref_slice %arg10[%dma_start3A_144] : memref<8192xi32, #tpu.memory_space<vmem>> -> memref<128xi32, #tpu.memory_space<vmem>>
      %dma_start3A_146 = arith.constant 1920 : i32
      %dma_start3A_147 = tpu.memref_slice %arg8[%dma_start3A_146] : memref<8192xi32, #tpu.memory_space<vmem>> -> memref<128xi32, #tpu.memory_space<vmem>>
      %dma_start3A_148 = arith.constant 0 : i32
      %dma_start3A_149 = tpu.memref_slice %arg3[%dma_start3A_148] : memref<2097153xi32, #tpu.memory_space<hbm>> -> memref<2097153xi32, #tpu.memory_space<hbm>>
      tpu.enqueue_indirect_dma source(%dma_start3A_149 : memref<2097153xi32, #tpu.memory_space<hbm>>) target(%dma_start3A_145 : memref<128xi32, #tpu.memory_space<vmem>>) offsets(%dma_start3A_147 : memref<128xi32, #tpu.memory_space<vmem>>) semaphore(%arg16 : memref<!tpu.dma_semaphore, #tpu.memory_space<semaphore_mem>>)
      %dma_start3A_150 = arith.constant 2048 : i32
      %dma_start3A_151 = tpu.memref_slice %arg10[%dma_start3A_150] : memref<8192xi32, #tpu.memory_space<vmem>> -> memref<128xi32, #tpu.memory_space<vmem>>
      %dma_start3A_152 = arith.constant 2048 : i32
      %dma_start3A_153 = tpu.memref_slice %arg8[%dma_start3A_152] : memref<8192xi32, #tpu.memory_space<vmem>> -> memref<128xi32, #tpu.memory_space<vmem>>
      %dma_start3A_154 = arith.constant 0 : i32
      %dma_start3A_155 = tpu.memref_slice %arg3[%dma_start3A_154] : memref<2097153xi32, #tpu.memory_space<hbm>> -> memref<2097153xi32, #tpu.memory_space<hbm>>
      tpu.enqueue_indirect_dma source(%dma_start3A_155 : memref<2097153xi32, #tpu.memory_space<hbm>>) target(%dma_start3A_151 : memref<128xi32, #tpu.memory_space<vmem>>) offsets(%dma_start3A_153 : memref<128xi32, #tpu.memory_space<vmem>>) semaphore(%arg16 : memref<!tpu.dma_semaphore, #tpu.memory_space<semaphore_mem>>)
      %dma_start3A_156 = arith.constant 2176 : i32
      %dma_start3A_157 = tpu.memref_slice %arg10[%dma_start3A_156] : memref<8192xi32, #tpu.memory_space<vmem>> -> memref<128xi32, #tpu.memory_space<vmem>>
      %dma_start3A_158 = arith.constant 2176 : i32
      %dma_start3A_159 = tpu.memref_slice %arg8[%dma_start3A_158] : memref<8192xi32, #tpu.memory_space<vmem>> -> memref<128xi32, #tpu.memory_space<vmem>>
      %dma_start3A_160 = arith.constant 0 : i32
      %dma_start3A_161 = tpu.memref_slice %arg3[%dma_start3A_160] : memref<2097153xi32, #tpu.memory_space<hbm>> -> memref<2097153xi32, #tpu.memory_space<hbm>>
      tpu.enqueue_indirect_dma source(%dma_start3A_161 : memref<2097153xi32, #tpu.memory_space<hbm>>) target(%dma_start3A_157 : memref<128xi32, #tpu.memory_space<vmem>>) offsets(%dma_start3A_159 : memref<128xi32, #tpu.memory_space<vmem>>) semaphore(%arg16 : memref<!tpu.dma_semaphore, #tpu.memory_space<semaphore_mem>>)
      %dma_start3A_162 = arith.constant 2304 : i32
      %dma_start3A_163 = tpu.memref_slice %arg10[%dma_start3A_162] : memref<8192xi32, #tpu.memory_space<vmem>> -> memref<128xi32, #tpu.memory_space<vmem>>
      %dma_start3A_164 = arith.constant 2304 : i32
      %dma_start3A_165 = tpu.memref_slice %arg8[%dma_start3A_164] : memref<8192xi32, #tpu.memory_space<vmem>> -> memref<128xi32, #tpu.memory_space<vmem>>
      %dma_start3A_166 = arith.constant 0 : i32
      %dma_start3A_167 = tpu.memref_slice %arg3[%dma_start3A_166] : memref<2097153xi32, #tpu.memory_space<hbm>> -> memref<2097153xi32, #tpu.memory_space<hbm>>
      tpu.enqueue_indirect_dma source(%dma_start3A_167 : memref<2097153xi32, #tpu.memory_space<hbm>>) target(%dma_start3A_163 : memref<128xi32, #tpu.memory_space<vmem>>) offsets(%dma_start3A_165 : memref<128xi32, #tpu.memory_space<vmem>>) semaphore(%arg16 : memref<!tpu.dma_semaphore, #tpu.memory_space<semaphore_mem>>)
      %dma_start3A_168 = arith.constant 2432 : i32
      %dma_start3A_169 = tpu.memref_slice %arg10[%dma_start3A_168] : memref<8192xi32, #tpu.memory_space<vmem>> -> memref<128xi32, #tpu.memory_space<vmem>>
      %dma_start3A_170 = arith.constant 2432 : i32
      %dma_start3A_171 = tpu.memref_slice %arg8[%dma_start3A_170] : memref<8192xi32, #tpu.memory_space<vmem>> -> memref<128xi32, #tpu.memory_space<vmem>>
      %dma_start3A_172 = arith.constant 0 : i32
      %dma_start3A_173 = tpu.memref_slice %arg3[%dma_start3A_172] : memref<2097153xi32, #tpu.memory_space<hbm>> -> memref<2097153xi32, #tpu.memory_space<hbm>>
      tpu.enqueue_indirect_dma source(%dma_start3A_173 : memref<2097153xi32, #tpu.memory_space<hbm>>) target(%dma_start3A_169 : memref<128xi32, #tpu.memory_space<vmem>>) offsets(%dma_start3A_171 : memref<128xi32, #tpu.memory_space<vmem>>) semaphore(%arg16 : memref<!tpu.dma_semaphore, #tpu.memory_space<semaphore_mem>>)
      %dma_start3A_174 = arith.constant 2560 : i32
      %dma_start3A_175 = tpu.memref_slice %arg10[%dma_start3A_174] : memref<8192xi32, #tpu.memory_space<vmem>> -> memref<128xi32, #tpu.memory_space<vmem>>
      %dma_start3A_176 = arith.constant 2560 : i32
      %dma_start3A_177 = tpu.memref_slice %arg8[%dma_start3A_176] : memref<8192xi32, #tpu.memory_space<vmem>> -> memref<128xi32, #tpu.memory_space<vmem>>
      %dma_start3A_178 = arith.constant 0 : i32
      %dma_start3A_179 = tpu.memref_slice %arg3[%dma_start3A_178] : memref<2097153xi32, #tpu.memory_space<hbm>> -> memref<2097153xi32, #tpu.memory_space<hbm>>
      tpu.enqueue_indirect_dma source(%dma_start3A_179 : memref<2097153xi32, #tpu.memory_space<hbm>>) target(%dma_start3A_175 : memref<128xi32, #tpu.memory_space<vmem>>) offsets(%dma_start3A_177 : memref<128xi32, #tpu.memory_space<vmem>>) semaphore(%arg16 : memref<!tpu.dma_semaphore, #tpu.memory_space<semaphore_mem>>)
      %dma_start3A_180 = arith.constant 2688 : i32
      %dma_start3A_181 = tpu.memref_slice %arg10[%dma_start3A_180] : memref<8192xi32, #tpu.memory_space<vmem>> -> memref<128xi32, #tpu.memory_space<vmem>>
      %dma_start3A_182 = arith.constant 2688 : i32
      %dma_start3A_183 = tpu.memref_slice %arg8[%dma_start3A_182] : memref<8192xi32, #tpu.memory_space<vmem>> -> memref<128xi32, #tpu.memory_space<vmem>>
      %dma_start3A_184 = arith.constant 0 : i32
      %dma_start3A_185 = tpu.memref_slice %arg3[%dma_start3A_184] : memref<2097153xi32, #tpu.memory_space<hbm>> -> memref<2097153xi32, #tpu.memory_space<hbm>>
      tpu.enqueue_indirect_dma source(%dma_start3A_185 : memref<2097153xi32, #tpu.memory_space<hbm>>) target(%dma_start3A_181 : memref<128xi32, #tpu.memory_space<vmem>>) offsets(%dma_start3A_183 : memref<128xi32, #tpu.memory_space<vmem>>) semaphore(%arg16 : memref<!tpu.dma_semaphore, #tpu.memory_space<semaphore_mem>>)
      %dma_start3A_186 = arith.constant 2816 : i32
      %dma_start3A_187 = tpu.memref_slice %arg10[%dma_start3A_186] : memref<8192xi32, #tpu.memory_space<vmem>> -> memref<128xi32, #tpu.memory_space<vmem>>
      %dma_start3A_188 = arith.constant 2816 : i32
      %dma_start3A_189 = tpu.memref_slice %arg8[%dma_start3A_188] : memref<8192xi32, #tpu.memory_space<vmem>> -> memref<128xi32, #tpu.memory_space<vmem>>
      %dma_start3A_190 = arith.constant 0 : i32
      %dma_start3A_191 = tpu.memref_slice %arg3[%dma_start3A_190] : memref<2097153xi32, #tpu.memory_space<hbm>> -> memref<2097153xi32, #tpu.memory_space<hbm>>
      tpu.enqueue_indirect_dma source(%dma_start3A_191 : memref<2097153xi32, #tpu.memory_space<hbm>>) target(%dma_start3A_187 : memref<128xi32, #tpu.memory_space<vmem>>) offsets(%dma_start3A_189 : memref<128xi32, #tpu.memory_space<vmem>>) semaphore(%arg16 : memref<!tpu.dma_semaphore, #tpu.memory_space<semaphore_mem>>)
      %dma_start3A_192 = arith.constant 2944 : i32
      %dma_start3A_193 = tpu.memref_slice %arg10[%dma_start3A_192] : memref<8192xi32, #tpu.memory_space<vmem>> -> memref<128xi32, #tpu.memory_space<vmem>>
      %dma_start3A_194 = arith.constant 2944 : i32
      %dma_start3A_195 = tpu.memref_slice %arg8[%dma_start3A_194] : memref<8192xi32, #tpu.memory_space<vmem>> -> memref<128xi32, #tpu.memory_space<vmem>>
      %dma_start3A_196 = arith.constant 0 : i32
      %dma_start3A_197 = tpu.memref_slice %arg3[%dma_start3A_196] : memref<2097153xi32, #tpu.memory_space<hbm>> -> memref<2097153xi32, #tpu.memory_space<hbm>>
      tpu.enqueue_indirect_dma source(%dma_start3A_197 : memref<2097153xi32, #tpu.memory_space<hbm>>) target(%dma_start3A_193 : memref<128xi32, #tpu.memory_space<vmem>>) offsets(%dma_start3A_195 : memref<128xi32, #tpu.memory_space<vmem>>) semaphore(%arg16 : memref<!tpu.dma_semaphore, #tpu.memory_space<semaphore_mem>>)
      %dma_start3A_198 = arith.constant 3072 : i32
      %dma_start3A_199 = tpu.memref_slice %arg10[%dma_start3A_198] : memref<8192xi32, #tpu.memory_space<vmem>> -> memref<128xi32, #tpu.memory_space<vmem>>
      %dma_start3A_200 = arith.constant 3072 : i32
      %dma_start3A_201 = tpu.memref_slice %arg8[%dma_start3A_200] : memref<8192xi32, #tpu.memory_space<vmem>> -> memref<128xi32, #tpu.memory_space<vmem>>
      %dma_start3A_202 = arith.constant 0 : i32
      %dma_start3A_203 = tpu.memref_slice %arg3[%dma_start3A_202] : memref<2097153xi32, #tpu.memory_space<hbm>> -> memref<2097153xi32, #tpu.memory_space<hbm>>
      tpu.enqueue_indirect_dma source(%dma_start3A_203 : memref<2097153xi32, #tpu.memory_space<hbm>>) target(%dma_start3A_199 : memref<128xi32, #tpu.memory_space<vmem>>) offsets(%dma_start3A_201 : memref<128xi32, #tpu.memory_space<vmem>>) semaphore(%arg16 : memref<!tpu.dma_semaphore, #tpu.memory_space<semaphore_mem>>)
      %dma_start3A_204 = arith.constant 3200 : i32
      %dma_start3A_205 = tpu.memref_slice %arg10[%dma_start3A_204] : memref<8192xi32, #tpu.memory_space<vmem>> -> memref<128xi32, #tpu.memory_space<vmem>>
      %dma_start3A_206 = arith.constant 3200 : i32
      %dma_start3A_207 = tpu.memref_slice %arg8[%dma_start3A_206] : memref<8192xi32, #tpu.memory_space<vmem>> -> memref<128xi32, #tpu.memory_space<vmem>>
      %dma_start3A_208 = arith.constant 0 : i32
      %dma_start3A_209 = tpu.memref_slice %arg3[%dma_start3A_208] : memref<2097153xi32, #tpu.memory_space<hbm>> -> memref<2097153xi32, #tpu.memory_space<hbm>>
      tpu.enqueue_indirect_dma source(%dma_start3A_209 : memref<2097153xi32, #tpu.memory_space<hbm>>) target(%dma_start3A_205 : memref<128xi32, #tpu.memory_space<vmem>>) offsets(%dma_start3A_207 : memref<128xi32, #tpu.memory_space<vmem>>) semaphore(%arg16 : memref<!tpu.dma_semaphore, #tpu.memory_space<semaphore_mem>>)
      %dma_start3A_210 = arith.constant 3328 : i32
      %dma_start3A_211 = tpu.memref_slice %arg10[%dma_start3A_210] : memref<8192xi32, #tpu.memory_space<vmem>> -> memref<128xi32, #tpu.memory_space<vmem>>
      %dma_start3A_212 = arith.constant 3328 : i32
      %dma_start3A_213 = tpu.memref_slice %arg8[%dma_start3A_212] : memref<8192xi32, #tpu.memory_space<vmem>> -> memref<128xi32, #tpu.memory_space<vmem>>
      %dma_start3A_214 = arith.constant 0 : i32
      %dma_start3A_215 = tpu.memref_slice %arg3[%dma_start3A_214] : memref<2097153xi32, #tpu.memory_space<hbm>> -> memref<2097153xi32, #tpu.memory_space<hbm>>
      tpu.enqueue_indirect_dma source(%dma_start3A_215 : memref<2097153xi32, #tpu.memory_space<hbm>>) target(%dma_start3A_211 : memref<128xi32, #tpu.memory_space<vmem>>) offsets(%dma_start3A_213 : memref<128xi32, #tpu.memory_space<vmem>>) semaphore(%arg16 : memref<!tpu.dma_semaphore, #tpu.memory_space<semaphore_mem>>)
      %dma_start3A_216 = arith.constant 3456 : i32
      %dma_start3A_217 = tpu.memref_slice %arg10[%dma_start3A_216] : memref<8192xi32, #tpu.memory_space<vmem>> -> memref<128xi32, #tpu.memory_space<vmem>>
      %dma_start3A_218 = arith.constant 3456 : i32
      %dma_start3A_219 = tpu.memref_slice %arg8[%dma_start3A_218] : memref<8192xi32, #tpu.memory_space<vmem>> -> memref<128xi32, #tpu.memory_space<vmem>>
      %dma_start3A_220 = arith.constant 0 : i32
      %dma_start3A_221 = tpu.memref_slice %arg3[%dma_start3A_220] : memref<2097153xi32, #tpu.memory_space<hbm>> -> memref<2097153xi32, #tpu.memory_space<hbm>>
      tpu.enqueue_indirect_dma source(%dma_start3A_221 : memref<2097153xi32, #tpu.memory_space<hbm>>) target(%dma_start3A_217 : memref<128xi32, #tpu.memory_space<vmem>>) offsets(%dma_start3A_219 : memref<128xi32, #tpu.memory_space<vmem>>) semaphore(%arg16 : memref<!tpu.dma_semaphore, #tpu.memory_space<semaphore_mem>>)
      %dma_start3A_222 = arith.constant 3584 : i32
      %dma_start3A_223 = tpu.memref_slice %arg10[%dma_start3A_222] : memref<8192xi32, #tpu.memory_space<vmem>> -> memref<128xi32, #tpu.memory_space<vmem>>
      %dma_start3A_224 = arith.constant 3584 : i32
      %dma_start3A_225 = tpu.memref_slice %arg8[%dma_start3A_224] : memref<8192xi32, #tpu.memory_space<vmem>> -> memref<128xi32, #tpu.memory_space<vmem>>
      %dma_start3A_226 = arith.constant 0 : i32
      %dma_start3A_227 = tpu.memref_slice %arg3[%dma_start3A_226] : memref<2097153xi32, #tpu.memory_space<hbm>> -> memref<2097153xi32, #tpu.memory_space<hbm>>
      tpu.enqueue_indirect_dma source(%dma_start3A_227 : memref<2097153xi32, #tpu.memory_space<hbm>>) target(%dma_start3A_223 : memref<128xi32, #tpu.memory_space<vmem>>) offsets(%dma_start3A_225 : memref<128xi32, #tpu.memory_space<vmem>>) semaphore(%arg16 : memref<!tpu.dma_semaphore, #tpu.memory_space<semaphore_mem>>)
      %dma_start3A_228 = arith.constant 3712 : i32
      %dma_start3A_229 = tpu.memref_slice %arg10[%dma_start3A_228] : memref<8192xi32, #tpu.memory_space<vmem>> -> memref<128xi32, #tpu.memory_space<vmem>>
      %dma_start3A_230 = arith.constant 3712 : i32
      %dma_start3A_231 = tpu.memref_slice %arg8[%dma_start3A_230] : memref<8192xi32, #tpu.memory_space<vmem>> -> memref<128xi32, #tpu.memory_space<vmem>>
      %dma_start3A_232 = arith.constant 0 : i32
      %dma_start3A_233 = tpu.memref_slice %arg3[%dma_start3A_232] : memref<2097153xi32, #tpu.memory_space<hbm>> -> memref<2097153xi32, #tpu.memory_space<hbm>>
      tpu.enqueue_indirect_dma source(%dma_start3A_233 : memref<2097153xi32, #tpu.memory_space<hbm>>) target(%dma_start3A_229 : memref<128xi32, #tpu.memory_space<vmem>>) offsets(%dma_start3A_231 : memref<128xi32, #tpu.memory_space<vmem>>) semaphore(%arg16 : memref<!tpu.dma_semaphore, #tpu.memory_space<semaphore_mem>>)
      %dma_start3A_234 = arith.constant 3840 : i32
      %dma_start3A_235 = tpu.memref_slice %arg10[%dma_start3A_234] : memref<8192xi32, #tpu.memory_space<vmem>> -> memref<128xi32, #tpu.memory_space<vmem>>
      %dma_start3A_236 = arith.constant 3840 : i32
      %dma_start3A_237 = tpu.memref_slice %arg8[%dma_start3A_236] : memref<8192xi32, #tpu.memory_space<vmem>> -> memref<128xi32, #tpu.memory_space<vmem>>
      %dma_start3A_238 = arith.constant 0 : i32
      %dma_start3A_239 = tpu.memref_slice %arg3[%dma_start3A_238] : memref<2097153xi32, #tpu.memory_space<hbm>> -> memref<2097153xi32, #tpu.memory_space<hbm>>
      tpu.enqueue_indirect_dma source(%dma_start3A_239 : memref<2097153xi32, #tpu.memory_space<hbm>>) target(%dma_start3A_235 : memref<128xi32, #tpu.memory_space<vmem>>) offsets(%dma_start3A_237 : memref<128xi32, #tpu.memory_space<vmem>>) semaphore(%arg16 : memref<!tpu.dma_semaphore, #tpu.memory_space<semaphore_mem>>)
      %dma_start3A_240 = arith.constant 3968 : i32
      %dma_start3A_241 = tpu.memref_slice %arg10[%dma_start3A_240] : memref<8192xi32, #tpu.memory_space<vmem>> -> memref<128xi32, #tpu.memory_space<vmem>>
      %dma_start3A_242 = arith.constant 3968 : i32
      %dma_start3A_243 = tpu.memref_slice %arg8[%dma_start3A_242] : memref<8192xi32, #tpu.memory_space<vmem>> -> memref<128xi32, #tpu.memory_space<vmem>>
      %dma_start3A_244 = arith.constant 0 : i32
      %dma_start3A_245 = tpu.memref_slice %arg3[%dma_start3A_244] : memref<2097153xi32, #tpu.memory_space<hbm>> -> memref<2097153xi32, #tpu.memory_space<hbm>>
      tpu.enqueue_indirect_dma source(%dma_start3A_245 : memref<2097153xi32, #tpu.memory_space<hbm>>) target(%dma_start3A_241 : memref<128xi32, #tpu.memory_space<vmem>>) offsets(%dma_start3A_243 : memref<128xi32, #tpu.memory_space<vmem>>) semaphore(%arg16 : memref<!tpu.dma_semaphore, #tpu.memory_space<semaphore_mem>>)
      %dma_start3A_246 = arith.constant 4096 : i32
      %dma_start3A_247 = tpu.memref_slice %arg10[%dma_start3A_246] : memref<8192xi32, #tpu.memory_space<vmem>> -> memref<128xi32, #tpu.memory_space<vmem>>
      %dma_start3A_248 = arith.constant 4096 : i32
      %dma_start3A_249 = tpu.memref_slice %arg8[%dma_start3A_248] : memref<8192xi32, #tpu.memory_space<vmem>> -> memref<128xi32, #tpu.memory_space<vmem>>
      %dma_start3A_250 = arith.constant 0 : i32
      %dma_start3A_251 = tpu.memref_slice %arg3[%dma_start3A_250] : memref<2097153xi32, #tpu.memory_space<hbm>> -> memref<2097153xi32, #tpu.memory_space<hbm>>
      tpu.enqueue_indirect_dma source(%dma_start3A_251 : memref<2097153xi32, #tpu.memory_space<hbm>>) target(%dma_start3A_247 : memref<128xi32, #tpu.memory_space<vmem>>) offsets(%dma_start3A_249 : memref<128xi32, #tpu.memory_space<vmem>>) semaphore(%arg16 : memref<!tpu.dma_semaphore, #tpu.memory_space<semaphore_mem>>)
      %dma_start3A_252 = arith.constant 4224 : i32
      %dma_start3A_253 = tpu.memref_slice %arg10[%dma_start3A_252] : memref<8192xi32, #tpu.memory_space<vmem>> -> memref<128xi32, #tpu.memory_space<vmem>>
      %dma_start3A_254 = arith.constant 4224 : i32
      %dma_start3A_255 = tpu.memref_slice %arg8[%dma_start3A_254] : memref<8192xi32, #tpu.memory_space<vmem>> -> memref<128xi32, #tpu.memory_space<vmem>>
      %dma_start3A_256 = arith.constant 0 : i32
      %dma_start3A_257 = tpu.memref_slice %arg3[%dma_start3A_256] : memref<2097153xi32, #tpu.memory_space<hbm>> -> memref<2097153xi32, #tpu.memory_space<hbm>>
      tpu.enqueue_indirect_dma source(%dma_start3A_257 : memref<2097153xi32, #tpu.memory_space<hbm>>) target(%dma_start3A_253 : memref<128xi32, #tpu.memory_space<vmem>>) offsets(%dma_start3A_255 : memref<128xi32, #tpu.memory_space<vmem>>) semaphore(%arg16 : memref<!tpu.dma_semaphore, #tpu.memory_space<semaphore_mem>>)
      %dma_start3A_258 = arith.constant 4352 : i32
      %dma_start3A_259 = tpu.memref_slice %arg10[%dma_start3A_258] : memref<8192xi32, #tpu.memory_space<vmem>> -> memref<128xi32, #tpu.memory_space<vmem>>
      %dma_start3A_260 = arith.constant 4352 : i32
      %dma_start3A_261 = tpu.memref_slice %arg8[%dma_start3A_260] : memref<8192xi32, #tpu.memory_space<vmem>> -> memref<128xi32, #tpu.memory_space<vmem>>
      %dma_start3A_262 = arith.constant 0 : i32
      %dma_start3A_263 = tpu.memref_slice %arg3[%dma_start3A_262] : memref<2097153xi32, #tpu.memory_space<hbm>> -> memref<2097153xi32, #tpu.memory_space<hbm>>
      tpu.enqueue_indirect_dma source(%dma_start3A_263 : memref<2097153xi32, #tpu.memory_space<hbm>>) target(%dma_start3A_259 : memref<128xi32, #tpu.memory_space<vmem>>) offsets(%dma_start3A_261 : memref<128xi32, #tpu.memory_space<vmem>>) semaphore(%arg16 : memref<!tpu.dma_semaphore, #tpu.memory_space<semaphore_mem>>)
      %dma_start3A_264 = arith.constant 4480 : i32
      %dma_start3A_265 = tpu.memref_slice %arg10[%dma_start3A_264] : memref<8192xi32, #tpu.memory_space<vmem>> -> memref<128xi32, #tpu.memory_space<vmem>>
      %dma_start3A_266 = arith.constant 4480 : i32
      %dma_start3A_267 = tpu.memref_slice %arg8[%dma_start3A_266] : memref<8192xi32, #tpu.memory_space<vmem>> -> memref<128xi32, #tpu.memory_space<vmem>>
      %dma_start3A_268 = arith.constant 0 : i32
      %dma_start3A_269 = tpu.memref_slice %arg3[%dma_start3A_268] : memref<2097153xi32, #tpu.memory_space<hbm>> -> memref<2097153xi32, #tpu.memory_space<hbm>>
      tpu.enqueue_indirect_dma source(%dma_start3A_269 : memref<2097153xi32, #tpu.memory_space<hbm>>) target(%dma_start3A_265 : memref<128xi32, #tpu.memory_space<vmem>>) offsets(%dma_start3A_267 : memref<128xi32, #tpu.memory_space<vmem>>) semaphore(%arg16 : memref<!tpu.dma_semaphore, #tpu.memory_space<semaphore_mem>>)
      %dma_start3A_270 = arith.constant 4608 : i32
      %dma_start3A_271 = tpu.memref_slice %arg10[%dma_start3A_270] : memref<8192xi32, #tpu.memory_space<vmem>> -> memref<128xi32, #tpu.memory_space<vmem>>
      %dma_start3A_272 = arith.constant 4608 : i32
      %dma_start3A_273 = tpu.memref_slice %arg8[%dma_start3A_272] : memref<8192xi32, #tpu.memory_space<vmem>> -> memref<128xi32, #tpu.memory_space<vmem>>
      %dma_start3A_274 = arith.constant 0 : i32
      %dma_start3A_275 = tpu.memref_slice %arg3[%dma_start3A_274] : memref<2097153xi32, #tpu.memory_space<hbm>> -> memref<2097153xi32, #tpu.memory_space<hbm>>
      tpu.enqueue_indirect_dma source(%dma_start3A_275 : memref<2097153xi32, #tpu.memory_space<hbm>>) target(%dma_start3A_271 : memref<128xi32, #tpu.memory_space<vmem>>) offsets(%dma_start3A_273 : memref<128xi32, #tpu.memory_space<vmem>>) semaphore(%arg16 : memref<!tpu.dma_semaphore, #tpu.memory_space<semaphore_mem>>)
      %dma_start3A_276 = arith.constant 4736 : i32
      %dma_start3A_277 = tpu.memref_slice %arg10[%dma_start3A_276] : memref<8192xi32, #tpu.memory_space<vmem>> -> memref<128xi32, #tpu.memory_space<vmem>>
      %dma_start3A_278 = arith.constant 4736 : i32
      %dma_start3A_279 = tpu.memref_slice %arg8[%dma_start3A_278] : memref<8192xi32, #tpu.memory_space<vmem>> -> memref<128xi32, #tpu.memory_space<vmem>>
      %dma_start3A_280 = arith.constant 0 : i32
      %dma_start3A_281 = tpu.memref_slice %arg3[%dma_start3A_280] : memref<2097153xi32, #tpu.memory_space<hbm>> -> memref<2097153xi32, #tpu.memory_space<hbm>>
      tpu.enqueue_indirect_dma source(%dma_start3A_281 : memref<2097153xi32, #tpu.memory_space<hbm>>) target(%dma_start3A_277 : memref<128xi32, #tpu.memory_space<vmem>>) offsets(%dma_start3A_279 : memref<128xi32, #tpu.memory_space<vmem>>) semaphore(%arg16 : memref<!tpu.dma_semaphore, #tpu.memory_space<semaphore_mem>>)
      %dma_start3A_282 = arith.constant 4864 : i32
      %dma_start3A_283 = tpu.memref_slice %arg10[%dma_start3A_282] : memref<8192xi32, #tpu.memory_space<vmem>> -> memref<128xi32, #tpu.memory_space<vmem>>
      %dma_start3A_284 = arith.constant 4864 : i32
      %dma_start3A_285 = tpu.memref_slice %arg8[%dma_start3A_284] : memref<8192xi32, #tpu.memory_space<vmem>> -> memref<128xi32, #tpu.memory_space<vmem>>
      %dma_start3A_286 = arith.constant 0 : i32
      %dma_start3A_287 = tpu.memref_slice %arg3[%dma_start3A_286] : memref<2097153xi32, #tpu.memory_space<hbm>> -> memref<2097153xi32, #tpu.memory_space<hbm>>
      tpu.enqueue_indirect_dma source(%dma_start3A_287 : memref<2097153xi32, #tpu.memory_space<hbm>>) target(%dma_start3A_283 : memref<128xi32, #tpu.memory_space<vmem>>) offsets(%dma_start3A_285 : memref<128xi32, #tpu.memory_space<vmem>>) semaphore(%arg16 : memref<!tpu.dma_semaphore, #tpu.memory_space<semaphore_mem>>)
      %dma_start3A_288 = arith.constant 4992 : i32
      %dma_start3A_289 = tpu.memref_slice %arg10[%dma_start3A_288] : memref<8192xi32, #tpu.memory_space<vmem>> -> memref<128xi32, #tpu.memory_space<vmem>>
      %dma_start3A_290 = arith.constant 4992 : i32
      %dma_start3A_291 = tpu.memref_slice %arg8[%dma_start3A_290] : memref<8192xi32, #tpu.memory_space<vmem>> -> memref<128xi32, #tpu.memory_space<vmem>>
      %dma_start3A_292 = arith.constant 0 : i32
      %dma_start3A_293 = tpu.memref_slice %arg3[%dma_start3A_292] : memref<2097153xi32, #tpu.memory_space<hbm>> -> memref<2097153xi32, #tpu.memory_space<hbm>>
      tpu.enqueue_indirect_dma source(%dma_start3A_293 : memref<2097153xi32, #tpu.memory_space<hbm>>) target(%dma_start3A_289 : memref<128xi32, #tpu.memory_space<vmem>>) offsets(%dma_start3A_291 : memref<128xi32, #tpu.memory_space<vmem>>) semaphore(%arg16 : memref<!tpu.dma_semaphore, #tpu.memory_space<semaphore_mem>>)
      %dma_start3A_294 = arith.constant 5120 : i32
      %dma_start3A_295 = tpu.memref_slice %arg10[%dma_start3A_294] : memref<8192xi32, #tpu.memory_space<vmem>> -> memref<128xi32, #tpu.memory_space<vmem>>
      %dma_start3A_296 = arith.constant 5120 : i32
      %dma_start3A_297 = tpu.memref_slice %arg8[%dma_start3A_296] : memref<8192xi32, #tpu.memory_space<vmem>> -> memref<128xi32, #tpu.memory_space<vmem>>
      %dma_start3A_298 = arith.constant 0 : i32
      %dma_start3A_299 = tpu.memref_slice %arg3[%dma_start3A_298] : memref<2097153xi32, #tpu.memory_space<hbm>> -> memref<2097153xi32, #tpu.memory_space<hbm>>
      tpu.enqueue_indirect_dma source(%dma_start3A_299 : memref<2097153xi32, #tpu.memory_space<hbm>>) target(%dma_start3A_295 : memref<128xi32, #tpu.memory_space<vmem>>) offsets(%dma_start3A_297 : memref<128xi32, #tpu.memory_space<vmem>>) semaphore(%arg16 : memref<!tpu.dma_semaphore, #tpu.memory_space<semaphore_mem>>)
      %dma_start3A_300 = arith.constant 5248 : i32
      %dma_start3A_301 = tpu.memref_slice %arg10[%dma_start3A_300] : memref<8192xi32, #tpu.memory_space<vmem>> -> memref<128xi32, #tpu.memory_space<vmem>>
      %dma_start3A_302 = arith.constant 5248 : i32
      %dma_start3A_303 = tpu.memref_slice %arg8[%dma_start3A_302] : memref<8192xi32, #tpu.memory_space<vmem>> -> memref<128xi32, #tpu.memory_space<vmem>>
      %dma_start3A_304 = arith.constant 0 : i32
      %dma_start3A_305 = tpu.memref_slice %arg3[%dma_start3A_304] : memref<2097153xi32, #tpu.memory_space<hbm>> -> memref<2097153xi32, #tpu.memory_space<hbm>>
      tpu.enqueue_indirect_dma source(%dma_start3A_305 : memref<2097153xi32, #tpu.memory_space<hbm>>) target(%dma_start3A_301 : memref<128xi32, #tpu.memory_space<vmem>>) offsets(%dma_start3A_303 : memref<128xi32, #tpu.memory_space<vmem>>) semaphore(%arg16 : memref<!tpu.dma_semaphore, #tpu.memory_space<semaphore_mem>>)
      %dma_start3A_306 = arith.constant 5376 : i32
      %dma_start3A_307 = tpu.memref_slice %arg10[%dma_start3A_306] : memref<8192xi32, #tpu.memory_space<vmem>> -> memref<128xi32, #tpu.memory_space<vmem>>
      %dma_start3A_308 = arith.constant 5376 : i32
      %dma_start3A_309 = tpu.memref_slice %arg8[%dma_start3A_308] : memref<8192xi32, #tpu.memory_space<vmem>> -> memref<128xi32, #tpu.memory_space<vmem>>
      %dma_start3A_310 = arith.constant 0 : i32
      %dma_start3A_311 = tpu.memref_slice %arg3[%dma_start3A_310] : memref<2097153xi32, #tpu.memory_space<hbm>> -> memref<2097153xi32, #tpu.memory_space<hbm>>
      tpu.enqueue_indirect_dma source(%dma_start3A_311 : memref<2097153xi32, #tpu.memory_space<hbm>>) target(%dma_start3A_307 : memref<128xi32, #tpu.memory_space<vmem>>) offsets(%dma_start3A_309 : memref<128xi32, #tpu.memory_space<vmem>>) semaphore(%arg16 : memref<!tpu.dma_semaphore, #tpu.memory_space<semaphore_mem>>)
      %dma_start3A_312 = arith.constant 5504 : i32
      %dma_start3A_313 = tpu.memref_slice %arg10[%dma_start3A_312] : memref<8192xi32, #tpu.memory_space<vmem>> -> memref<128xi32, #tpu.memory_space<vmem>>
      %dma_start3A_314 = arith.constant 5504 : i32
      %dma_start3A_315 = tpu.memref_slice %arg8[%dma_start3A_314] : memref<8192xi32, #tpu.memory_space<vmem>> -> memref<128xi32, #tpu.memory_space<vmem>>
      %dma_start3A_316 = arith.constant 0 : i32
      %dma_start3A_317 = tpu.memref_slice %arg3[%dma_start3A_316] : memref<2097153xi32, #tpu.memory_space<hbm>> -> memref<2097153xi32, #tpu.memory_space<hbm>>
      tpu.enqueue_indirect_dma source(%dma_start3A_317 : memref<2097153xi32, #tpu.memory_space<hbm>>) target(%dma_start3A_313 : memref<128xi32, #tpu.memory_space<vmem>>) offsets(%dma_start3A_315 : memref<128xi32, #tpu.memory_space<vmem>>) semaphore(%arg16 : memref<!tpu.dma_semaphore, #tpu.memory_space<semaphore_mem>>)
      %dma_start3A_318 = arith.constant 5632 : i32
      %dma_start3A_319 = tpu.memref_slice %arg10[%dma_start3A_318] : memref<8192xi32, #tpu.memory_space<vmem>> -> memref<128xi32, #tpu.memory_space<vmem>>
      %dma_start3A_320 = arith.constant 5632 : i32
      %dma_start3A_321 = tpu.memref_slice %arg8[%dma_start3A_320] : memref<8192xi32, #tpu.memory_space<vmem>> -> memref<128xi32, #tpu.memory_space<vmem>>
      %dma_start3A_322 = arith.constant 0 : i32
      %dma_start3A_323 = tpu.memref_slice %arg3[%dma_start3A_322] : memref<2097153xi32, #tpu.memory_space<hbm>> -> memref<2097153xi32, #tpu.memory_space<hbm>>
      tpu.enqueue_indirect_dma source(%dma_start3A_323 : memref<2097153xi32, #tpu.memory_space<hbm>>) target(%dma_start3A_319 : memref<128xi32, #tpu.memory_space<vmem>>) offsets(%dma_start3A_321 : memref<128xi32, #tpu.memory_space<vmem>>) semaphore(%arg16 : memref<!tpu.dma_semaphore, #tpu.memory_space<semaphore_mem>>)
      %dma_start3A_324 = arith.constant 5760 : i32
      %dma_start3A_325 = tpu.memref_slice %arg10[%dma_start3A_324] : memref<8192xi32, #tpu.memory_space<vmem>> -> memref<128xi32, #tpu.memory_space<vmem>>
      %dma_start3A_326 = arith.constant 5760 : i32
      %dma_start3A_327 = tpu.memref_slice %arg8[%dma_start3A_326] : memref<8192xi32, #tpu.memory_space<vmem>> -> memref<128xi32, #tpu.memory_space<vmem>>
      %dma_start3A_328 = arith.constant 0 : i32
      %dma_start3A_329 = tpu.memref_slice %arg3[%dma_start3A_328] : memref<2097153xi32, #tpu.memory_space<hbm>> -> memref<2097153xi32, #tpu.memory_space<hbm>>
      tpu.enqueue_indirect_dma source(%dma_start3A_329 : memref<2097153xi32, #tpu.memory_space<hbm>>) target(%dma_start3A_325 : memref<128xi32, #tpu.memory_space<vmem>>) offsets(%dma_start3A_327 : memref<128xi32, #tpu.memory_space<vmem>>) semaphore(%arg16 : memref<!tpu.dma_semaphore, #tpu.memory_space<semaphore_mem>>)
      %dma_start3A_330 = arith.constant 5888 : i32
      %dma_start3A_331 = tpu.memref_slice %arg10[%dma_start3A_330] : memref<8192xi32, #tpu.memory_space<vmem>> -> memref<128xi32, #tpu.memory_space<vmem>>
      %dma_start3A_332 = arith.constant 5888 : i32
      %dma_start3A_333 = tpu.memref_slice %arg8[%dma_start3A_332] : memref<8192xi32, #tpu.memory_space<vmem>> -> memref<128xi32, #tpu.memory_space<vmem>>
      %dma_start3A_334 = arith.constant 0 : i32
      %dma_start3A_335 = tpu.memref_slice %arg3[%dma_start3A_334] : memref<2097153xi32, #tpu.memory_space<hbm>> -> memref<2097153xi32, #tpu.memory_space<hbm>>
      tpu.enqueue_indirect_dma source(%dma_start3A_335 : memref<2097153xi32, #tpu.memory_space<hbm>>) target(%dma_start3A_331 : memref<128xi32, #tpu.memory_space<vmem>>) offsets(%dma_start3A_333 : memref<128xi32, #tpu.memory_space<vmem>>) semaphore(%arg16 : memref<!tpu.dma_semaphore, #tpu.memory_space<semaphore_mem>>)
      %dma_start3A_336 = arith.constant 6016 : i32
      %dma_start3A_337 = tpu.memref_slice %arg10[%dma_start3A_336] : memref<8192xi32, #tpu.memory_space<vmem>> -> memref<128xi32, #tpu.memory_space<vmem>>
      %dma_start3A_338 = arith.constant 6016 : i32
      %dma_start3A_339 = tpu.memref_slice %arg8[%dma_start3A_338] : memref<8192xi32, #tpu.memory_space<vmem>> -> memref<128xi32, #tpu.memory_space<vmem>>
      %dma_start3A_340 = arith.constant 0 : i32
      %dma_start3A_341 = tpu.memref_slice %arg3[%dma_start3A_340] : memref<2097153xi32, #tpu.memory_space<hbm>> -> memref<2097153xi32, #tpu.memory_space<hbm>>
      tpu.enqueue_indirect_dma source(%dma_start3A_341 : memref<2097153xi32, #tpu.memory_space<hbm>>) target(%dma_start3A_337 : memref<128xi32, #tpu.memory_space<vmem>>) offsets(%dma_start3A_339 : memref<128xi32, #tpu.memory_space<vmem>>) semaphore(%arg16 : memref<!tpu.dma_semaphore, #tpu.memory_space<semaphore_mem>>)
      %dma_start3A_342 = arith.constant 6144 : i32
      %dma_start3A_343 = tpu.memref_slice %arg10[%dma_start3A_342] : memref<8192xi32, #tpu.memory_space<vmem>> -> memref<128xi32, #tpu.memory_space<vmem>>
      %dma_start3A_344 = arith.constant 6144 : i32
      %dma_start3A_345 = tpu.memref_slice %arg8[%dma_start3A_344] : memref<8192xi32, #tpu.memory_space<vmem>> -> memref<128xi32, #tpu.memory_space<vmem>>
      %dma_start3A_346 = arith.constant 0 : i32
      %dma_start3A_347 = tpu.memref_slice %arg3[%dma_start3A_346] : memref<2097153xi32, #tpu.memory_space<hbm>> -> memref<2097153xi32, #tpu.memory_space<hbm>>
      tpu.enqueue_indirect_dma source(%dma_start3A_347 : memref<2097153xi32, #tpu.memory_space<hbm>>) target(%dma_start3A_343 : memref<128xi32, #tpu.memory_space<vmem>>) offsets(%dma_start3A_345 : memref<128xi32, #tpu.memory_space<vmem>>) semaphore(%arg16 : memref<!tpu.dma_semaphore, #tpu.memory_space<semaphore_mem>>)
      %dma_start3A_348 = arith.constant 6272 : i32
      %dma_start3A_349 = tpu.memref_slice %arg10[%dma_start3A_348] : memref<8192xi32, #tpu.memory_space<vmem>> -> memref<128xi32, #tpu.memory_space<vmem>>
      %dma_start3A_350 = arith.constant 6272 : i32
      %dma_start3A_351 = tpu.memref_slice %arg8[%dma_start3A_350] : memref<8192xi32, #tpu.memory_space<vmem>> -> memref<128xi32, #tpu.memory_space<vmem>>
      %dma_start3A_352 = arith.constant 0 : i32
      %dma_start3A_353 = tpu.memref_slice %arg3[%dma_start3A_352] : memref<2097153xi32, #tpu.memory_space<hbm>> -> memref<2097153xi32, #tpu.memory_space<hbm>>
      tpu.enqueue_indirect_dma source(%dma_start3A_353 : memref<2097153xi32, #tpu.memory_space<hbm>>) target(%dma_start3A_349 : memref<128xi32, #tpu.memory_space<vmem>>) offsets(%dma_start3A_351 : memref<128xi32, #tpu.memory_space<vmem>>) semaphore(%arg16 : memref<!tpu.dma_semaphore, #tpu.memory_space<semaphore_mem>>)
      %dma_start3A_354 = arith.constant 6400 : i32
      %dma_start3A_355 = tpu.memref_slice %arg10[%dma_start3A_354] : memref<8192xi32, #tpu.memory_space<vmem>> -> memref<128xi32, #tpu.memory_space<vmem>>
      %dma_start3A_356 = arith.constant 6400 : i32
      %dma_start3A_357 = tpu.memref_slice %arg8[%dma_start3A_356] : memref<8192xi32, #tpu.memory_space<vmem>> -> memref<128xi32, #tpu.memory_space<vmem>>
      %dma_start3A_358 = arith.constant 0 : i32
      %dma_start3A_359 = tpu.memref_slice %arg3[%dma_start3A_358] : memref<2097153xi32, #tpu.memory_space<hbm>> -> memref<2097153xi32, #tpu.memory_space<hbm>>
      tpu.enqueue_indirect_dma source(%dma_start3A_359 : memref<2097153xi32, #tpu.memory_space<hbm>>) target(%dma_start3A_355 : memref<128xi32, #tpu.memory_space<vmem>>) offsets(%dma_start3A_357 : memref<128xi32, #tpu.memory_space<vmem>>) semaphore(%arg16 : memref<!tpu.dma_semaphore, #tpu.memory_space<semaphore_mem>>)
      %dma_start3A_360 = arith.constant 6528 : i32
      %dma_start3A_361 = tpu.memref_slice %arg10[%dma_start3A_360] : memref<8192xi32, #tpu.memory_space<vmem>> -> memref<128xi32, #tpu.memory_space<vmem>>
      %dma_start3A_362 = arith.constant 6528 : i32
      %dma_start3A_363 = tpu.memref_slice %arg8[%dma_start3A_362] : memref<8192xi32, #tpu.memory_space<vmem>> -> memref<128xi32, #tpu.memory_space<vmem>>
      %dma_start3A_364 = arith.constant 0 : i32
      %dma_start3A_365 = tpu.memref_slice %arg3[%dma_start3A_364] : memref<2097153xi32, #tpu.memory_space<hbm>> -> memref<2097153xi32, #tpu.memory_space<hbm>>
      tpu.enqueue_indirect_dma source(%dma_start3A_365 : memref<2097153xi32, #tpu.memory_space<hbm>>) target(%dma_start3A_361 : memref<128xi32, #tpu.memory_space<vmem>>) offsets(%dma_start3A_363 : memref<128xi32, #tpu.memory_space<vmem>>) semaphore(%arg16 : memref<!tpu.dma_semaphore, #tpu.memory_space<semaphore_mem>>)
      %dma_start3A_366 = arith.constant 6656 : i32
      %dma_start3A_367 = tpu.memref_slice %arg10[%dma_start3A_366] : memref<8192xi32, #tpu.memory_space<vmem>> -> memref<128xi32, #tpu.memory_space<vmem>>
      %dma_start3A_368 = arith.constant 6656 : i32
      %dma_start3A_369 = tpu.memref_slice %arg8[%dma_start3A_368] : memref<8192xi32, #tpu.memory_space<vmem>> -> memref<128xi32, #tpu.memory_space<vmem>>
      %dma_start3A_370 = arith.constant 0 : i32
      %dma_start3A_371 = tpu.memref_slice %arg3[%dma_start3A_370] : memref<2097153xi32, #tpu.memory_space<hbm>> -> memref<2097153xi32, #tpu.memory_space<hbm>>
      tpu.enqueue_indirect_dma source(%dma_start3A_371 : memref<2097153xi32, #tpu.memory_space<hbm>>) target(%dma_start3A_367 : memref<128xi32, #tpu.memory_space<vmem>>) offsets(%dma_start3A_369 : memref<128xi32, #tpu.memory_space<vmem>>) semaphore(%arg16 : memref<!tpu.dma_semaphore, #tpu.memory_space<semaphore_mem>>)
      %dma_start3A_372 = arith.constant 6784 : i32
      %dma_start3A_373 = tpu.memref_slice %arg10[%dma_start3A_372] : memref<8192xi32, #tpu.memory_space<vmem>> -> memref<128xi32, #tpu.memory_space<vmem>>
      %dma_start3A_374 = arith.constant 6784 : i32
      %dma_start3A_375 = tpu.memref_slice %arg8[%dma_start3A_374] : memref<8192xi32, #tpu.memory_space<vmem>> -> memref<128xi32, #tpu.memory_space<vmem>>
      %dma_start3A_376 = arith.constant 0 : i32
      %dma_start3A_377 = tpu.memref_slice %arg3[%dma_start3A_376] : memref<2097153xi32, #tpu.memory_space<hbm>> -> memref<2097153xi32, #tpu.memory_space<hbm>>
      tpu.enqueue_indirect_dma source(%dma_start3A_377 : memref<2097153xi32, #tpu.memory_space<hbm>>) target(%dma_start3A_373 : memref<128xi32, #tpu.memory_space<vmem>>) offsets(%dma_start3A_375 : memref<128xi32, #tpu.memory_space<vmem>>) semaphore(%arg16 : memref<!tpu.dma_semaphore, #tpu.memory_space<semaphore_mem>>)
      %dma_start3A_378 = arith.constant 6912 : i32
      %dma_start3A_379 = tpu.memref_slice %arg10[%dma_start3A_378] : memref<8192xi32, #tpu.memory_space<vmem>> -> memref<128xi32, #tpu.memory_space<vmem>>
      %dma_start3A_380 = arith.constant 6912 : i32
      %dma_start3A_381 = tpu.memref_slice %arg8[%dma_start3A_380] : memref<8192xi32, #tpu.memory_space<vmem>> -> memref<128xi32, #tpu.memory_space<vmem>>
      %dma_start3A_382 = arith.constant 0 : i32
      %dma_start3A_383 = tpu.memref_slice %arg3[%dma_start3A_382] : memref<2097153xi32, #tpu.memory_space<hbm>> -> memref<2097153xi32, #tpu.memory_space<hbm>>
      tpu.enqueue_indirect_dma source(%dma_start3A_383 : memref<2097153xi32, #tpu.memory_space<hbm>>) target(%dma_start3A_379 : memref<128xi32, #tpu.memory_space<vmem>>) offsets(%dma_start3A_381 : memref<128xi32, #tpu.memory_space<vmem>>) semaphore(%arg16 : memref<!tpu.dma_semaphore, #tpu.memory_space<semaphore_mem>>)
      %dma_start3A_384 = arith.constant 7040 : i32
      %dma_start3A_385 = tpu.memref_slice %arg10[%dma_start3A_384] : memref<8192xi32, #tpu.memory_space<vmem>> -> memref<128xi32, #tpu.memory_space<vmem>>
      %dma_start3A_386 = arith.constant 7040 : i32
      %dma_start3A_387 = tpu.memref_slice %arg8[%dma_start3A_386] : memref<8192xi32, #tpu.memory_space<vmem>> -> memref<128xi32, #tpu.memory_space<vmem>>
      %dma_start3A_388 = arith.constant 0 : i32
      %dma_start3A_389 = tpu.memref_slice %arg3[%dma_start3A_388] : memref<2097153xi32, #tpu.memory_space<hbm>> -> memref<2097153xi32, #tpu.memory_space<hbm>>
      tpu.enqueue_indirect_dma source(%dma_start3A_389 : memref<2097153xi32, #tpu.memory_space<hbm>>) target(%dma_start3A_385 : memref<128xi32, #tpu.memory_space<vmem>>) offsets(%dma_start3A_387 : memref<128xi32, #tpu.memory_space<vmem>>) semaphore(%arg16 : memref<!tpu.dma_semaphore, #tpu.memory_space<semaphore_mem>>)
      %dma_start3A_390 = arith.constant 7168 : i32
      %dma_start3A_391 = tpu.memref_slice %arg10[%dma_start3A_390] : memref<8192xi32, #tpu.memory_space<vmem>> -> memref<128xi32, #tpu.memory_space<vmem>>
      %dma_start3A_392 = arith.constant 7168 : i32
      %dma_start3A_393 = tpu.memref_slice %arg8[%dma_start3A_392] : memref<8192xi32, #tpu.memory_space<vmem>> -> memref<128xi32, #tpu.memory_space<vmem>>
      %dma_start3A_394 = arith.constant 0 : i32
      %dma_start3A_395 = tpu.memref_slice %arg3[%dma_start3A_394] : memref<2097153xi32, #tpu.memory_space<hbm>> -> memref<2097153xi32, #tpu.memory_space<hbm>>
      tpu.enqueue_indirect_dma source(%dma_start3A_395 : memref<2097153xi32, #tpu.memory_space<hbm>>) target(%dma_start3A_391 : memref<128xi32, #tpu.memory_space<vmem>>) offsets(%dma_start3A_393 : memref<128xi32, #tpu.memory_space<vmem>>) semaphore(%arg16 : memref<!tpu.dma_semaphore, #tpu.memory_space<semaphore_mem>>)
      %dma_start3A_396 = arith.constant 7296 : i32
      %dma_start3A_397 = tpu.memref_slice %arg10[%dma_start3A_396] : memref<8192xi32, #tpu.memory_space<vmem>> -> memref<128xi32, #tpu.memory_space<vmem>>
      %dma_start3A_398 = arith.constant 7296 : i32
      %dma_start3A_399 = tpu.memref_slice %arg8[%dma_start3A_398] : memref<8192xi32, #tpu.memory_space<vmem>> -> memref<128xi32, #tpu.memory_space<vmem>>
      %dma_start3A_400 = arith.constant 0 : i32
      %dma_start3A_401 = tpu.memref_slice %arg3[%dma_start3A_400] : memref<2097153xi32, #tpu.memory_space<hbm>> -> memref<2097153xi32, #tpu.memory_space<hbm>>
      tpu.enqueue_indirect_dma source(%dma_start3A_401 : memref<2097153xi32, #tpu.memory_space<hbm>>) target(%dma_start3A_397 : memref<128xi32, #tpu.memory_space<vmem>>) offsets(%dma_start3A_399 : memref<128xi32, #tpu.memory_space<vmem>>) semaphore(%arg16 : memref<!tpu.dma_semaphore, #tpu.memory_space<semaphore_mem>>)
      %dma_start3A_402 = arith.constant 7424 : i32
      %dma_start3A_403 = tpu.memref_slice %arg10[%dma_start3A_402] : memref<8192xi32, #tpu.memory_space<vmem>> -> memref<128xi32, #tpu.memory_space<vmem>>
      %dma_start3A_404 = arith.constant 7424 : i32
      %dma_start3A_405 = tpu.memref_slice %arg8[%dma_start3A_404] : memref<8192xi32, #tpu.memory_space<vmem>> -> memref<128xi32, #tpu.memory_space<vmem>>
      %dma_start3A_406 = arith.constant 0 : i32
      %dma_start3A_407 = tpu.memref_slice %arg3[%dma_start3A_406] : memref<2097153xi32, #tpu.memory_space<hbm>> -> memref<2097153xi32, #tpu.memory_space<hbm>>
      tpu.enqueue_indirect_dma source(%dma_start3A_407 : memref<2097153xi32, #tpu.memory_space<hbm>>) target(%dma_start3A_403 : memref<128xi32, #tpu.memory_space<vmem>>) offsets(%dma_start3A_405 : memref<128xi32, #tpu.memory_space<vmem>>) semaphore(%arg16 : memref<!tpu.dma_semaphore, #tpu.memory_space<semaphore_mem>>)
      %dma_start3A_408 = arith.constant 7552 : i32
      %dma_start3A_409 = tpu.memref_slice %arg10[%dma_start3A_408] : memref<8192xi32, #tpu.memory_space<vmem>> -> memref<128xi32, #tpu.memory_space<vmem>>
      %dma_start3A_410 = arith.constant 7552 : i32
      %dma_start3A_411 = tpu.memref_slice %arg8[%dma_start3A_410] : memref<8192xi32, #tpu.memory_space<vmem>> -> memref<128xi32, #tpu.memory_space<vmem>>
      %dma_start3A_412 = arith.constant 0 : i32
      %dma_start3A_413 = tpu.memref_slice %arg3[%dma_start3A_412] : memref<2097153xi32, #tpu.memory_space<hbm>> -> memref<2097153xi32, #tpu.memory_space<hbm>>
      tpu.enqueue_indirect_dma source(%dma_start3A_413 : memref<2097153xi32, #tpu.memory_space<hbm>>) target(%dma_start3A_409 : memref<128xi32, #tpu.memory_space<vmem>>) offsets(%dma_start3A_411 : memref<128xi32, #tpu.memory_space<vmem>>) semaphore(%arg16 : memref<!tpu.dma_semaphore, #tpu.memory_space<semaphore_mem>>)
      %dma_start3A_414 = arith.constant 7680 : i32
      %dma_start3A_415 = tpu.memref_slice %arg10[%dma_start3A_414] : memref<8192xi32, #tpu.memory_space<vmem>> -> memref<128xi32, #tpu.memory_space<vmem>>
      %dma_start3A_416 = arith.constant 7680 : i32
      %dma_start3A_417 = tpu.memref_slice %arg8[%dma_start3A_416] : memref<8192xi32, #tpu.memory_space<vmem>> -> memref<128xi32, #tpu.memory_space<vmem>>
      %dma_start3A_418 = arith.constant 0 : i32
      %dma_start3A_419 = tpu.memref_slice %arg3[%dma_start3A_418] : memref<2097153xi32, #tpu.memory_space<hbm>> -> memref<2097153xi32, #tpu.memory_space<hbm>>
      tpu.enqueue_indirect_dma source(%dma_start3A_419 : memref<2097153xi32, #tpu.memory_space<hbm>>) target(%dma_start3A_415 : memref<128xi32, #tpu.memory_space<vmem>>) offsets(%dma_start3A_417 : memref<128xi32, #tpu.memory_space<vmem>>) semaphore(%arg16 : memref<!tpu.dma_semaphore, #tpu.memory_space<semaphore_mem>>)
      %dma_start3A_420 = arith.constant 7808 : i32
      %dma_start3A_421 = tpu.memref_slice %arg10[%dma_start3A_420] : memref<8192xi32, #tpu.memory_space<vmem>> -> memref<128xi32, #tpu.memory_space<vmem>>
      %dma_start3A_422 = arith.constant 7808 : i32
      %dma_start3A_423 = tpu.memref_slice %arg8[%dma_start3A_422] : memref<8192xi32, #tpu.memory_space<vmem>> -> memref<128xi32, #tpu.memory_space<vmem>>
      %dma_start3A_424 = arith.constant 0 : i32
      %dma_start3A_425 = tpu.memref_slice %arg3[%dma_start3A_424] : memref<2097153xi32, #tpu.memory_space<hbm>> -> memref<2097153xi32, #tpu.memory_space<hbm>>
      tpu.enqueue_indirect_dma source(%dma_start3A_425 : memref<2097153xi32, #tpu.memory_space<hbm>>) target(%dma_start3A_421 : memref<128xi32, #tpu.memory_space<vmem>>) offsets(%dma_start3A_423 : memref<128xi32, #tpu.memory_space<vmem>>) semaphore(%arg16 : memref<!tpu.dma_semaphore, #tpu.memory_space<semaphore_mem>>)
      %dma_start3A_426 = arith.constant 7936 : i32
      %dma_start3A_427 = tpu.memref_slice %arg10[%dma_start3A_426] : memref<8192xi32, #tpu.memory_space<vmem>> -> memref<128xi32, #tpu.memory_space<vmem>>
      %dma_start3A_428 = arith.constant 7936 : i32
      %dma_start3A_429 = tpu.memref_slice %arg8[%dma_start3A_428] : memref<8192xi32, #tpu.memory_space<vmem>> -> memref<128xi32, #tpu.memory_space<vmem>>
      %dma_start3A_430 = arith.constant 0 : i32
      %dma_start3A_431 = tpu.memref_slice %arg3[%dma_start3A_430] : memref<2097153xi32, #tpu.memory_space<hbm>> -> memref<2097153xi32, #tpu.memory_space<hbm>>
      tpu.enqueue_indirect_dma source(%dma_start3A_431 : memref<2097153xi32, #tpu.memory_space<hbm>>) target(%dma_start3A_427 : memref<128xi32, #tpu.memory_space<vmem>>) offsets(%dma_start3A_429 : memref<128xi32, #tpu.memory_space<vmem>>) semaphore(%arg16 : memref<!tpu.dma_semaphore, #tpu.memory_space<semaphore_mem>>)
      %dma_start3A_432 = arith.constant 8064 : i32
      %dma_start3A_433 = tpu.memref_slice %arg10[%dma_start3A_432] : memref<8192xi32, #tpu.memory_space<vmem>> -> memref<128xi32, #tpu.memory_space<vmem>>
      %dma_start3A_434 = arith.constant 8064 : i32
      %dma_start3A_435 = tpu.memref_slice %arg8[%dma_start3A_434] : memref<8192xi32, #tpu.memory_space<vmem>> -> memref<128xi32, #tpu.memory_space<vmem>>
      %dma_start3A_436 = arith.constant 0 : i32
      %dma_start3A_437 = tpu.memref_slice %arg3[%dma_start3A_436] : memref<2097153xi32, #tpu.memory_space<hbm>> -> memref<2097153xi32, #tpu.memory_space<hbm>>
      tpu.enqueue_indirect_dma source(%dma_start3A_437 : memref<2097153xi32, #tpu.memory_space<hbm>>) target(%dma_start3A_433 : memref<128xi32, #tpu.memory_space<vmem>>) offsets(%dma_start3A_435 : memref<128xi32, #tpu.memory_space<vmem>>) semaphore(%arg16 : memref<!tpu.dma_semaphore, #tpu.memory_space<semaphore_mem>>)
      %ge3A_438 = arith.constant 1 : i32
      %ge3A_439 = arith.cmpi sge, %add3A_36, %ge3A_438 : i32
      %convert_element_type3A_440 = arith.extui %ge3A_439 : i1 to i32
      %cond3A_441 = arith.constant 0 : i32
      %cond3A_442 = arith.cmpi ne, %convert_element_type3A_440, %cond3A_441 : i32
      scf.if %cond3A_442 {
        %dma_wait3A_855 = arith.constant 0 : i32
        %dma_wait3A_856 = tpu.memref_slice %arg3[%dma_wait3A_855] : memref<2097153xi32, #tpu.memory_space<hbm>> -> memref<8192xi32, #tpu.memory_space<hbm>>
        %dma_wait3A_857 = arith.constant 0 : i32
        %dma_wait3A_858 = tpu.memref_slice %arg3[%dma_wait3A_857] : memref<2097153xi32, #tpu.memory_space<hbm>> -> memref<8192xi32, #tpu.memory_space<hbm>>
        tpu.wait_dma2 semaphore(%arg17 : memref<!tpu.dma_semaphore, #tpu.memory_space<semaphore_mem>>) src(%dma_wait3A_858 : memref<8192xi32, #tpu.memory_space<hbm>>) dst(%arg11 : memref<8192xi32, #tpu.memory_space<vmem>>)
        %scan3A_859 = arith.constant 0 : i32
        %scan3A_860 = arith.constant 0 : i32
        %scan3A_861 = arith.constant 512 : i32
        %scan3A_862 = arith.addi %scan3A_860, %scan3A_861 : i32
        %scan3A_863 = arith.constant 1 : i32
        scf.for %scan3A_874 = %scan3A_860 to %scan3A_862 step %scan3A_863  : i32 {
          %mul3A_875 = arith.constant 16 : i32
          %mul3A_876 = arith.muli %scan3A_874, %mul3A_875 : i32
          %get3A = arith.index_cast %mul3A_876 : i32 to index
          %get3A_877 = tpu.vector_load %arg11[%get3A] {strides = array<i32>} : memref<8192xi32, #tpu.memory_space<vmem>>, vector<16xi32>,
          %and3A = vector.broadcast %scan3A_5 : i32 to vector<16xi32>
          %and3A_878 = arith.andi %get3A_877, %and3A : vector<16xi32>
          %swap3A = arith.index_cast %mul3A_876 : i32 to index
          %swap3A_879 = tpu.vector_load %arg13[%swap3A] {strides = array<i32>} : memref<8192xi32, #tpu.memory_space<vmem>>, vector<16xi32>,
          tpu.vector_store %arg13[%swap3A], %and3A_878 {strides = array<i32>} : memref<8192xi32, #tpu.memory_space<vmem>>, vector<16xi32>,
          %shift_right_logical3A = arith.constant 31 : i32
          %shift_right_logical3A_880 = vector.broadcast %shift_right_logical3A : i32 to vector<16xi32>
          %shift_right_logical3A_881 = arith.shrui %get3A_877, %shift_right_logical3A_880 : vector<16xi32>
          %swap3A_882 = arith.index_cast %mul3A_876 : i32 to index
          %swap3A_883 = tpu.vector_load %arg15[%swap3A_882] {strides = array<i32>} : memref<8192xi32, #tpu.memory_space<vmem>>, vector<16xi32>,
          tpu.vector_store %arg15[%swap3A_882], %shift_right_logical3A_881 {strides = array<i32>} : memref<8192xi32, #tpu.memory_space<vmem>>, vector<16xi32>,
        }
        %scan3A_864 = arith.constant 512 : i32
        %sub3A = arith.constant 1 : i32
        %sub3A_865 = arith.subi %add3A_36, %sub3A : i32
        %mul3A_866 = arith.constant 8192 : i32
        %mul3A_867 = arith.muli %sub3A_865, %mul3A_866 : i32
        %add3A_868 = arith.addi %multiple_of3A, %mul3A_867 : i32
        %multiple_of3A_869 = tpu.assume_multiple %add3A_868, 8192 : i32
        %dma_start3A_870 = tpu.memref_slice %arg4[%multiple_of3A_869] : memref<4194304xi32, #tpu.memory_space<hbm>> -> memref<8192xi32, #tpu.memory_space<hbm>>
        %dma_start3A_871 = tpu.memref_slice %arg4[%multiple_of3A_869] : memref<4194304xi32, #tpu.memory_space<hbm>> -> memref<8192xi32, #tpu.memory_space<hbm>>
        tpu.enqueue_dma source(%arg13 : memref<8192xi32, #tpu.memory_space<vmem>>) target(%dma_start3A_871 : memref<8192xi32, #tpu.memory_space<hbm>>) target_semaphore(%arg19 : memref<!tpu.dma_semaphore, #tpu.memory_space<semaphore_mem>>)
        %dma_start3A_872 = tpu.memref_slice %arg5[%multiple_of3A_869] : memref<4194304xi32, #tpu.memory_space<hbm>> -> memref<8192xi32, #tpu.memory_space<hbm>>
        %dma_start3A_873 = tpu.memref_slice %arg5[%multiple_of3A_869] : memref<4194304xi32, #tpu.memory_space<hbm>> -> memref<8192xi32, #tpu.memory_space<hbm>>
        tpu.enqueue_dma source(%arg15 : memref<8192xi32, #tpu.memory_space<vmem>>) target(%dma_start3A_873 : memref<8192xi32, #tpu.memory_space<hbm>>) target_semaphore(%arg19 : memref<!tpu.dma_semaphore, #tpu.memory_space<semaphore_mem>>)
      } else {
      }
      %add3A_443 = arith.constant 1 : i32
      %add3A_444 = arith.addi %mul3A_34, %add3A_443 : i32
      %mul3A_445 = arith.constant 8192 : i32
      %mul3A_446 = arith.muli %add3A_444, %mul3A_445 : i32
      %add3A_447 = arith.addi %multiple_of3A, %mul3A_446 : i32
      %multiple_of3A_448 = tpu.assume_multiple %add3A_447, 8192 : i32
      %add3A_449 = arith.constant 0 : i32
      %add3A_450 = arith.addi %add3A_449, %multiple_of3A_448 : i32
      "tpu.region"() ({
        %run_scoped3A = tpu.sem_alloc : memref<!tpu.dma_semaphore, #tpu.memory_space<semaphore_mem>>
        %dma_start3A_855 = arith.constant 0 : i32
        %dma_start3A_856 = tpu.memref_slice %arg7[%dma_start3A_855] : memref<24576xf32, #tpu.memory_space<vmem>> -> memref<8192xf32, #tpu.memory_space<vmem>>
        %dma_start3A_857 = tpu.memref_slice %arg2[%add3A_450] : memref<12582912xf32, #tpu.memory_space<hbm>> -> memref<8192xf32, #tpu.memory_space<hbm>>
        %dma_start3A_858 = arith.constant 0 : i32
        %dma_start3A_859 = tpu.memref_slice %arg7[%dma_start3A_858] : memref<24576xf32, #tpu.memory_space<vmem>> -> memref<8192xf32, #tpu.memory_space<vmem>>
        %dma_start3A_860 = tpu.memref_slice %arg2[%add3A_450] : memref<12582912xf32, #tpu.memory_space<hbm>> -> memref<8192xf32, #tpu.memory_space<hbm>>
        tpu.enqueue_dma source(%dma_start3A_860 : memref<8192xf32, #tpu.memory_space<hbm>>) target(%dma_start3A_859 : memref<8192xf32, #tpu.memory_space<vmem>>) target_semaphore(%run_scoped3A : memref<!tpu.dma_semaphore, #tpu.memory_space<semaphore_mem>>)
        %dma_wait3A_861 = arith.constant 0 : i32
        %dma_wait3A_862 = tpu.memref_slice %arg7[%dma_wait3A_861] : memref<24576xf32, #tpu.memory_space<vmem>> -> memref<8192xf32, #tpu.memory_space<vmem>>
        %dma_wait3A_863 = tpu.memref_slice %arg2[%add3A_450] : memref<12582912xf32, #tpu.memory_space<hbm>> -> memref<8192xf32, #tpu.memory_space<hbm>>
        %dma_wait3A_864 = arith.constant 0 : i32
        %dma_wait3A_865 = tpu.memref_slice %arg7[%dma_wait3A_864] : memref<24576xf32, #tpu.memory_space<vmem>> -> memref<8192xf32, #tpu.memory_space<vmem>>
        %dma_wait3A_866 = tpu.memref_slice %arg2[%add3A_450] : memref<12582912xf32, #tpu.memory_space<hbm>> -> memref<8192xf32, #tpu.memory_space<hbm>>
        tpu.wait_dma2 semaphore(%run_scoped3A : memref<!tpu.dma_semaphore, #tpu.memory_space<semaphore_mem>>) src(%dma_wait3A_866 : memref<8192xf32, #tpu.memory_space<hbm>>) dst(%dma_wait3A_865 : memref<8192xf32, #tpu.memory_space<vmem>>)
        tpu.yield
      }) : () -> ()
      %add3A_451 = arith.constant 4194304 : i32
      %add3A_452 = arith.addi %add3A_451, %multiple_of3A_448 : i32
      "tpu.region"() ({
        %run_scoped3A = tpu.sem_alloc : memref<!tpu.dma_semaphore, #tpu.memory_space<semaphore_mem>>
        %dma_start3A_855 = arith.constant 8192 : i32
        %dma_start3A_856 = tpu.memref_slice %arg7[%dma_start3A_855] : memref<24576xf32, #tpu.memory_space<vmem>> -> memref<8192xf32, #tpu.memory_space<vmem>>
        %dma_start3A_857 = tpu.memref_slice %arg2[%add3A_452] : memref<12582912xf32, #tpu.memory_space<hbm>> -> memref<8192xf32, #tpu.memory_space<hbm>>
        %dma_start3A_858 = arith.constant 8192 : i32
        %dma_start3A_859 = tpu.memref_slice %arg7[%dma_start3A_858] : memref<24576xf32, #tpu.memory_space<vmem>> -> memref<8192xf32, #tpu.memory_space<vmem>>
        %dma_start3A_860 = tpu.memref_slice %arg2[%add3A_452] : memref<12582912xf32, #tpu.memory_space<hbm>> -> memref<8192xf32, #tpu.memory_space<hbm>>
        tpu.enqueue_dma source(%dma_start3A_860 : memref<8192xf32, #tpu.memory_space<hbm>>) target(%dma_start3A_859 : memref<8192xf32, #tpu.memory_space<vmem>>) target_semaphore(%run_scoped3A : memref<!tpu.dma_semaphore, #tpu.memory_space<semaphore_mem>>)
        %dma_wait3A_861 = arith.constant 8192 : i32
        %dma_wait3A_862 = tpu.memref_slice %arg7[%dma_wait3A_861] : memref<24576xf32, #tpu.memory_space<vmem>> -> memref<8192xf32, #tpu.memory_space<vmem>>
        %dma_wait3A_863 = tpu.memref_slice %arg2[%add3A_452] : memref<12582912xf32, #tpu.memory_space<hbm>> -> memref<8192xf32, #tpu.memory_space<hbm>>
        %dma_wait3A_864 = arith.constant 8192 : i32
        %dma_wait3A_865 = tpu.memref_slice %arg7[%dma_wait3A_864] : memref<24576xf32, #tpu.memory_space<vmem>> -> memref<8192xf32, #tpu.memory_space<vmem>>
        %dma_wait3A_866 = tpu.memref_slice %arg2[%add3A_452] : memref<12582912xf32, #tpu.memory_space<hbm>> -> memref<8192xf32, #tpu.memory_space<hbm>>
        tpu.wait_dma2 semaphore(%run_scoped3A : memref<!tpu.dma_semaphore, #tpu.memory_space<semaphore_mem>>) src(%dma_wait3A_866 : memref<8192xf32, #tpu.memory_space<hbm>>) dst(%dma_wait3A_865 : memref<8192xf32, #tpu.memory_space<vmem>>)
        tpu.yield
      }) : () -> ()
      %add3A_453 = arith.constant 8388608 : i32
      %add3A_454 = arith.addi %add3A_453, %multiple_of3A_448 : i32
      "tpu.region"() ({
        %run_scoped3A = tpu.sem_alloc : memref<!tpu.dma_semaphore, #tpu.memory_space<semaphore_mem>>
        %dma_start3A_855 = arith.constant 16384 : i32
        %dma_start3A_856 = tpu.memref_slice %arg7[%dma_start3A_855] : memref<24576xf32, #tpu.memory_space<vmem>> -> memref<8192xf32, #tpu.memory_space<vmem>>
        %dma_start3A_857 = tpu.memref_slice %arg2[%add3A_454] : memref<12582912xf32, #tpu.memory_space<hbm>> -> memref<8192xf32, #tpu.memory_space<hbm>>
        %dma_start3A_858 = arith.constant 16384 : i32
        %dma_start3A_859 = tpu.memref_slice %arg7[%dma_start3A_858] : memref<24576xf32, #tpu.memory_space<vmem>> -> memref<8192xf32, #tpu.memory_space<vmem>>
        %dma_start3A_860 = tpu.memref_slice %arg2[%add3A_454] : memref<12582912xf32, #tpu.memory_space<hbm>> -> memref<8192xf32, #tpu.memory_space<hbm>>
        tpu.enqueue_dma source(%dma_start3A_860 : memref<8192xf32, #tpu.memory_space<hbm>>) target(%dma_start3A_859 : memref<8192xf32, #tpu.memory_space<vmem>>) target_semaphore(%run_scoped3A : memref<!tpu.dma_semaphore, #tpu.memory_space<semaphore_mem>>)
        %dma_wait3A_861 = arith.constant 16384 : i32
        %dma_wait3A_862 = tpu.memref_slice %arg7[%dma_wait3A_861] : memref<24576xf32, #tpu.memory_space<vmem>> -> memref<8192xf32, #tpu.memory_space<vmem>>
        %dma_wait3A_863 = tpu.memref_slice %arg2[%add3A_454] : memref<12582912xf32, #tpu.memory_space<hbm>> -> memref<8192xf32, #tpu.memory_space<hbm>>
        %dma_wait3A_864 = arith.constant 16384 : i32
        %dma_wait3A_865 = tpu.memref_slice %arg7[%dma_wait3A_864] : memref<24576xf32, #tpu.memory_space<vmem>> -> memref<8192xf32, #tpu.memory_space<vmem>>
        %dma_wait3A_866 = tpu.memref_slice %arg2[%add3A_454] : memref<12582912xf32, #tpu.memory_space<hbm>> -> memref<8192xf32, #tpu.memory_space<hbm>>
        tpu.wait_dma2 semaphore(%run_scoped3A : memref<!tpu.dma_semaphore, #tpu.memory_space<semaphore_mem>>) src(%dma_wait3A_866 : memref<8192xf32, #tpu.memory_space<hbm>>) dst(%dma_wait3A_865 : memref<8192xf32, #tpu.memory_space<vmem>>)
        tpu.yield
      }) : () -> ()
      %scan3A_455 = arith.constant 0 : i32
      %scan3A_456 = arith.constant 0 : i32
      %scan3A_457 = arith.constant 512 : i32
      %scan3A_458 = arith.addi %scan3A_456, %scan3A_457 : i32
      %scan3A_459 = arith.constant 1 : i32
      scf.for %scan3A_855 = %scan3A_456 to %scan3A_458 step %scan3A_459  : i32 {
        %mul3A_856 = arith.constant 16 : i32
        %mul3A_857 = arith.muli %scan3A_855, %mul3A_856 : i32
        %get3A = arith.index_cast %mul3A_857 : i32 to index
        %get3A_858 = tpu.vector_load %arg7[%get3A] {strides = array<i32>} : memref<24576xf32, #tpu.memory_space<vmem>>, vector<16xf32>,
        %add3A_859 = arith.constant 8192 : i32
        %add3A_860 = arith.addi %add3A_859, %mul3A_857 : i32
        %get3A_861 = arith.index_cast %add3A_860 : i32 to index
        %get3A_862 = tpu.vector_load %arg7[%get3A_861] {strides = array<i32>} : memref<24576xf32, #tpu.memory_space<vmem>>, vector<16xf32>,
        %add3A_863 = arith.constant 16384 : i32
        %add3A_864 = arith.addi %add3A_863, %mul3A_857 : i32
        %get3A_865 = arith.index_cast %add3A_864 : i32 to index
        %get3A_866 = tpu.vector_load %arg7[%get3A_865] {strides = array<i32>} : memref<24576xf32, #tpu.memory_space<vmem>>, vector<16xf32>,
        %mul3A_867 = arith.constant 1.280000e+02 : f32
        %mul3A_868 = vector.broadcast %mul3A_867 : f32 to vector<16xf32>
        %mul3A_869 = arith.mulf %get3A_858, %mul3A_868 : vector<16xf32>
        %convert_element_type3A_870 = arith.fptosi %mul3A_869 : vector<16xf32> to vector<16xi32>
        %mul3A_871 = arith.constant 1.280000e+02 : f32
        %mul3A_872 = vector.broadcast %mul3A_871 : f32 to vector<16xf32>
        %mul3A_873 = arith.mulf %get3A_862, %mul3A_872 : vector<16xf32>
        %convert_element_type3A_874 = arith.fptosi %mul3A_873 : vector<16xf32> to vector<16xi32>
        %mul3A_875 = arith.constant 1.280000e+02 : f32
        %mul3A_876 = vector.broadcast %mul3A_875 : f32 to vector<16xf32>
        %mul3A_877 = arith.mulf %get3A_866, %mul3A_876 : vector<16xf32>
        %convert_element_type3A_878 = arith.fptosi %mul3A_877 : vector<16xf32> to vector<16xi32>
        %gt3A = vector.broadcast %scan3A_3 : f32 to vector<16xf32>
        %gt3A_879 = arith.cmpf ogt, %get3A_858, %gt3A : vector<16xf32>
        %gt3A_880 = vector.broadcast %scan3A_3 : f32 to vector<16xf32>
        %gt3A_881 = arith.cmpf ogt, %get3A_862, %gt3A_880 : vector<16xf32>
        %and3A = arith.andi %gt3A_879, %gt3A_881 : vector<16xi1>
        %gt3A_882 = vector.broadcast %scan3A_3 : f32 to vector<16xf32>
        %gt3A_883 = arith.cmpf ogt, %get3A_866, %gt3A_882 : vector<16xf32>
        %and3A_884 = arith.andi %and3A, %gt3A_883 : vector<16xi1>
        %shift_left3A = arith.constant 14 : i32
        %shift_left3A_885 = vector.broadcast %shift_left3A : i32 to vector<16xi32>
        %shift_left3A_886 = arith.shli %convert_element_type3A_870, %shift_left3A_885 : vector<16xi32>
        %shift_left3A_887 = arith.constant 7 : i32
        %shift_left3A_888 = vector.broadcast %shift_left3A_887 : i32 to vector<16xi32>
        %shift_left3A_889 = arith.shli %convert_element_type3A_874, %shift_left3A_888 : vector<16xi32>
        %add3A_890 = arith.addi %shift_left3A_886, %shift_left3A_889 : vector<16xi32>
        %add3A_891 = arith.addi %add3A_890, %convert_element_type3A_878 : vector<16xi32>
        %broadcast_in_dim3A = vector.broadcast %scan3A_4 : i32 to vector<16xi32>
        %select_n3A = arith.select %and3A_884, %add3A_891, %broadcast_in_dim3A : vector<16xi1>, vector<16xi32>
        %swap3A = arith.index_cast %mul3A_857 : i32 to index
        %swap3A_892 = tpu.vector_load %arg9[%swap3A] {strides = array<i32>} : memref<8192xi32, #tpu.memory_space<vmem>>, vector<16xi32>,
        tpu.vector_store %arg9[%swap3A], %select_n3A {strides = array<i32>} : memref<8192xi32, #tpu.memory_space<vmem>>, vector<16xi32>,
      }
      %scan3A_460 = arith.constant 512 : i32
      %ge3A_461 = arith.constant 2 : i32
      %ge3A_462 = arith.cmpi sge, %add3A_444, %ge3A_461 : i32
      %convert_element_type3A_463 = arith.extui %ge3A_462 : i1 to i32
      %cond3A_464 = arith.constant 0 : i32
      %cond3A_465 = arith.cmpi ne, %convert_element_type3A_463, %cond3A_464 : i32
      scf.if %cond3A_465 {
        %dma_wait3A_855 = arith.constant 0 : i32
        %dma_wait3A_856 = tpu.memref_slice %arg4[%dma_wait3A_855] : memref<4194304xi32, #tpu.memory_space<hbm>> -> memref<8192xi32, #tpu.memory_space<hbm>>
        %dma_wait3A_857 = arith.constant 0 : i32
        %dma_wait3A_858 = tpu.memref_slice %arg4[%dma_wait3A_857] : memref<4194304xi32, #tpu.memory_space<hbm>> -> memref<8192xi32, #tpu.memory_space<hbm>>
        tpu.wait_dma2 semaphore(%arg19 : memref<!tpu.dma_semaphore, #tpu.memory_space<semaphore_mem>>) src(%arg13 : memref<8192xi32, #tpu.memory_space<vmem>>) dst(%dma_wait3A_858 : memref<8192xi32, #tpu.memory_space<hbm>>)
        %dma_wait3A_859 = arith.constant 0 : i32
        %dma_wait3A_860 = tpu.memref_slice %arg5[%dma_wait3A_859] : memref<4194304xi32, #tpu.memory_space<hbm>> -> memref<8192xi32, #tpu.memory_space<hbm>>
        %dma_wait3A_861 = arith.constant 0 : i32
        %dma_wait3A_862 = tpu.memref_slice %arg5[%dma_wait3A_861] : memref<4194304xi32, #tpu.memory_space<hbm>> -> memref<8192xi32, #tpu.memory_space<hbm>>
        tpu.wait_dma2 semaphore(%arg19 : memref<!tpu.dma_semaphore, #tpu.memory_space<semaphore_mem>>) src(%arg15 : memref<8192xi32, #tpu.memory_space<vmem>>) dst(%dma_wait3A_862 : memref<8192xi32, #tpu.memory_space<hbm>>)
      } else {
      }
      %dma_start3A_466 = arith.constant 0 : i32
      %dma_start3A_467 = tpu.memref_slice %arg11[%dma_start3A_466] : memref<8192xi32, #tpu.memory_space<vmem>> -> memref<128xi32, #tpu.memory_space<vmem>>
      %dma_start3A_468 = arith.constant 0 : i32
      %dma_start3A_469 = tpu.memref_slice %arg9[%dma_start3A_468] : memref<8192xi32, #tpu.memory_space<vmem>> -> memref<128xi32, #tpu.memory_space<vmem>>
      %dma_start3A_470 = arith.constant 0 : i32
      %dma_start3A_471 = tpu.memref_slice %arg3[%dma_start3A_470] : memref<2097153xi32, #tpu.memory_space<hbm>> -> memref<2097153xi32, #tpu.memory_space<hbm>>
      tpu.enqueue_indirect_dma source(%dma_start3A_471 : memref<2097153xi32, #tpu.memory_space<hbm>>) target(%dma_start3A_467 : memref<128xi32, #tpu.memory_space<vmem>>) offsets(%dma_start3A_469 : memref<128xi32, #tpu.memory_space<vmem>>) semaphore(%arg17 : memref<!tpu.dma_semaphore, #tpu.memory_space<semaphore_mem>>)
      %dma_start3A_472 = arith.constant 128 : i32
      %dma_start3A_473 = tpu.memref_slice %arg11[%dma_start3A_472] : memref<8192xi32, #tpu.memory_space<vmem>> -> memref<128xi32, #tpu.memory_space<vmem>>
      %dma_start3A_474 = arith.constant 128 : i32
      %dma_start3A_475 = tpu.memref_slice %arg9[%dma_start3A_474] : memref<8192xi32, #tpu.memory_space<vmem>> -> memref<128xi32, #tpu.memory_space<vmem>>
      %dma_start3A_476 = arith.constant 0 : i32
      %dma_start3A_477 = tpu.memref_slice %arg3[%dma_start3A_476] : memref<2097153xi32, #tpu.memory_space<hbm>> -> memref<2097153xi32, #tpu.memory_space<hbm>>
      tpu.enqueue_indirect_dma source(%dma_start3A_477 : memref<2097153xi32, #tpu.memory_space<hbm>>) target(%dma_start3A_473 : memref<128xi32, #tpu.memory_space<vmem>>) offsets(%dma_start3A_475 : memref<128xi32, #tpu.memory_space<vmem>>) semaphore(%arg17 : memref<!tpu.dma_semaphore, #tpu.memory_space<semaphore_mem>>)
      %dma_start3A_478 = arith.constant 256 : i32
      %dma_start3A_479 = tpu.memref_slice %arg11[%dma_start3A_478] : memref<8192xi32, #tpu.memory_space<vmem>> -> memref<128xi32, #tpu.memory_space<vmem>>
      %dma_start3A_480 = arith.constant 256 : i32
      %dma_start3A_481 = tpu.memref_slice %arg9[%dma_start3A_480] : memref<8192xi32, #tpu.memory_space<vmem>> -> memref<128xi32, #tpu.memory_space<vmem>>
      %dma_start3A_482 = arith.constant 0 : i32
      %dma_start3A_483 = tpu.memref_slice %arg3[%dma_start3A_482] : memref<2097153xi32, #tpu.memory_space<hbm>> -> memref<2097153xi32, #tpu.memory_space<hbm>>
      tpu.enqueue_indirect_dma source(%dma_start3A_483 : memref<2097153xi32, #tpu.memory_space<hbm>>) target(%dma_start3A_479 : memref<128xi32, #tpu.memory_space<vmem>>) offsets(%dma_start3A_481 : memref<128xi32, #tpu.memory_space<vmem>>) semaphore(%arg17 : memref<!tpu.dma_semaphore, #tpu.memory_space<semaphore_mem>>)
      %dma_start3A_484 = arith.constant 384 : i32
      %dma_start3A_485 = tpu.memref_slice %arg11[%dma_start3A_484] : memref<8192xi32, #tpu.memory_space<vmem>> -> memref<128xi32, #tpu.memory_space<vmem>>
      %dma_start3A_486 = arith.constant 384 : i32
      %dma_start3A_487 = tpu.memref_slice %arg9[%dma_start3A_486] : memref<8192xi32, #tpu.memory_space<vmem>> -> memref<128xi32, #tpu.memory_space<vmem>>
      %dma_start3A_488 = arith.constant 0 : i32
      %dma_start3A_489 = tpu.memref_slice %arg3[%dma_start3A_488] : memref<2097153xi32, #tpu.memory_space<hbm>> -> memref<2097153xi32, #tpu.memory_space<hbm>>
      tpu.enqueue_indirect_dma source(%dma_start3A_489 : memref<2097153xi32, #tpu.memory_space<hbm>>) target(%dma_start3A_485 : memref<128xi32, #tpu.memory_space<vmem>>) offsets(%dma_start3A_487 : memref<128xi32, #tpu.memory_space<vmem>>) semaphore(%arg17 : memref<!tpu.dma_semaphore, #tpu.memory_space<semaphore_mem>>)
      %dma_start3A_490 = arith.constant 512 : i32
      %dma_start3A_491 = tpu.memref_slice %arg11[%dma_start3A_490] : memref<8192xi32, #tpu.memory_space<vmem>> -> memref<128xi32, #tpu.memory_space<vmem>>
      %dma_start3A_492 = arith.constant 512 : i32
      %dma_start3A_493 = tpu.memref_slice %arg9[%dma_start3A_492] : memref<8192xi32, #tpu.memory_space<vmem>> -> memref<128xi32, #tpu.memory_space<vmem>>
      %dma_start3A_494 = arith.constant 0 : i32
      %dma_start3A_495 = tpu.memref_slice %arg3[%dma_start3A_494] : memref<2097153xi32, #tpu.memory_space<hbm>> -> memref<2097153xi32, #tpu.memory_space<hbm>>
      tpu.enqueue_indirect_dma source(%dma_start3A_495 : memref<2097153xi32, #tpu.memory_space<hbm>>) target(%dma_start3A_491 : memref<128xi32, #tpu.memory_space<vmem>>) offsets(%dma_start3A_493 : memref<128xi32, #tpu.memory_space<vmem>>) semaphore(%arg17 : memref<!tpu.dma_semaphore, #tpu.memory_space<semaphore_mem>>)
      %dma_start3A_496 = arith.constant 640 : i32
      %dma_start3A_497 = tpu.memref_slice %arg11[%dma_start3A_496] : memref<8192xi32, #tpu.memory_space<vmem>> -> memref<128xi32, #tpu.memory_space<vmem>>
      %dma_start3A_498 = arith.constant 640 : i32
      %dma_start3A_499 = tpu.memref_slice %arg9[%dma_start3A_498] : memref<8192xi32, #tpu.memory_space<vmem>> -> memref<128xi32, #tpu.memory_space<vmem>>
      %dma_start3A_500 = arith.constant 0 : i32
      %dma_start3A_501 = tpu.memref_slice %arg3[%dma_start3A_500] : memref<2097153xi32, #tpu.memory_space<hbm>> -> memref<2097153xi32, #tpu.memory_space<hbm>>
      tpu.enqueue_indirect_dma source(%dma_start3A_501 : memref<2097153xi32, #tpu.memory_space<hbm>>) target(%dma_start3A_497 : memref<128xi32, #tpu.memory_space<vmem>>) offsets(%dma_start3A_499 : memref<128xi32, #tpu.memory_space<vmem>>) semaphore(%arg17 : memref<!tpu.dma_semaphore, #tpu.memory_space<semaphore_mem>>)
      %dma_start3A_502 = arith.constant 768 : i32
      %dma_start3A_503 = tpu.memref_slice %arg11[%dma_start3A_502] : memref<8192xi32, #tpu.memory_space<vmem>> -> memref<128xi32, #tpu.memory_space<vmem>>
      %dma_start3A_504 = arith.constant 768 : i32
      %dma_start3A_505 = tpu.memref_slice %arg9[%dma_start3A_504] : memref<8192xi32, #tpu.memory_space<vmem>> -> memref<128xi32, #tpu.memory_space<vmem>>
      %dma_start3A_506 = arith.constant 0 : i32
      %dma_start3A_507 = tpu.memref_slice %arg3[%dma_start3A_506] : memref<2097153xi32, #tpu.memory_space<hbm>> -> memref<2097153xi32, #tpu.memory_space<hbm>>
      tpu.enqueue_indirect_dma source(%dma_start3A_507 : memref<2097153xi32, #tpu.memory_space<hbm>>) target(%dma_start3A_503 : memref<128xi32, #tpu.memory_space<vmem>>) offsets(%dma_start3A_505 : memref<128xi32, #tpu.memory_space<vmem>>) semaphore(%arg17 : memref<!tpu.dma_semaphore, #tpu.memory_space<semaphore_mem>>)
      %dma_start3A_508 = arith.constant 896 : i32
      %dma_start3A_509 = tpu.memref_slice %arg11[%dma_start3A_508] : memref<8192xi32, #tpu.memory_space<vmem>> -> memref<128xi32, #tpu.memory_space<vmem>>
      %dma_start3A_510 = arith.constant 896 : i32
      %dma_start3A_511 = tpu.memref_slice %arg9[%dma_start3A_510] : memref<8192xi32, #tpu.memory_space<vmem>> -> memref<128xi32, #tpu.memory_space<vmem>>
      %dma_start3A_512 = arith.constant 0 : i32
      %dma_start3A_513 = tpu.memref_slice %arg3[%dma_start3A_512] : memref<2097153xi32, #tpu.memory_space<hbm>> -> memref<2097153xi32, #tpu.memory_space<hbm>>
      tpu.enqueue_indirect_dma source(%dma_start3A_513 : memref<2097153xi32, #tpu.memory_space<hbm>>) target(%dma_start3A_509 : memref<128xi32, #tpu.memory_space<vmem>>) offsets(%dma_start3A_511 : memref<128xi32, #tpu.memory_space<vmem>>) semaphore(%arg17 : memref<!tpu.dma_semaphore, #tpu.memory_space<semaphore_mem>>)
      %dma_start3A_514 = arith.constant 1024 : i32
      %dma_start3A_515 = tpu.memref_slice %arg11[%dma_start3A_514] : memref<8192xi32, #tpu.memory_space<vmem>> -> memref<128xi32, #tpu.memory_space<vmem>>
      %dma_start3A_516 = arith.constant 1024 : i32
      %dma_start3A_517 = tpu.memref_slice %arg9[%dma_start3A_516] : memref<8192xi32, #tpu.memory_space<vmem>> -> memref<128xi32, #tpu.memory_space<vmem>>
      %dma_start3A_518 = arith.constant 0 : i32
      %dma_start3A_519 = tpu.memref_slice %arg3[%dma_start3A_518] : memref<2097153xi32, #tpu.memory_space<hbm>> -> memref<2097153xi32, #tpu.memory_space<hbm>>
      tpu.enqueue_indirect_dma source(%dma_start3A_519 : memref<2097153xi32, #tpu.memory_space<hbm>>) target(%dma_start3A_515 : memref<128xi32, #tpu.memory_space<vmem>>) offsets(%dma_start3A_517 : memref<128xi32, #tpu.memory_space<vmem>>) semaphore(%arg17 : memref<!tpu.dma_semaphore, #tpu.memory_space<semaphore_mem>>)
      %dma_start3A_520 = arith.constant 1152 : i32
      %dma_start3A_521 = tpu.memref_slice %arg11[%dma_start3A_520] : memref<8192xi32, #tpu.memory_space<vmem>> -> memref<128xi32, #tpu.memory_space<vmem>>
      %dma_start3A_522 = arith.constant 1152 : i32
      %dma_start3A_523 = tpu.memref_slice %arg9[%dma_start3A_522] : memref<8192xi32, #tpu.memory_space<vmem>> -> memref<128xi32, #tpu.memory_space<vmem>>
      %dma_start3A_524 = arith.constant 0 : i32
      %dma_start3A_525 = tpu.memref_slice %arg3[%dma_start3A_524] : memref<2097153xi32, #tpu.memory_space<hbm>> -> memref<2097153xi32, #tpu.memory_space<hbm>>
      tpu.enqueue_indirect_dma source(%dma_start3A_525 : memref<2097153xi32, #tpu.memory_space<hbm>>) target(%dma_start3A_521 : memref<128xi32, #tpu.memory_space<vmem>>) offsets(%dma_start3A_523 : memref<128xi32, #tpu.memory_space<vmem>>) semaphore(%arg17 : memref<!tpu.dma_semaphore, #tpu.memory_space<semaphore_mem>>)
      %dma_start3A_526 = arith.constant 1280 : i32
      %dma_start3A_527 = tpu.memref_slice %arg11[%dma_start3A_526] : memref<8192xi32, #tpu.memory_space<vmem>> -> memref<128xi32, #tpu.memory_space<vmem>>
      %dma_start3A_528 = arith.constant 1280 : i32
      %dma_start3A_529 = tpu.memref_slice %arg9[%dma_start3A_528] : memref<8192xi32, #tpu.memory_space<vmem>> -> memref<128xi32, #tpu.memory_space<vmem>>
      %dma_start3A_530 = arith.constant 0 : i32
      %dma_start3A_531 = tpu.memref_slice %arg3[%dma_start3A_530] : memref<2097153xi32, #tpu.memory_space<hbm>> -> memref<2097153xi32, #tpu.memory_space<hbm>>
      tpu.enqueue_indirect_dma source(%dma_start3A_531 : memref<2097153xi32, #tpu.memory_space<hbm>>) target(%dma_start3A_527 : memref<128xi32, #tpu.memory_space<vmem>>) offsets(%dma_start3A_529 : memref<128xi32, #tpu.memory_space<vmem>>) semaphore(%arg17 : memref<!tpu.dma_semaphore, #tpu.memory_space<semaphore_mem>>)
      %dma_start3A_532 = arith.constant 1408 : i32
      %dma_start3A_533 = tpu.memref_slice %arg11[%dma_start3A_532] : memref<8192xi32, #tpu.memory_space<vmem>> -> memref<128xi32, #tpu.memory_space<vmem>>
      %dma_start3A_534 = arith.constant 1408 : i32
      %dma_start3A_535 = tpu.memref_slice %arg9[%dma_start3A_534] : memref<8192xi32, #tpu.memory_space<vmem>> -> memref<128xi32, #tpu.memory_space<vmem>>
      %dma_start3A_536 = arith.constant 0 : i32
      %dma_start3A_537 = tpu.memref_slice %arg3[%dma_start3A_536] : memref<2097153xi32, #tpu.memory_space<hbm>> -> memref<2097153xi32, #tpu.memory_space<hbm>>
      tpu.enqueue_indirect_dma source(%dma_start3A_537 : memref<2097153xi32, #tpu.memory_space<hbm>>) target(%dma_start3A_533 : memref<128xi32, #tpu.memory_space<vmem>>) offsets(%dma_start3A_535 : memref<128xi32, #tpu.memory_space<vmem>>) semaphore(%arg17 : memref<!tpu.dma_semaphore, #tpu.memory_space<semaphore_mem>>)
      %dma_start3A_538 = arith.constant 1536 : i32
      %dma_start3A_539 = tpu.memref_slice %arg11[%dma_start3A_538] : memref<8192xi32, #tpu.memory_space<vmem>> -> memref<128xi32, #tpu.memory_space<vmem>>
      %dma_start3A_540 = arith.constant 1536 : i32
      %dma_start3A_541 = tpu.memref_slice %arg9[%dma_start3A_540] : memref<8192xi32, #tpu.memory_space<vmem>> -> memref<128xi32, #tpu.memory_space<vmem>>
      %dma_start3A_542 = arith.constant 0 : i32
      %dma_start3A_543 = tpu.memref_slice %arg3[%dma_start3A_542] : memref<2097153xi32, #tpu.memory_space<hbm>> -> memref<2097153xi32, #tpu.memory_space<hbm>>
      tpu.enqueue_indirect_dma source(%dma_start3A_543 : memref<2097153xi32, #tpu.memory_space<hbm>>) target(%dma_start3A_539 : memref<128xi32, #tpu.memory_space<vmem>>) offsets(%dma_start3A_541 : memref<128xi32, #tpu.memory_space<vmem>>) semaphore(%arg17 : memref<!tpu.dma_semaphore, #tpu.memory_space<semaphore_mem>>)
      %dma_start3A_544 = arith.constant 1664 : i32
      %dma_start3A_545 = tpu.memref_slice %arg11[%dma_start3A_544] : memref<8192xi32, #tpu.memory_space<vmem>> -> memref<128xi32, #tpu.memory_space<vmem>>
      %dma_start3A_546 = arith.constant 1664 : i32
      %dma_start3A_547 = tpu.memref_slice %arg9[%dma_start3A_546] : memref<8192xi32, #tpu.memory_space<vmem>> -> memref<128xi32, #tpu.memory_space<vmem>>
      %dma_start3A_548 = arith.constant 0 : i32
      %dma_start3A_549 = tpu.memref_slice %arg3[%dma_start3A_548] : memref<2097153xi32, #tpu.memory_space<hbm>> -> memref<2097153xi32, #tpu.memory_space<hbm>>
      tpu.enqueue_indirect_dma source(%dma_start3A_549 : memref<2097153xi32, #tpu.memory_space<hbm>>) target(%dma_start3A_545 : memref<128xi32, #tpu.memory_space<vmem>>) offsets(%dma_start3A_547 : memref<128xi32, #tpu.memory_space<vmem>>) semaphore(%arg17 : memref<!tpu.dma_semaphore, #tpu.memory_space<semaphore_mem>>)
      %dma_start3A_550 = arith.constant 1792 : i32
      %dma_start3A_551 = tpu.memref_slice %arg11[%dma_start3A_550] : memref<8192xi32, #tpu.memory_space<vmem>> -> memref<128xi32, #tpu.memory_space<vmem>>
      %dma_start3A_552 = arith.constant 1792 : i32
      %dma_start3A_553 = tpu.memref_slice %arg9[%dma_start3A_552] : memref<8192xi32, #tpu.memory_space<vmem>> -> memref<128xi32, #tpu.memory_space<vmem>>
      %dma_start3A_554 = arith.constant 0 : i32
      %dma_start3A_555 = tpu.memref_slice %arg3[%dma_start3A_554] : memref<2097153xi32, #tpu.memory_space<hbm>> -> memref<2097153xi32, #tpu.memory_space<hbm>>
      tpu.enqueue_indirect_dma source(%dma_start3A_555 : memref<2097153xi32, #tpu.memory_space<hbm>>) target(%dma_start3A_551 : memref<128xi32, #tpu.memory_space<vmem>>) offsets(%dma_start3A_553 : memref<128xi32, #tpu.memory_space<vmem>>) semaphore(%arg17 : memref<!tpu.dma_semaphore, #tpu.memory_space<semaphore_mem>>)
      %dma_start3A_556 = arith.constant 1920 : i32
      %dma_start3A_557 = tpu.memref_slice %arg11[%dma_start3A_556] : memref<8192xi32, #tpu.memory_space<vmem>> -> memref<128xi32, #tpu.memory_space<vmem>>
      %dma_start3A_558 = arith.constant 1920 : i32
      %dma_start3A_559 = tpu.memref_slice %arg9[%dma_start3A_558] : memref<8192xi32, #tpu.memory_space<vmem>> -> memref<128xi32, #tpu.memory_space<vmem>>
      %dma_start3A_560 = arith.constant 0 : i32
      %dma_start3A_561 = tpu.memref_slice %arg3[%dma_start3A_560] : memref<2097153xi32, #tpu.memory_space<hbm>> -> memref<2097153xi32, #tpu.memory_space<hbm>>
      tpu.enqueue_indirect_dma source(%dma_start3A_561 : memref<2097153xi32, #tpu.memory_space<hbm>>) target(%dma_start3A_557 : memref<128xi32, #tpu.memory_space<vmem>>) offsets(%dma_start3A_559 : memref<128xi32, #tpu.memory_space<vmem>>) semaphore(%arg17 : memref<!tpu.dma_semaphore, #tpu.memory_space<semaphore_mem>>)
      %dma_start3A_562 = arith.constant 2048 : i32
      %dma_start3A_563 = tpu.memref_slice %arg11[%dma_start3A_562] : memref<8192xi32, #tpu.memory_space<vmem>> -> memref<128xi32, #tpu.memory_space<vmem>>
      %dma_start3A_564 = arith.constant 2048 : i32
      %dma_start3A_565 = tpu.memref_slice %arg9[%dma_start3A_564] : memref<8192xi32, #tpu.memory_space<vmem>> -> memref<128xi32, #tpu.memory_space<vmem>>
      %dma_start3A_566 = arith.constant 0 : i32
      %dma_start3A_567 = tpu.memref_slice %arg3[%dma_start3A_566] : memref<2097153xi32, #tpu.memory_space<hbm>> -> memref<2097153xi32, #tpu.memory_space<hbm>>
      tpu.enqueue_indirect_dma source(%dma_start3A_567 : memref<2097153xi32, #tpu.memory_space<hbm>>) target(%dma_start3A_563 : memref<128xi32, #tpu.memory_space<vmem>>) offsets(%dma_start3A_565 : memref<128xi32, #tpu.memory_space<vmem>>) semaphore(%arg17 : memref<!tpu.dma_semaphore, #tpu.memory_space<semaphore_mem>>)
      %dma_start3A_568 = arith.constant 2176 : i32
      %dma_start3A_569 = tpu.memref_slice %arg11[%dma_start3A_568] : memref<8192xi32, #tpu.memory_space<vmem>> -> memref<128xi32, #tpu.memory_space<vmem>>
      %dma_start3A_570 = arith.constant 2176 : i32
      %dma_start3A_571 = tpu.memref_slice %arg9[%dma_start3A_570] : memref<8192xi32, #tpu.memory_space<vmem>> -> memref<128xi32, #tpu.memory_space<vmem>>
      %dma_start3A_572 = arith.constant 0 : i32
      %dma_start3A_573 = tpu.memref_slice %arg3[%dma_start3A_572] : memref<2097153xi32, #tpu.memory_space<hbm>> -> memref<2097153xi32, #tpu.memory_space<hbm>>
      tpu.enqueue_indirect_dma source(%dma_start3A_573 : memref<2097153xi32, #tpu.memory_space<hbm>>) target(%dma_start3A_569 : memref<128xi32, #tpu.memory_space<vmem>>) offsets(%dma_start3A_571 : memref<128xi32, #tpu.memory_space<vmem>>) semaphore(%arg17 : memref<!tpu.dma_semaphore, #tpu.memory_space<semaphore_mem>>)
      %dma_start3A_574 = arith.constant 2304 : i32
      %dma_start3A_575 = tpu.memref_slice %arg11[%dma_start3A_574] : memref<8192xi32, #tpu.memory_space<vmem>> -> memref<128xi32, #tpu.memory_space<vmem>>
      %dma_start3A_576 = arith.constant 2304 : i32
      %dma_start3A_577 = tpu.memref_slice %arg9[%dma_start3A_576] : memref<8192xi32, #tpu.memory_space<vmem>> -> memref<128xi32, #tpu.memory_space<vmem>>
      %dma_start3A_578 = arith.constant 0 : i32
      %dma_start3A_579 = tpu.memref_slice %arg3[%dma_start3A_578] : memref<2097153xi32, #tpu.memory_space<hbm>> -> memref<2097153xi32, #tpu.memory_space<hbm>>
      tpu.enqueue_indirect_dma source(%dma_start3A_579 : memref<2097153xi32, #tpu.memory_space<hbm>>) target(%dma_start3A_575 : memref<128xi32, #tpu.memory_space<vmem>>) offsets(%dma_start3A_577 : memref<128xi32, #tpu.memory_space<vmem>>) semaphore(%arg17 : memref<!tpu.dma_semaphore, #tpu.memory_space<semaphore_mem>>)
      %dma_start3A_580 = arith.constant 2432 : i32
      %dma_start3A_581 = tpu.memref_slice %arg11[%dma_start3A_580] : memref<8192xi32, #tpu.memory_space<vmem>> -> memref<128xi32, #tpu.memory_space<vmem>>
      %dma_start3A_582 = arith.constant 2432 : i32
      %dma_start3A_583 = tpu.memref_slice %arg9[%dma_start3A_582] : memref<8192xi32, #tpu.memory_space<vmem>> -> memref<128xi32, #tpu.memory_space<vmem>>
      %dma_start3A_584 = arith.constant 0 : i32
      %dma_start3A_585 = tpu.memref_slice %arg3[%dma_start3A_584] : memref<2097153xi32, #tpu.memory_space<hbm>> -> memref<2097153xi32, #tpu.memory_space<hbm>>
      tpu.enqueue_indirect_dma source(%dma_start3A_585 : memref<2097153xi32, #tpu.memory_space<hbm>>) target(%dma_start3A_581 : memref<128xi32, #tpu.memory_space<vmem>>) offsets(%dma_start3A_583 : memref<128xi32, #tpu.memory_space<vmem>>) semaphore(%arg17 : memref<!tpu.dma_semaphore, #tpu.memory_space<semaphore_mem>>)
      %dma_start3A_586 = arith.constant 2560 : i32
      %dma_start3A_587 = tpu.memref_slice %arg11[%dma_start3A_586] : memref<8192xi32, #tpu.memory_space<vmem>> -> memref<128xi32, #tpu.memory_space<vmem>>
      %dma_start3A_588 = arith.constant 2560 : i32
      %dma_start3A_589 = tpu.memref_slice %arg9[%dma_start3A_588] : memref<8192xi32, #tpu.memory_space<vmem>> -> memref<128xi32, #tpu.memory_space<vmem>>
      %dma_start3A_590 = arith.constant 0 : i32
      %dma_start3A_591 = tpu.memref_slice %arg3[%dma_start3A_590] : memref<2097153xi32, #tpu.memory_space<hbm>> -> memref<2097153xi32, #tpu.memory_space<hbm>>
      tpu.enqueue_indirect_dma source(%dma_start3A_591 : memref<2097153xi32, #tpu.memory_space<hbm>>) target(%dma_start3A_587 : memref<128xi32, #tpu.memory_space<vmem>>) offsets(%dma_start3A_589 : memref<128xi32, #tpu.memory_space<vmem>>) semaphore(%arg17 : memref<!tpu.dma_semaphore, #tpu.memory_space<semaphore_mem>>)
      %dma_start3A_592 = arith.constant 2688 : i32
      %dma_start3A_593 = tpu.memref_slice %arg11[%dma_start3A_592] : memref<8192xi32, #tpu.memory_space<vmem>> -> memref<128xi32, #tpu.memory_space<vmem>>
      %dma_start3A_594 = arith.constant 2688 : i32
      %dma_start3A_595 = tpu.memref_slice %arg9[%dma_start3A_594] : memref<8192xi32, #tpu.memory_space<vmem>> -> memref<128xi32, #tpu.memory_space<vmem>>
      %dma_start3A_596 = arith.constant 0 : i32
      %dma_start3A_597 = tpu.memref_slice %arg3[%dma_start3A_596] : memref<2097153xi32, #tpu.memory_space<hbm>> -> memref<2097153xi32, #tpu.memory_space<hbm>>
      tpu.enqueue_indirect_dma source(%dma_start3A_597 : memref<2097153xi32, #tpu.memory_space<hbm>>) target(%dma_start3A_593 : memref<128xi32, #tpu.memory_space<vmem>>) offsets(%dma_start3A_595 : memref<128xi32, #tpu.memory_space<vmem>>) semaphore(%arg17 : memref<!tpu.dma_semaphore, #tpu.memory_space<semaphore_mem>>)
      %dma_start3A_598 = arith.constant 2816 : i32
      %dma_start3A_599 = tpu.memref_slice %arg11[%dma_start3A_598] : memref<8192xi32, #tpu.memory_space<vmem>> -> memref<128xi32, #tpu.memory_space<vmem>>
      %dma_start3A_600 = arith.constant 2816 : i32
      %dma_start3A_601 = tpu.memref_slice %arg9[%dma_start3A_600] : memref<8192xi32, #tpu.memory_space<vmem>> -> memref<128xi32, #tpu.memory_space<vmem>>
      %dma_start3A_602 = arith.constant 0 : i32
      %dma_start3A_603 = tpu.memref_slice %arg3[%dma_start3A_602] : memref<2097153xi32, #tpu.memory_space<hbm>> -> memref<2097153xi32, #tpu.memory_space<hbm>>
      tpu.enqueue_indirect_dma source(%dma_start3A_603 : memref<2097153xi32, #tpu.memory_space<hbm>>) target(%dma_start3A_599 : memref<128xi32, #tpu.memory_space<vmem>>) offsets(%dma_start3A_601 : memref<128xi32, #tpu.memory_space<vmem>>) semaphore(%arg17 : memref<!tpu.dma_semaphore, #tpu.memory_space<semaphore_mem>>)
      %dma_start3A_604 = arith.constant 2944 : i32
      %dma_start3A_605 = tpu.memref_slice %arg11[%dma_start3A_604] : memref<8192xi32, #tpu.memory_space<vmem>> -> memref<128xi32, #tpu.memory_space<vmem>>
      %dma_start3A_606 = arith.constant 2944 : i32
      %dma_start3A_607 = tpu.memref_slice %arg9[%dma_start3A_606] : memref<8192xi32, #tpu.memory_space<vmem>> -> memref<128xi32, #tpu.memory_space<vmem>>
      %dma_start3A_608 = arith.constant 0 : i32
      %dma_start3A_609 = tpu.memref_slice %arg3[%dma_start3A_608] : memref<2097153xi32, #tpu.memory_space<hbm>> -> memref<2097153xi32, #tpu.memory_space<hbm>>
      tpu.enqueue_indirect_dma source(%dma_start3A_609 : memref<2097153xi32, #tpu.memory_space<hbm>>) target(%dma_start3A_605 : memref<128xi32, #tpu.memory_space<vmem>>) offsets(%dma_start3A_607 : memref<128xi32, #tpu.memory_space<vmem>>) semaphore(%arg17 : memref<!tpu.dma_semaphore, #tpu.memory_space<semaphore_mem>>)
      %dma_start3A_610 = arith.constant 3072 : i32
      %dma_start3A_611 = tpu.memref_slice %arg11[%dma_start3A_610] : memref<8192xi32, #tpu.memory_space<vmem>> -> memref<128xi32, #tpu.memory_space<vmem>>
      %dma_start3A_612 = arith.constant 3072 : i32
      %dma_start3A_613 = tpu.memref_slice %arg9[%dma_start3A_612] : memref<8192xi32, #tpu.memory_space<vmem>> -> memref<128xi32, #tpu.memory_space<vmem>>
      %dma_start3A_614 = arith.constant 0 : i32
      %dma_start3A_615 = tpu.memref_slice %arg3[%dma_start3A_614] : memref<2097153xi32, #tpu.memory_space<hbm>> -> memref<2097153xi32, #tpu.memory_space<hbm>>
      tpu.enqueue_indirect_dma source(%dma_start3A_615 : memref<2097153xi32, #tpu.memory_space<hbm>>) target(%dma_start3A_611 : memref<128xi32, #tpu.memory_space<vmem>>) offsets(%dma_start3A_613 : memref<128xi32, #tpu.memory_space<vmem>>) semaphore(%arg17 : memref<!tpu.dma_semaphore, #tpu.memory_space<semaphore_mem>>)
      %dma_start3A_616 = arith.constant 3200 : i32
      %dma_start3A_617 = tpu.memref_slice %arg11[%dma_start3A_616] : memref<8192xi32, #tpu.memory_space<vmem>> -> memref<128xi32, #tpu.memory_space<vmem>>
      %dma_start3A_618 = arith.constant 3200 : i32
      %dma_start3A_619 = tpu.memref_slice %arg9[%dma_start3A_618] : memref<8192xi32, #tpu.memory_space<vmem>> -> memref<128xi32, #tpu.memory_space<vmem>>
      %dma_start3A_620 = arith.constant 0 : i32
      %dma_start3A_621 = tpu.memref_slice %arg3[%dma_start3A_620] : memref<2097153xi32, #tpu.memory_space<hbm>> -> memref<2097153xi32, #tpu.memory_space<hbm>>
      tpu.enqueue_indirect_dma source(%dma_start3A_621 : memref<2097153xi32, #tpu.memory_space<hbm>>) target(%dma_start3A_617 : memref<128xi32, #tpu.memory_space<vmem>>) offsets(%dma_start3A_619 : memref<128xi32, #tpu.memory_space<vmem>>) semaphore(%arg17 : memref<!tpu.dma_semaphore, #tpu.memory_space<semaphore_mem>>)
      %dma_start3A_622 = arith.constant 3328 : i32
      %dma_start3A_623 = tpu.memref_slice %arg11[%dma_start3A_622] : memref<8192xi32, #tpu.memory_space<vmem>> -> memref<128xi32, #tpu.memory_space<vmem>>
      %dma_start3A_624 = arith.constant 3328 : i32
      %dma_start3A_625 = tpu.memref_slice %arg9[%dma_start3A_624] : memref<8192xi32, #tpu.memory_space<vmem>> -> memref<128xi32, #tpu.memory_space<vmem>>
      %dma_start3A_626 = arith.constant 0 : i32
      %dma_start3A_627 = tpu.memref_slice %arg3[%dma_start3A_626] : memref<2097153xi32, #tpu.memory_space<hbm>> -> memref<2097153xi32, #tpu.memory_space<hbm>>
      tpu.enqueue_indirect_dma source(%dma_start3A_627 : memref<2097153xi32, #tpu.memory_space<hbm>>) target(%dma_start3A_623 : memref<128xi32, #tpu.memory_space<vmem>>) offsets(%dma_start3A_625 : memref<128xi32, #tpu.memory_space<vmem>>) semaphore(%arg17 : memref<!tpu.dma_semaphore, #tpu.memory_space<semaphore_mem>>)
      %dma_start3A_628 = arith.constant 3456 : i32
      %dma_start3A_629 = tpu.memref_slice %arg11[%dma_start3A_628] : memref<8192xi32, #tpu.memory_space<vmem>> -> memref<128xi32, #tpu.memory_space<vmem>>
      %dma_start3A_630 = arith.constant 3456 : i32
      %dma_start3A_631 = tpu.memref_slice %arg9[%dma_start3A_630] : memref<8192xi32, #tpu.memory_space<vmem>> -> memref<128xi32, #tpu.memory_space<vmem>>
      %dma_start3A_632 = arith.constant 0 : i32
      %dma_start3A_633 = tpu.memref_slice %arg3[%dma_start3A_632] : memref<2097153xi32, #tpu.memory_space<hbm>> -> memref<2097153xi32, #tpu.memory_space<hbm>>
      tpu.enqueue_indirect_dma source(%dma_start3A_633 : memref<2097153xi32, #tpu.memory_space<hbm>>) target(%dma_start3A_629 : memref<128xi32, #tpu.memory_space<vmem>>) offsets(%dma_start3A_631 : memref<128xi32, #tpu.memory_space<vmem>>) semaphore(%arg17 : memref<!tpu.dma_semaphore, #tpu.memory_space<semaphore_mem>>)
      %dma_start3A_634 = arith.constant 3584 : i32
      %dma_start3A_635 = tpu.memref_slice %arg11[%dma_start3A_634] : memref<8192xi32, #tpu.memory_space<vmem>> -> memref<128xi32, #tpu.memory_space<vmem>>
      %dma_start3A_636 = arith.constant 3584 : i32
      %dma_start3A_637 = tpu.memref_slice %arg9[%dma_start3A_636] : memref<8192xi32, #tpu.memory_space<vmem>> -> memref<128xi32, #tpu.memory_space<vmem>>
      %dma_start3A_638 = arith.constant 0 : i32
      %dma_start3A_639 = tpu.memref_slice %arg3[%dma_start3A_638] : memref<2097153xi32, #tpu.memory_space<hbm>> -> memref<2097153xi32, #tpu.memory_space<hbm>>
      tpu.enqueue_indirect_dma source(%dma_start3A_639 : memref<2097153xi32, #tpu.memory_space<hbm>>) target(%dma_start3A_635 : memref<128xi32, #tpu.memory_space<vmem>>) offsets(%dma_start3A_637 : memref<128xi32, #tpu.memory_space<vmem>>) semaphore(%arg17 : memref<!tpu.dma_semaphore, #tpu.memory_space<semaphore_mem>>)
      %dma_start3A_640 = arith.constant 3712 : i32
      %dma_start3A_641 = tpu.memref_slice %arg11[%dma_start3A_640] : memref<8192xi32, #tpu.memory_space<vmem>> -> memref<128xi32, #tpu.memory_space<vmem>>
      %dma_start3A_642 = arith.constant 3712 : i32
      %dma_start3A_643 = tpu.memref_slice %arg9[%dma_start3A_642] : memref<8192xi32, #tpu.memory_space<vmem>> -> memref<128xi32, #tpu.memory_space<vmem>>
      %dma_start3A_644 = arith.constant 0 : i32
      %dma_start3A_645 = tpu.memref_slice %arg3[%dma_start3A_644] : memref<2097153xi32, #tpu.memory_space<hbm>> -> memref<2097153xi32, #tpu.memory_space<hbm>>
      tpu.enqueue_indirect_dma source(%dma_start3A_645 : memref<2097153xi32, #tpu.memory_space<hbm>>) target(%dma_start3A_641 : memref<128xi32, #tpu.memory_space<vmem>>) offsets(%dma_start3A_643 : memref<128xi32, #tpu.memory_space<vmem>>) semaphore(%arg17 : memref<!tpu.dma_semaphore, #tpu.memory_space<semaphore_mem>>)
      %dma_start3A_646 = arith.constant 3840 : i32
      %dma_start3A_647 = tpu.memref_slice %arg11[%dma_start3A_646] : memref<8192xi32, #tpu.memory_space<vmem>> -> memref<128xi32, #tpu.memory_space<vmem>>
      %dma_start3A_648 = arith.constant 3840 : i32
      %dma_start3A_649 = tpu.memref_slice %arg9[%dma_start3A_648] : memref<8192xi32, #tpu.memory_space<vmem>> -> memref<128xi32, #tpu.memory_space<vmem>>
      %dma_start3A_650 = arith.constant 0 : i32
      %dma_start3A_651 = tpu.memref_slice %arg3[%dma_start3A_650] : memref<2097153xi32, #tpu.memory_space<hbm>> -> memref<2097153xi32, #tpu.memory_space<hbm>>
      tpu.enqueue_indirect_dma source(%dma_start3A_651 : memref<2097153xi32, #tpu.memory_space<hbm>>) target(%dma_start3A_647 : memref<128xi32, #tpu.memory_space<vmem>>) offsets(%dma_start3A_649 : memref<128xi32, #tpu.memory_space<vmem>>) semaphore(%arg17 : memref<!tpu.dma_semaphore, #tpu.memory_space<semaphore_mem>>)
      %dma_start3A_652 = arith.constant 3968 : i32
      %dma_start3A_653 = tpu.memref_slice %arg11[%dma_start3A_652] : memref<8192xi32, #tpu.memory_space<vmem>> -> memref<128xi32, #tpu.memory_space<vmem>>
      %dma_start3A_654 = arith.constant 3968 : i32
      %dma_start3A_655 = tpu.memref_slice %arg9[%dma_start3A_654] : memref<8192xi32, #tpu.memory_space<vmem>> -> memref<128xi32, #tpu.memory_space<vmem>>
      %dma_start3A_656 = arith.constant 0 : i32
      %dma_start3A_657 = tpu.memref_slice %arg3[%dma_start3A_656] : memref<2097153xi32, #tpu.memory_space<hbm>> -> memref<2097153xi32, #tpu.memory_space<hbm>>
      tpu.enqueue_indirect_dma source(%dma_start3A_657 : memref<2097153xi32, #tpu.memory_space<hbm>>) target(%dma_start3A_653 : memref<128xi32, #tpu.memory_space<vmem>>) offsets(%dma_start3A_655 : memref<128xi32, #tpu.memory_space<vmem>>) semaphore(%arg17 : memref<!tpu.dma_semaphore, #tpu.memory_space<semaphore_mem>>)
      %dma_start3A_658 = arith.constant 4096 : i32
      %dma_start3A_659 = tpu.memref_slice %arg11[%dma_start3A_658] : memref<8192xi32, #tpu.memory_space<vmem>> -> memref<128xi32, #tpu.memory_space<vmem>>
      %dma_start3A_660 = arith.constant 4096 : i32
      %dma_start3A_661 = tpu.memref_slice %arg9[%dma_start3A_660] : memref<8192xi32, #tpu.memory_space<vmem>> -> memref<128xi32, #tpu.memory_space<vmem>>
      %dma_start3A_662 = arith.constant 0 : i32
      %dma_start3A_663 = tpu.memref_slice %arg3[%dma_start3A_662] : memref<2097153xi32, #tpu.memory_space<hbm>> -> memref<2097153xi32, #tpu.memory_space<hbm>>
      tpu.enqueue_indirect_dma source(%dma_start3A_663 : memref<2097153xi32, #tpu.memory_space<hbm>>) target(%dma_start3A_659 : memref<128xi32, #tpu.memory_space<vmem>>) offsets(%dma_start3A_661 : memref<128xi32, #tpu.memory_space<vmem>>) semaphore(%arg17 : memref<!tpu.dma_semaphore, #tpu.memory_space<semaphore_mem>>)
      %dma_start3A_664 = arith.constant 4224 : i32
      %dma_start3A_665 = tpu.memref_slice %arg11[%dma_start3A_664] : memref<8192xi32, #tpu.memory_space<vmem>> -> memref<128xi32, #tpu.memory_space<vmem>>
      %dma_start3A_666 = arith.constant 4224 : i32
      %dma_start3A_667 = tpu.memref_slice %arg9[%dma_start3A_666] : memref<8192xi32, #tpu.memory_space<vmem>> -> memref<128xi32, #tpu.memory_space<vmem>>
      %dma_start3A_668 = arith.constant 0 : i32
      %dma_start3A_669 = tpu.memref_slice %arg3[%dma_start3A_668] : memref<2097153xi32, #tpu.memory_space<hbm>> -> memref<2097153xi32, #tpu.memory_space<hbm>>
      tpu.enqueue_indirect_dma source(%dma_start3A_669 : memref<2097153xi32, #tpu.memory_space<hbm>>) target(%dma_start3A_665 : memref<128xi32, #tpu.memory_space<vmem>>) offsets(%dma_start3A_667 : memref<128xi32, #tpu.memory_space<vmem>>) semaphore(%arg17 : memref<!tpu.dma_semaphore, #tpu.memory_space<semaphore_mem>>)
      %dma_start3A_670 = arith.constant 4352 : i32
      %dma_start3A_671 = tpu.memref_slice %arg11[%dma_start3A_670] : memref<8192xi32, #tpu.memory_space<vmem>> -> memref<128xi32, #tpu.memory_space<vmem>>
      %dma_start3A_672 = arith.constant 4352 : i32
      %dma_start3A_673 = tpu.memref_slice %arg9[%dma_start3A_672] : memref<8192xi32, #tpu.memory_space<vmem>> -> memref<128xi32, #tpu.memory_space<vmem>>
      %dma_start3A_674 = arith.constant 0 : i32
      %dma_start3A_675 = tpu.memref_slice %arg3[%dma_start3A_674] : memref<2097153xi32, #tpu.memory_space<hbm>> -> memref<2097153xi32, #tpu.memory_space<hbm>>
      tpu.enqueue_indirect_dma source(%dma_start3A_675 : memref<2097153xi32, #tpu.memory_space<hbm>>) target(%dma_start3A_671 : memref<128xi32, #tpu.memory_space<vmem>>) offsets(%dma_start3A_673 : memref<128xi32, #tpu.memory_space<vmem>>) semaphore(%arg17 : memref<!tpu.dma_semaphore, #tpu.memory_space<semaphore_mem>>)
      %dma_start3A_676 = arith.constant 4480 : i32
      %dma_start3A_677 = tpu.memref_slice %arg11[%dma_start3A_676] : memref<8192xi32, #tpu.memory_space<vmem>> -> memref<128xi32, #tpu.memory_space<vmem>>
      %dma_start3A_678 = arith.constant 4480 : i32
      %dma_start3A_679 = tpu.memref_slice %arg9[%dma_start3A_678] : memref<8192xi32, #tpu.memory_space<vmem>> -> memref<128xi32, #tpu.memory_space<vmem>>
      %dma_start3A_680 = arith.constant 0 : i32
      %dma_start3A_681 = tpu.memref_slice %arg3[%dma_start3A_680] : memref<2097153xi32, #tpu.memory_space<hbm>> -> memref<2097153xi32, #tpu.memory_space<hbm>>
      tpu.enqueue_indirect_dma source(%dma_start3A_681 : memref<2097153xi32, #tpu.memory_space<hbm>>) target(%dma_start3A_677 : memref<128xi32, #tpu.memory_space<vmem>>) offsets(%dma_start3A_679 : memref<128xi32, #tpu.memory_space<vmem>>) semaphore(%arg17 : memref<!tpu.dma_semaphore, #tpu.memory_space<semaphore_mem>>)
      %dma_start3A_682 = arith.constant 4608 : i32
      %dma_start3A_683 = tpu.memref_slice %arg11[%dma_start3A_682] : memref<8192xi32, #tpu.memory_space<vmem>> -> memref<128xi32, #tpu.memory_space<vmem>>
      %dma_start3A_684 = arith.constant 4608 : i32
      %dma_start3A_685 = tpu.memref_slice %arg9[%dma_start3A_684] : memref<8192xi32, #tpu.memory_space<vmem>> -> memref<128xi32, #tpu.memory_space<vmem>>
      %dma_start3A_686 = arith.constant 0 : i32
      %dma_start3A_687 = tpu.memref_slice %arg3[%dma_start3A_686] : memref<2097153xi32, #tpu.memory_space<hbm>> -> memref<2097153xi32, #tpu.memory_space<hbm>>
      tpu.enqueue_indirect_dma source(%dma_start3A_687 : memref<2097153xi32, #tpu.memory_space<hbm>>) target(%dma_start3A_683 : memref<128xi32, #tpu.memory_space<vmem>>) offsets(%dma_start3A_685 : memref<128xi32, #tpu.memory_space<vmem>>) semaphore(%arg17 : memref<!tpu.dma_semaphore, #tpu.memory_space<semaphore_mem>>)
      %dma_start3A_688 = arith.constant 4736 : i32
      %dma_start3A_689 = tpu.memref_slice %arg11[%dma_start3A_688] : memref<8192xi32, #tpu.memory_space<vmem>> -> memref<128xi32, #tpu.memory_space<vmem>>
      %dma_start3A_690 = arith.constant 4736 : i32
      %dma_start3A_691 = tpu.memref_slice %arg9[%dma_start3A_690] : memref<8192xi32, #tpu.memory_space<vmem>> -> memref<128xi32, #tpu.memory_space<vmem>>
      %dma_start3A_692 = arith.constant 0 : i32
      %dma_start3A_693 = tpu.memref_slice %arg3[%dma_start3A_692] : memref<2097153xi32, #tpu.memory_space<hbm>> -> memref<2097153xi32, #tpu.memory_space<hbm>>
      tpu.enqueue_indirect_dma source(%dma_start3A_693 : memref<2097153xi32, #tpu.memory_space<hbm>>) target(%dma_start3A_689 : memref<128xi32, #tpu.memory_space<vmem>>) offsets(%dma_start3A_691 : memref<128xi32, #tpu.memory_space<vmem>>) semaphore(%arg17 : memref<!tpu.dma_semaphore, #tpu.memory_space<semaphore_mem>>)
      %dma_start3A_694 = arith.constant 4864 : i32
      %dma_start3A_695 = tpu.memref_slice %arg11[%dma_start3A_694] : memref<8192xi32, #tpu.memory_space<vmem>> -> memref<128xi32, #tpu.memory_space<vmem>>
      %dma_start3A_696 = arith.constant 4864 : i32
      %dma_start3A_697 = tpu.memref_slice %arg9[%dma_start3A_696] : memref<8192xi32, #tpu.memory_space<vmem>> -> memref<128xi32, #tpu.memory_space<vmem>>
      %dma_start3A_698 = arith.constant 0 : i32
      %dma_start3A_699 = tpu.memref_slice %arg3[%dma_start3A_698] : memref<2097153xi32, #tpu.memory_space<hbm>> -> memref<2097153xi32, #tpu.memory_space<hbm>>
      tpu.enqueue_indirect_dma source(%dma_start3A_699 : memref<2097153xi32, #tpu.memory_space<hbm>>) target(%dma_start3A_695 : memref<128xi32, #tpu.memory_space<vmem>>) offsets(%dma_start3A_697 : memref<128xi32, #tpu.memory_space<vmem>>) semaphore(%arg17 : memref<!tpu.dma_semaphore, #tpu.memory_space<semaphore_mem>>)
      %dma_start3A_700 = arith.constant 4992 : i32
      %dma_start3A_701 = tpu.memref_slice %arg11[%dma_start3A_700] : memref<8192xi32, #tpu.memory_space<vmem>> -> memref<128xi32, #tpu.memory_space<vmem>>
      %dma_start3A_702 = arith.constant 4992 : i32
      %dma_start3A_703 = tpu.memref_slice %arg9[%dma_start3A_702] : memref<8192xi32, #tpu.memory_space<vmem>> -> memref<128xi32, #tpu.memory_space<vmem>>
      %dma_start3A_704 = arith.constant 0 : i32
      %dma_start3A_705 = tpu.memref_slice %arg3[%dma_start3A_704] : memref<2097153xi32, #tpu.memory_space<hbm>> -> memref<2097153xi32, #tpu.memory_space<hbm>>
      tpu.enqueue_indirect_dma source(%dma_start3A_705 : memref<2097153xi32, #tpu.memory_space<hbm>>) target(%dma_start3A_701 : memref<128xi32, #tpu.memory_space<vmem>>) offsets(%dma_start3A_703 : memref<128xi32, #tpu.memory_space<vmem>>) semaphore(%arg17 : memref<!tpu.dma_semaphore, #tpu.memory_space<semaphore_mem>>)
      %dma_start3A_706 = arith.constant 5120 : i32
      %dma_start3A_707 = tpu.memref_slice %arg11[%dma_start3A_706] : memref<8192xi32, #tpu.memory_space<vmem>> -> memref<128xi32, #tpu.memory_space<vmem>>
      %dma_start3A_708 = arith.constant 5120 : i32
      %dma_start3A_709 = tpu.memref_slice %arg9[%dma_start3A_708] : memref<8192xi32, #tpu.memory_space<vmem>> -> memref<128xi32, #tpu.memory_space<vmem>>
      %dma_start3A_710 = arith.constant 0 : i32
      %dma_start3A_711 = tpu.memref_slice %arg3[%dma_start3A_710] : memref<2097153xi32, #tpu.memory_space<hbm>> -> memref<2097153xi32, #tpu.memory_space<hbm>>
      tpu.enqueue_indirect_dma source(%dma_start3A_711 : memref<2097153xi32, #tpu.memory_space<hbm>>) target(%dma_start3A_707 : memref<128xi32, #tpu.memory_space<vmem>>) offsets(%dma_start3A_709 : memref<128xi32, #tpu.memory_space<vmem>>) semaphore(%arg17 : memref<!tpu.dma_semaphore, #tpu.memory_space<semaphore_mem>>)
      %dma_start3A_712 = arith.constant 5248 : i32
      %dma_start3A_713 = tpu.memref_slice %arg11[%dma_start3A_712] : memref<8192xi32, #tpu.memory_space<vmem>> -> memref<128xi32, #tpu.memory_space<vmem>>
      %dma_start3A_714 = arith.constant 5248 : i32
      %dma_start3A_715 = tpu.memref_slice %arg9[%dma_start3A_714] : memref<8192xi32, #tpu.memory_space<vmem>> -> memref<128xi32, #tpu.memory_space<vmem>>
      %dma_start3A_716 = arith.constant 0 : i32
      %dma_start3A_717 = tpu.memref_slice %arg3[%dma_start3A_716] : memref<2097153xi32, #tpu.memory_space<hbm>> -> memref<2097153xi32, #tpu.memory_space<hbm>>
      tpu.enqueue_indirect_dma source(%dma_start3A_717 : memref<2097153xi32, #tpu.memory_space<hbm>>) target(%dma_start3A_713 : memref<128xi32, #tpu.memory_space<vmem>>) offsets(%dma_start3A_715 : memref<128xi32, #tpu.memory_space<vmem>>) semaphore(%arg17 : memref<!tpu.dma_semaphore, #tpu.memory_space<semaphore_mem>>)
      %dma_start3A_718 = arith.constant 5376 : i32
      %dma_start3A_719 = tpu.memref_slice %arg11[%dma_start3A_718] : memref<8192xi32, #tpu.memory_space<vmem>> -> memref<128xi32, #tpu.memory_space<vmem>>
      %dma_start3A_720 = arith.constant 5376 : i32
      %dma_start3A_721 = tpu.memref_slice %arg9[%dma_start3A_720] : memref<8192xi32, #tpu.memory_space<vmem>> -> memref<128xi32, #tpu.memory_space<vmem>>
      %dma_start3A_722 = arith.constant 0 : i32
      %dma_start3A_723 = tpu.memref_slice %arg3[%dma_start3A_722] : memref<2097153xi32, #tpu.memory_space<hbm>> -> memref<2097153xi32, #tpu.memory_space<hbm>>
      tpu.enqueue_indirect_dma source(%dma_start3A_723 : memref<2097153xi32, #tpu.memory_space<hbm>>) target(%dma_start3A_719 : memref<128xi32, #tpu.memory_space<vmem>>) offsets(%dma_start3A_721 : memref<128xi32, #tpu.memory_space<vmem>>) semaphore(%arg17 : memref<!tpu.dma_semaphore, #tpu.memory_space<semaphore_mem>>)
      %dma_start3A_724 = arith.constant 5504 : i32
      %dma_start3A_725 = tpu.memref_slice %arg11[%dma_start3A_724] : memref<8192xi32, #tpu.memory_space<vmem>> -> memref<128xi32, #tpu.memory_space<vmem>>
      %dma_start3A_726 = arith.constant 5504 : i32
      %dma_start3A_727 = tpu.memref_slice %arg9[%dma_start3A_726] : memref<8192xi32, #tpu.memory_space<vmem>> -> memref<128xi32, #tpu.memory_space<vmem>>
      %dma_start3A_728 = arith.constant 0 : i32
      %dma_start3A_729 = tpu.memref_slice %arg3[%dma_start3A_728] : memref<2097153xi32, #tpu.memory_space<hbm>> -> memref<2097153xi32, #tpu.memory_space<hbm>>
      tpu.enqueue_indirect_dma source(%dma_start3A_729 : memref<2097153xi32, #tpu.memory_space<hbm>>) target(%dma_start3A_725 : memref<128xi32, #tpu.memory_space<vmem>>) offsets(%dma_start3A_727 : memref<128xi32, #tpu.memory_space<vmem>>) semaphore(%arg17 : memref<!tpu.dma_semaphore, #tpu.memory_space<semaphore_mem>>)
      %dma_start3A_730 = arith.constant 5632 : i32
      %dma_start3A_731 = tpu.memref_slice %arg11[%dma_start3A_730] : memref<8192xi32, #tpu.memory_space<vmem>> -> memref<128xi32, #tpu.memory_space<vmem>>
      %dma_start3A_732 = arith.constant 5632 : i32
      %dma_start3A_733 = tpu.memref_slice %arg9[%dma_start3A_732] : memref<8192xi32, #tpu.memory_space<vmem>> -> memref<128xi32, #tpu.memory_space<vmem>>
      %dma_start3A_734 = arith.constant 0 : i32
      %dma_start3A_735 = tpu.memref_slice %arg3[%dma_start3A_734] : memref<2097153xi32, #tpu.memory_space<hbm>> -> memref<2097153xi32, #tpu.memory_space<hbm>>
      tpu.enqueue_indirect_dma source(%dma_start3A_735 : memref<2097153xi32, #tpu.memory_space<hbm>>) target(%dma_start3A_731 : memref<128xi32, #tpu.memory_space<vmem>>) offsets(%dma_start3A_733 : memref<128xi32, #tpu.memory_space<vmem>>) semaphore(%arg17 : memref<!tpu.dma_semaphore, #tpu.memory_space<semaphore_mem>>)
      %dma_start3A_736 = arith.constant 5760 : i32
      %dma_start3A_737 = tpu.memref_slice %arg11[%dma_start3A_736] : memref<8192xi32, #tpu.memory_space<vmem>> -> memref<128xi32, #tpu.memory_space<vmem>>
      %dma_start3A_738 = arith.constant 5760 : i32
      %dma_start3A_739 = tpu.memref_slice %arg9[%dma_start3A_738] : memref<8192xi32, #tpu.memory_space<vmem>> -> memref<128xi32, #tpu.memory_space<vmem>>
      %dma_start3A_740 = arith.constant 0 : i32
      %dma_start3A_741 = tpu.memref_slice %arg3[%dma_start3A_740] : memref<2097153xi32, #tpu.memory_space<hbm>> -> memref<2097153xi32, #tpu.memory_space<hbm>>
      tpu.enqueue_indirect_dma source(%dma_start3A_741 : memref<2097153xi32, #tpu.memory_space<hbm>>) target(%dma_start3A_737 : memref<128xi32, #tpu.memory_space<vmem>>) offsets(%dma_start3A_739 : memref<128xi32, #tpu.memory_space<vmem>>) semaphore(%arg17 : memref<!tpu.dma_semaphore, #tpu.memory_space<semaphore_mem>>)
      %dma_start3A_742 = arith.constant 5888 : i32
      %dma_start3A_743 = tpu.memref_slice %arg11[%dma_start3A_742] : memref<8192xi32, #tpu.memory_space<vmem>> -> memref<128xi32, #tpu.memory_space<vmem>>
      %dma_start3A_744 = arith.constant 5888 : i32
      %dma_start3A_745 = tpu.memref_slice %arg9[%dma_start3A_744] : memref<8192xi32, #tpu.memory_space<vmem>> -> memref<128xi32, #tpu.memory_space<vmem>>
      %dma_start3A_746 = arith.constant 0 : i32
      %dma_start3A_747 = tpu.memref_slice %arg3[%dma_start3A_746] : memref<2097153xi32, #tpu.memory_space<hbm>> -> memref<2097153xi32, #tpu.memory_space<hbm>>
      tpu.enqueue_indirect_dma source(%dma_start3A_747 : memref<2097153xi32, #tpu.memory_space<hbm>>) target(%dma_start3A_743 : memref<128xi32, #tpu.memory_space<vmem>>) offsets(%dma_start3A_745 : memref<128xi32, #tpu.memory_space<vmem>>) semaphore(%arg17 : memref<!tpu.dma_semaphore, #tpu.memory_space<semaphore_mem>>)
      %dma_start3A_748 = arith.constant 6016 : i32
      %dma_start3A_749 = tpu.memref_slice %arg11[%dma_start3A_748] : memref<8192xi32, #tpu.memory_space<vmem>> -> memref<128xi32, #tpu.memory_space<vmem>>
      %dma_start3A_750 = arith.constant 6016 : i32
      %dma_start3A_751 = tpu.memref_slice %arg9[%dma_start3A_750] : memref<8192xi32, #tpu.memory_space<vmem>> -> memref<128xi32, #tpu.memory_space<vmem>>
      %dma_start3A_752 = arith.constant 0 : i32
      %dma_start3A_753 = tpu.memref_slice %arg3[%dma_start3A_752] : memref<2097153xi32, #tpu.memory_space<hbm>> -> memref<2097153xi32, #tpu.memory_space<hbm>>
      tpu.enqueue_indirect_dma source(%dma_start3A_753 : memref<2097153xi32, #tpu.memory_space<hbm>>) target(%dma_start3A_749 : memref<128xi32, #tpu.memory_space<vmem>>) offsets(%dma_start3A_751 : memref<128xi32, #tpu.memory_space<vmem>>) semaphore(%arg17 : memref<!tpu.dma_semaphore, #tpu.memory_space<semaphore_mem>>)
      %dma_start3A_754 = arith.constant 6144 : i32
      %dma_start3A_755 = tpu.memref_slice %arg11[%dma_start3A_754] : memref<8192xi32, #tpu.memory_space<vmem>> -> memref<128xi32, #tpu.memory_space<vmem>>
      %dma_start3A_756 = arith.constant 6144 : i32
      %dma_start3A_757 = tpu.memref_slice %arg9[%dma_start3A_756] : memref<8192xi32, #tpu.memory_space<vmem>> -> memref<128xi32, #tpu.memory_space<vmem>>
      %dma_start3A_758 = arith.constant 0 : i32
      %dma_start3A_759 = tpu.memref_slice %arg3[%dma_start3A_758] : memref<2097153xi32, #tpu.memory_space<hbm>> -> memref<2097153xi32, #tpu.memory_space<hbm>>
      tpu.enqueue_indirect_dma source(%dma_start3A_759 : memref<2097153xi32, #tpu.memory_space<hbm>>) target(%dma_start3A_755 : memref<128xi32, #tpu.memory_space<vmem>>) offsets(%dma_start3A_757 : memref<128xi32, #tpu.memory_space<vmem>>) semaphore(%arg17 : memref<!tpu.dma_semaphore, #tpu.memory_space<semaphore_mem>>)
      %dma_start3A_760 = arith.constant 6272 : i32
      %dma_start3A_761 = tpu.memref_slice %arg11[%dma_start3A_760] : memref<8192xi32, #tpu.memory_space<vmem>> -> memref<128xi32, #tpu.memory_space<vmem>>
      %dma_start3A_762 = arith.constant 6272 : i32
      %dma_start3A_763 = tpu.memref_slice %arg9[%dma_start3A_762] : memref<8192xi32, #tpu.memory_space<vmem>> -> memref<128xi32, #tpu.memory_space<vmem>>
      %dma_start3A_764 = arith.constant 0 : i32
      %dma_start3A_765 = tpu.memref_slice %arg3[%dma_start3A_764] : memref<2097153xi32, #tpu.memory_space<hbm>> -> memref<2097153xi32, #tpu.memory_space<hbm>>
      tpu.enqueue_indirect_dma source(%dma_start3A_765 : memref<2097153xi32, #tpu.memory_space<hbm>>) target(%dma_start3A_761 : memref<128xi32, #tpu.memory_space<vmem>>) offsets(%dma_start3A_763 : memref<128xi32, #tpu.memory_space<vmem>>) semaphore(%arg17 : memref<!tpu.dma_semaphore, #tpu.memory_space<semaphore_mem>>)
      %dma_start3A_766 = arith.constant 6400 : i32
      %dma_start3A_767 = tpu.memref_slice %arg11[%dma_start3A_766] : memref<8192xi32, #tpu.memory_space<vmem>> -> memref<128xi32, #tpu.memory_space<vmem>>
      %dma_start3A_768 = arith.constant 6400 : i32
      %dma_start3A_769 = tpu.memref_slice %arg9[%dma_start3A_768] : memref<8192xi32, #tpu.memory_space<vmem>> -> memref<128xi32, #tpu.memory_space<vmem>>
      %dma_start3A_770 = arith.constant 0 : i32
      %dma_start3A_771 = tpu.memref_slice %arg3[%dma_start3A_770] : memref<2097153xi32, #tpu.memory_space<hbm>> -> memref<2097153xi32, #tpu.memory_space<hbm>>
      tpu.enqueue_indirect_dma source(%dma_start3A_771 : memref<2097153xi32, #tpu.memory_space<hbm>>) target(%dma_start3A_767 : memref<128xi32, #tpu.memory_space<vmem>>) offsets(%dma_start3A_769 : memref<128xi32, #tpu.memory_space<vmem>>) semaphore(%arg17 : memref<!tpu.dma_semaphore, #tpu.memory_space<semaphore_mem>>)
      %dma_start3A_772 = arith.constant 6528 : i32
      %dma_start3A_773 = tpu.memref_slice %arg11[%dma_start3A_772] : memref<8192xi32, #tpu.memory_space<vmem>> -> memref<128xi32, #tpu.memory_space<vmem>>
      %dma_start3A_774 = arith.constant 6528 : i32
      %dma_start3A_775 = tpu.memref_slice %arg9[%dma_start3A_774] : memref<8192xi32, #tpu.memory_space<vmem>> -> memref<128xi32, #tpu.memory_space<vmem>>
      %dma_start3A_776 = arith.constant 0 : i32
      %dma_start3A_777 = tpu.memref_slice %arg3[%dma_start3A_776] : memref<2097153xi32, #tpu.memory_space<hbm>> -> memref<2097153xi32, #tpu.memory_space<hbm>>
      tpu.enqueue_indirect_dma source(%dma_start3A_777 : memref<2097153xi32, #tpu.memory_space<hbm>>) target(%dma_start3A_773 : memref<128xi32, #tpu.memory_space<vmem>>) offsets(%dma_start3A_775 : memref<128xi32, #tpu.memory_space<vmem>>) semaphore(%arg17 : memref<!tpu.dma_semaphore, #tpu.memory_space<semaphore_mem>>)
      %dma_start3A_778 = arith.constant 6656 : i32
      %dma_start3A_779 = tpu.memref_slice %arg11[%dma_start3A_778] : memref<8192xi32, #tpu.memory_space<vmem>> -> memref<128xi32, #tpu.memory_space<vmem>>
      %dma_start3A_780 = arith.constant 6656 : i32
      %dma_start3A_781 = tpu.memref_slice %arg9[%dma_start3A_780] : memref<8192xi32, #tpu.memory_space<vmem>> -> memref<128xi32, #tpu.memory_space<vmem>>
      %dma_start3A_782 = arith.constant 0 : i32
      %dma_start3A_783 = tpu.memref_slice %arg3[%dma_start3A_782] : memref<2097153xi32, #tpu.memory_space<hbm>> -> memref<2097153xi32, #tpu.memory_space<hbm>>
      tpu.enqueue_indirect_dma source(%dma_start3A_783 : memref<2097153xi32, #tpu.memory_space<hbm>>) target(%dma_start3A_779 : memref<128xi32, #tpu.memory_space<vmem>>) offsets(%dma_start3A_781 : memref<128xi32, #tpu.memory_space<vmem>>) semaphore(%arg17 : memref<!tpu.dma_semaphore, #tpu.memory_space<semaphore_mem>>)
      %dma_start3A_784 = arith.constant 6784 : i32
      %dma_start3A_785 = tpu.memref_slice %arg11[%dma_start3A_784] : memref<8192xi32, #tpu.memory_space<vmem>> -> memref<128xi32, #tpu.memory_space<vmem>>
      %dma_start3A_786 = arith.constant 6784 : i32
      %dma_start3A_787 = tpu.memref_slice %arg9[%dma_start3A_786] : memref<8192xi32, #tpu.memory_space<vmem>> -> memref<128xi32, #tpu.memory_space<vmem>>
      %dma_start3A_788 = arith.constant 0 : i32
      %dma_start3A_789 = tpu.memref_slice %arg3[%dma_start3A_788] : memref<2097153xi32, #tpu.memory_space<hbm>> -> memref<2097153xi32, #tpu.memory_space<hbm>>
      tpu.enqueue_indirect_dma source(%dma_start3A_789 : memref<2097153xi32, #tpu.memory_space<hbm>>) target(%dma_start3A_785 : memref<128xi32, #tpu.memory_space<vmem>>) offsets(%dma_start3A_787 : memref<128xi32, #tpu.memory_space<vmem>>) semaphore(%arg17 : memref<!tpu.dma_semaphore, #tpu.memory_space<semaphore_mem>>)
      %dma_start3A_790 = arith.constant 6912 : i32
      %dma_start3A_791 = tpu.memref_slice %arg11[%dma_start3A_790] : memref<8192xi32, #tpu.memory_space<vmem>> -> memref<128xi32, #tpu.memory_space<vmem>>
      %dma_start3A_792 = arith.constant 6912 : i32
      %dma_start3A_793 = tpu.memref_slice %arg9[%dma_start3A_792] : memref<8192xi32, #tpu.memory_space<vmem>> -> memref<128xi32, #tpu.memory_space<vmem>>
      %dma_start3A_794 = arith.constant 0 : i32
      %dma_start3A_795 = tpu.memref_slice %arg3[%dma_start3A_794] : memref<2097153xi32, #tpu.memory_space<hbm>> -> memref<2097153xi32, #tpu.memory_space<hbm>>
      tpu.enqueue_indirect_dma source(%dma_start3A_795 : memref<2097153xi32, #tpu.memory_space<hbm>>) target(%dma_start3A_791 : memref<128xi32, #tpu.memory_space<vmem>>) offsets(%dma_start3A_793 : memref<128xi32, #tpu.memory_space<vmem>>) semaphore(%arg17 : memref<!tpu.dma_semaphore, #tpu.memory_space<semaphore_mem>>)
      %dma_start3A_796 = arith.constant 7040 : i32
      %dma_start3A_797 = tpu.memref_slice %arg11[%dma_start3A_796] : memref<8192xi32, #tpu.memory_space<vmem>> -> memref<128xi32, #tpu.memory_space<vmem>>
      %dma_start3A_798 = arith.constant 7040 : i32
      %dma_start3A_799 = tpu.memref_slice %arg9[%dma_start3A_798] : memref<8192xi32, #tpu.memory_space<vmem>> -> memref<128xi32, #tpu.memory_space<vmem>>
      %dma_start3A_800 = arith.constant 0 : i32
      %dma_start3A_801 = tpu.memref_slice %arg3[%dma_start3A_800] : memref<2097153xi32, #tpu.memory_space<hbm>> -> memref<2097153xi32, #tpu.memory_space<hbm>>
      tpu.enqueue_indirect_dma source(%dma_start3A_801 : memref<2097153xi32, #tpu.memory_space<hbm>>) target(%dma_start3A_797 : memref<128xi32, #tpu.memory_space<vmem>>) offsets(%dma_start3A_799 : memref<128xi32, #tpu.memory_space<vmem>>) semaphore(%arg17 : memref<!tpu.dma_semaphore, #tpu.memory_space<semaphore_mem>>)
      %dma_start3A_802 = arith.constant 7168 : i32
      %dma_start3A_803 = tpu.memref_slice %arg11[%dma_start3A_802] : memref<8192xi32, #tpu.memory_space<vmem>> -> memref<128xi32, #tpu.memory_space<vmem>>
      %dma_start3A_804 = arith.constant 7168 : i32
      %dma_start3A_805 = tpu.memref_slice %arg9[%dma_start3A_804] : memref<8192xi32, #tpu.memory_space<vmem>> -> memref<128xi32, #tpu.memory_space<vmem>>
      %dma_start3A_806 = arith.constant 0 : i32
      %dma_start3A_807 = tpu.memref_slice %arg3[%dma_start3A_806] : memref<2097153xi32, #tpu.memory_space<hbm>> -> memref<2097153xi32, #tpu.memory_space<hbm>>
      tpu.enqueue_indirect_dma source(%dma_start3A_807 : memref<2097153xi32, #tpu.memory_space<hbm>>) target(%dma_start3A_803 : memref<128xi32, #tpu.memory_space<vmem>>) offsets(%dma_start3A_805 : memref<128xi32, #tpu.memory_space<vmem>>) semaphore(%arg17 : memref<!tpu.dma_semaphore, #tpu.memory_space<semaphore_mem>>)
      %dma_start3A_808 = arith.constant 7296 : i32
      %dma_start3A_809 = tpu.memref_slice %arg11[%dma_start3A_808] : memref<8192xi32, #tpu.memory_space<vmem>> -> memref<128xi32, #tpu.memory_space<vmem>>
      %dma_start3A_810 = arith.constant 7296 : i32
      %dma_start3A_811 = tpu.memref_slice %arg9[%dma_start3A_810] : memref<8192xi32, #tpu.memory_space<vmem>> -> memref<128xi32, #tpu.memory_space<vmem>>
      %dma_start3A_812 = arith.constant 0 : i32
      %dma_start3A_813 = tpu.memref_slice %arg3[%dma_start3A_812] : memref<2097153xi32, #tpu.memory_space<hbm>> -> memref<2097153xi32, #tpu.memory_space<hbm>>
      tpu.enqueue_indirect_dma source(%dma_start3A_813 : memref<2097153xi32, #tpu.memory_space<hbm>>) target(%dma_start3A_809 : memref<128xi32, #tpu.memory_space<vmem>>) offsets(%dma_start3A_811 : memref<128xi32, #tpu.memory_space<vmem>>) semaphore(%arg17 : memref<!tpu.dma_semaphore, #tpu.memory_space<semaphore_mem>>)
      %dma_start3A_814 = arith.constant 7424 : i32
      %dma_start3A_815 = tpu.memref_slice %arg11[%dma_start3A_814] : memref<8192xi32, #tpu.memory_space<vmem>> -> memref<128xi32, #tpu.memory_space<vmem>>
      %dma_start3A_816 = arith.constant 7424 : i32
      %dma_start3A_817 = tpu.memref_slice %arg9[%dma_start3A_816] : memref<8192xi32, #tpu.memory_space<vmem>> -> memref<128xi32, #tpu.memory_space<vmem>>
      %dma_start3A_818 = arith.constant 0 : i32
      %dma_start3A_819 = tpu.memref_slice %arg3[%dma_start3A_818] : memref<2097153xi32, #tpu.memory_space<hbm>> -> memref<2097153xi32, #tpu.memory_space<hbm>>
      tpu.enqueue_indirect_dma source(%dma_start3A_819 : memref<2097153xi32, #tpu.memory_space<hbm>>) target(%dma_start3A_815 : memref<128xi32, #tpu.memory_space<vmem>>) offsets(%dma_start3A_817 : memref<128xi32, #tpu.memory_space<vmem>>) semaphore(%arg17 : memref<!tpu.dma_semaphore, #tpu.memory_space<semaphore_mem>>)
      %dma_start3A_820 = arith.constant 7552 : i32
      %dma_start3A_821 = tpu.memref_slice %arg11[%dma_start3A_820] : memref<8192xi32, #tpu.memory_space<vmem>> -> memref<128xi32, #tpu.memory_space<vmem>>
      %dma_start3A_822 = arith.constant 7552 : i32
      %dma_start3A_823 = tpu.memref_slice %arg9[%dma_start3A_822] : memref<8192xi32, #tpu.memory_space<vmem>> -> memref<128xi32, #tpu.memory_space<vmem>>
      %dma_start3A_824 = arith.constant 0 : i32
      %dma_start3A_825 = tpu.memref_slice %arg3[%dma_start3A_824] : memref<2097153xi32, #tpu.memory_space<hbm>> -> memref<2097153xi32, #tpu.memory_space<hbm>>
      tpu.enqueue_indirect_dma source(%dma_start3A_825 : memref<2097153xi32, #tpu.memory_space<hbm>>) target(%dma_start3A_821 : memref<128xi32, #tpu.memory_space<vmem>>) offsets(%dma_start3A_823 : memref<128xi32, #tpu.memory_space<vmem>>) semaphore(%arg17 : memref<!tpu.dma_semaphore, #tpu.memory_space<semaphore_mem>>)
      %dma_start3A_826 = arith.constant 7680 : i32
      %dma_start3A_827 = tpu.memref_slice %arg11[%dma_start3A_826] : memref<8192xi32, #tpu.memory_space<vmem>> -> memref<128xi32, #tpu.memory_space<vmem>>
      %dma_start3A_828 = arith.constant 7680 : i32
      %dma_start3A_829 = tpu.memref_slice %arg9[%dma_start3A_828] : memref<8192xi32, #tpu.memory_space<vmem>> -> memref<128xi32, #tpu.memory_space<vmem>>
      %dma_start3A_830 = arith.constant 0 : i32
      %dma_start3A_831 = tpu.memref_slice %arg3[%dma_start3A_830] : memref<2097153xi32, #tpu.memory_space<hbm>> -> memref<2097153xi32, #tpu.memory_space<hbm>>
      tpu.enqueue_indirect_dma source(%dma_start3A_831 : memref<2097153xi32, #tpu.memory_space<hbm>>) target(%dma_start3A_827 : memref<128xi32, #tpu.memory_space<vmem>>) offsets(%dma_start3A_829 : memref<128xi32, #tpu.memory_space<vmem>>) semaphore(%arg17 : memref<!tpu.dma_semaphore, #tpu.memory_space<semaphore_mem>>)
      %dma_start3A_832 = arith.constant 7808 : i32
      %dma_start3A_833 = tpu.memref_slice %arg11[%dma_start3A_832] : memref<8192xi32, #tpu.memory_space<vmem>> -> memref<128xi32, #tpu.memory_space<vmem>>
      %dma_start3A_834 = arith.constant 7808 : i32
      %dma_start3A_835 = tpu.memref_slice %arg9[%dma_start3A_834] : memref<8192xi32, #tpu.memory_space<vmem>> -> memref<128xi32, #tpu.memory_space<vmem>>
      %dma_start3A_836 = arith.constant 0 : i32
      %dma_start3A_837 = tpu.memref_slice %arg3[%dma_start3A_836] : memref<2097153xi32, #tpu.memory_space<hbm>> -> memref<2097153xi32, #tpu.memory_space<hbm>>
      tpu.enqueue_indirect_dma source(%dma_start3A_837 : memref<2097153xi32, #tpu.memory_space<hbm>>) target(%dma_start3A_833 : memref<128xi32, #tpu.memory_space<vmem>>) offsets(%dma_start3A_835 : memref<128xi32, #tpu.memory_space<vmem>>) semaphore(%arg17 : memref<!tpu.dma_semaphore, #tpu.memory_space<semaphore_mem>>)
      %dma_start3A_838 = arith.constant 7936 : i32
      %dma_start3A_839 = tpu.memref_slice %arg11[%dma_start3A_838] : memref<8192xi32, #tpu.memory_space<vmem>> -> memref<128xi32, #tpu.memory_space<vmem>>
      %dma_start3A_840 = arith.constant 7936 : i32
      %dma_start3A_841 = tpu.memref_slice %arg9[%dma_start3A_840] : memref<8192xi32, #tpu.memory_space<vmem>> -> memref<128xi32, #tpu.memory_space<vmem>>
      %dma_start3A_842 = arith.constant 0 : i32
      %dma_start3A_843 = tpu.memref_slice %arg3[%dma_start3A_842] : memref<2097153xi32, #tpu.memory_space<hbm>> -> memref<2097153xi32, #tpu.memory_space<hbm>>
      tpu.enqueue_indirect_dma source(%dma_start3A_843 : memref<2097153xi32, #tpu.memory_space<hbm>>) target(%dma_start3A_839 : memref<128xi32, #tpu.memory_space<vmem>>) offsets(%dma_start3A_841 : memref<128xi32, #tpu.memory_space<vmem>>) semaphore(%arg17 : memref<!tpu.dma_semaphore, #tpu.memory_space<semaphore_mem>>)
      %dma_start3A_844 = arith.constant 8064 : i32
      %dma_start3A_845 = tpu.memref_slice %arg11[%dma_start3A_844] : memref<8192xi32, #tpu.memory_space<vmem>> -> memref<128xi32, #tpu.memory_space<vmem>>
      %dma_start3A_846 = arith.constant 8064 : i32
      %dma_start3A_847 = tpu.memref_slice %arg9[%dma_start3A_846] : memref<8192xi32, #tpu.memory_space<vmem>> -> memref<128xi32, #tpu.memory_space<vmem>>
      %dma_start3A_848 = arith.constant 0 : i32
      %dma_start3A_849 = tpu.memref_slice %arg3[%dma_start3A_848] : memref<2097153xi32, #tpu.memory_space<hbm>> -> memref<2097153xi32, #tpu.memory_space<hbm>>
      tpu.enqueue_indirect_dma source(%dma_start3A_849 : memref<2097153xi32, #tpu.memory_space<hbm>>) target(%dma_start3A_845 : memref<128xi32, #tpu.memory_space<vmem>>) offsets(%dma_start3A_847 : memref<128xi32, #tpu.memory_space<vmem>>) semaphore(%arg17 : memref<!tpu.dma_semaphore, #tpu.memory_space<semaphore_mem>>)
      %ge3A_850 = arith.constant 1 : i32
      %ge3A_851 = arith.cmpi sge, %add3A_444, %ge3A_850 : i32
      %convert_element_type3A_852 = arith.extui %ge3A_851 : i1 to i32
      %cond3A_853 = arith.constant 0 : i32
      %cond3A_854 = arith.cmpi ne, %convert_element_type3A_852, %cond3A_853 : i32
      scf.if %cond3A_854 {
        %dma_wait3A_855 = arith.constant 0 : i32
        %dma_wait3A_856 = tpu.memref_slice %arg3[%dma_wait3A_855] : memref<2097153xi32, #tpu.memory_space<hbm>> -> memref<8192xi32, #tpu.memory_space<hbm>>
        %dma_wait3A_857 = arith.constant 0 : i32
        %dma_wait3A_858 = tpu.memref_slice %arg3[%dma_wait3A_857] : memref<2097153xi32, #tpu.memory_space<hbm>> -> memref<8192xi32, #tpu.memory_space<hbm>>
        tpu.wait_dma2 semaphore(%arg16 : memref<!tpu.dma_semaphore, #tpu.memory_space<semaphore_mem>>) src(%dma_wait3A_858 : memref<8192xi32, #tpu.memory_space<hbm>>) dst(%arg10 : memref<8192xi32, #tpu.memory_space<vmem>>)
        %scan3A_859 = arith.constant 0 : i32
        %scan3A_860 = arith.constant 0 : i32
        %scan3A_861 = arith.constant 512 : i32
        %scan3A_862 = arith.addi %scan3A_860, %scan3A_861 : i32
        %scan3A_863 = arith.constant 1 : i32
        scf.for %scan3A_874 = %scan3A_860 to %scan3A_862 step %scan3A_863  : i32 {
          %mul3A_875 = arith.constant 16 : i32
          %mul3A_876 = arith.muli %scan3A_874, %mul3A_875 : i32
          %get3A = arith.index_cast %mul3A_876 : i32 to index
          %get3A_877 = tpu.vector_load %arg10[%get3A] {strides = array<i32>} : memref<8192xi32, #tpu.memory_space<vmem>>, vector<16xi32>,
          %and3A = vector.broadcast %scan3A_5 : i32 to vector<16xi32>
          %and3A_878 = arith.andi %get3A_877, %and3A : vector<16xi32>
          %swap3A = arith.index_cast %mul3A_876 : i32 to index
          %swap3A_879 = tpu.vector_load %arg12[%swap3A] {strides = array<i32>} : memref<8192xi32, #tpu.memory_space<vmem>>, vector<16xi32>,
          tpu.vector_store %arg12[%swap3A], %and3A_878 {strides = array<i32>} : memref<8192xi32, #tpu.memory_space<vmem>>, vector<16xi32>,
          %shift_right_logical3A = arith.constant 31 : i32
          %shift_right_logical3A_880 = vector.broadcast %shift_right_logical3A : i32 to vector<16xi32>
          %shift_right_logical3A_881 = arith.shrui %get3A_877, %shift_right_logical3A_880 : vector<16xi32>
          %swap3A_882 = arith.index_cast %mul3A_876 : i32 to index
          %swap3A_883 = tpu.vector_load %arg14[%swap3A_882] {strides = array<i32>} : memref<8192xi32, #tpu.memory_space<vmem>>, vector<16xi32>,
          tpu.vector_store %arg14[%swap3A_882], %shift_right_logical3A_881 {strides = array<i32>} : memref<8192xi32, #tpu.memory_space<vmem>>, vector<16xi32>,
        }
        %scan3A_864 = arith.constant 512 : i32
        %sub3A = arith.constant 1 : i32
        %sub3A_865 = arith.subi %add3A_444, %sub3A : i32
        %mul3A_866 = arith.constant 8192 : i32
        %mul3A_867 = arith.muli %sub3A_865, %mul3A_866 : i32
        %add3A_868 = arith.addi %multiple_of3A, %mul3A_867 : i32
        %multiple_of3A_869 = tpu.assume_multiple %add3A_868, 8192 : i32
        %dma_start3A_870 = tpu.memref_slice %arg4[%multiple_of3A_869] : memref<4194304xi32, #tpu.memory_space<hbm>> -> memref<8192xi32, #tpu.memory_space<hbm>>
        %dma_start3A_871 = tpu.memref_slice %arg4[%multiple_of3A_869] : memref<4194304xi32, #tpu.memory_space<hbm>> -> memref<8192xi32, #tpu.memory_space<hbm>>
        tpu.enqueue_dma source(%arg12 : memref<8192xi32, #tpu.memory_space<vmem>>) target(%dma_start3A_871 : memref<8192xi32, #tpu.memory_space<hbm>>) target_semaphore(%arg18 : memref<!tpu.dma_semaphore, #tpu.memory_space<semaphore_mem>>)
        %dma_start3A_872 = tpu.memref_slice %arg5[%multiple_of3A_869] : memref<4194304xi32, #tpu.memory_space<hbm>> -> memref<8192xi32, #tpu.memory_space<hbm>>
        %dma_start3A_873 = tpu.memref_slice %arg5[%multiple_of3A_869] : memref<4194304xi32, #tpu.memory_space<hbm>> -> memref<8192xi32, #tpu.memory_space<hbm>>
        tpu.enqueue_dma source(%arg14 : memref<8192xi32, #tpu.memory_space<vmem>>) target(%dma_start3A_873 : memref<8192xi32, #tpu.memory_space<hbm>>) target_semaphore(%arg18 : memref<!tpu.dma_semaphore, #tpu.memory_space<semaphore_mem>>)
      } else {
      }
    }
    %scan3A_10 = arith.constant 8 : i32
    %dma_wait3A = arith.constant 0 : i32
    %dma_wait3A_11 = tpu.memref_slice %arg3[%dma_wait3A] : memref<2097153xi32, #tpu.memory_space<hbm>> -> memref<8192xi32, #tpu.memory_space<hbm>>
    %dma_wait3A_12 = arith.constant 0 : i32
    %dma_wait3A_13 = tpu.memref_slice %arg3[%dma_wait3A_12] : memref<2097153xi32, #tpu.memory_space<hbm>> -> memref<8192xi32, #tpu.memory_space<hbm>>
    tpu.wait_dma2 semaphore(%arg17 : memref<!tpu.dma_semaphore, #tpu.memory_space<semaphore_mem>>) src(%dma_wait3A_13 : memref<8192xi32, #tpu.memory_space<hbm>>) dst(%arg11 : memref<8192xi32, #tpu.memory_space<vmem>>)
    %scan3A_14 = arith.constant 0 : i32
    %scan3A_15 = arith.constant 2147483647 : i32
    %scan3A_16 = arith.constant 0 : i32
    %scan3A_17 = arith.constant 512 : i32
    %scan3A_18 = arith.addi %scan3A_16, %scan3A_17 : i32
    %scan3A_19 = arith.constant 1 : i32
    scf.for %scan3A_32 = %scan3A_16 to %scan3A_18 step %scan3A_19  : i32 {
      %mul3A_33 = arith.constant 16 : i32
      %mul3A_34 = arith.muli %scan3A_32, %mul3A_33 : i32
      %get3A = arith.index_cast %mul3A_34 : i32 to index
      %get3A_35 = tpu.vector_load %arg11[%get3A] {strides = array<i32>} : memref<8192xi32, #tpu.memory_space<vmem>>, vector<16xi32>,
      %and3A = vector.broadcast %scan3A_15 : i32 to vector<16xi32>
      %and3A_36 = arith.andi %get3A_35, %and3A : vector<16xi32>
      %swap3A = arith.index_cast %mul3A_34 : i32 to index
      %swap3A_37 = tpu.vector_load %arg13[%swap3A] {strides = array<i32>} : memref<8192xi32, #tpu.memory_space<vmem>>, vector<16xi32>,
      tpu.vector_store %arg13[%swap3A], %and3A_36 {strides = array<i32>} : memref<8192xi32, #tpu.memory_space<vmem>>, vector<16xi32>,
      %shift_right_logical3A = arith.constant 31 : i32
      %shift_right_logical3A_38 = vector.broadcast %shift_right_logical3A : i32 to vector<16xi32>
      %shift_right_logical3A_39 = arith.shrui %get3A_35, %shift_right_logical3A_38 : vector<16xi32>
      %swap3A_40 = arith.index_cast %mul3A_34 : i32 to index
      %swap3A_41 = tpu.vector_load %arg15[%swap3A_40] {strides = array<i32>} : memref<8192xi32, #tpu.memory_space<vmem>>, vector<16xi32>,
      tpu.vector_store %arg15[%swap3A_40], %shift_right_logical3A_39 {strides = array<i32>} : memref<8192xi32, #tpu.memory_space<vmem>>, vector<16xi32>,
    }
    %scan3A_20 = arith.constant 512 : i32
    %add3A_21 = arith.constant 122880 : i32
    %add3A_22 = arith.addi %multiple_of3A, %add3A_21 : i32
    %multiple_of3A_23 = tpu.assume_multiple %add3A_22, 8192 : i32
    "tpu.region"() ({
      %run_scoped3A = tpu.sem_alloc : memref<!tpu.dma_semaphore, #tpu.memory_space<semaphore_mem>>
      %dma_start3A = tpu.memref_slice %arg4[%multiple_of3A_23] : memref<4194304xi32, #tpu.memory_space<hbm>> -> memref<8192xi32, #tpu.memory_space<hbm>>
      %dma_start3A_32 = tpu.memref_slice %arg4[%multiple_of3A_23] : memref<4194304xi32, #tpu.memory_space<hbm>> -> memref<8192xi32, #tpu.memory_space<hbm>>
      tpu.enqueue_dma source(%arg13 : memref<8192xi32, #tpu.memory_space<vmem>>) target(%dma_start3A_32 : memref<8192xi32, #tpu.memory_space<hbm>>) target_semaphore(%run_scoped3A : memref<!tpu.dma_semaphore, #tpu.memory_space<semaphore_mem>>)
      %dma_wait3A_33 = tpu.memref_slice %arg4[%multiple_of3A_23] : memref<4194304xi32, #tpu.memory_space<hbm>> -> memref<8192xi32, #tpu.memory_space<hbm>>
      %dma_wait3A_34 = tpu.memref_slice %arg4[%multiple_of3A_23] : memref<4194304xi32, #tpu.memory_space<hbm>> -> memref<8192xi32, #tpu.memory_space<hbm>>
      tpu.wait_dma2 semaphore(%run_scoped3A : memref<!tpu.dma_semaphore, #tpu.memory_space<semaphore_mem>>) src(%arg13 : memref<8192xi32, #tpu.memory_space<vmem>>) dst(%dma_wait3A_34 : memref<8192xi32, #tpu.memory_space<hbm>>)
      tpu.yield
    }) : () -> ()
    "tpu.region"() ({
      %run_scoped3A = tpu.sem_alloc : memref<!tpu.dma_semaphore, #tpu.memory_space<semaphore_mem>>
      %dma_start3A = tpu.memref_slice %arg5[%multiple_of3A_23] : memref<4194304xi32, #tpu.memory_space<hbm>> -> memref<8192xi32, #tpu.memory_space<hbm>>
      %dma_start3A_32 = tpu.memref_slice %arg5[%multiple_of3A_23] : memref<4194304xi32, #tpu.memory_space<hbm>> -> memref<8192xi32, #tpu.memory_space<hbm>>
      tpu.enqueue_dma source(%arg15 : memref<8192xi32, #tpu.memory_space<vmem>>) target(%dma_start3A_32 : memref<8192xi32, #tpu.memory_space<hbm>>) target_semaphore(%run_scoped3A : memref<!tpu.dma_semaphore, #tpu.memory_space<semaphore_mem>>)
      %dma_wait3A_33 = tpu.memref_slice %arg5[%multiple_of3A_23] : memref<4194304xi32, #tpu.memory_space<hbm>> -> memref<8192xi32, #tpu.memory_space<hbm>>
      %dma_wait3A_34 = tpu.memref_slice %arg5[%multiple_of3A_23] : memref<4194304xi32, #tpu.memory_space<hbm>> -> memref<8192xi32, #tpu.memory_space<hbm>>
      tpu.wait_dma2 semaphore(%run_scoped3A : memref<!tpu.dma_semaphore, #tpu.memory_space<semaphore_mem>>) src(%arg15 : memref<8192xi32, #tpu.memory_space<vmem>>) dst(%dma_wait3A_34 : memref<8192xi32, #tpu.memory_space<hbm>>)
      tpu.yield
    }) : () -> ()
    %dma_wait3A_24 = arith.constant 0 : i32
    %dma_wait3A_25 = tpu.memref_slice %arg4[%dma_wait3A_24] : memref<4194304xi32, #tpu.memory_space<hbm>> -> memref<8192xi32, #tpu.memory_space<hbm>>
    %dma_wait3A_26 = arith.constant 0 : i32
    %dma_wait3A_27 = tpu.memref_slice %arg4[%dma_wait3A_26] : memref<4194304xi32, #tpu.memory_space<hbm>> -> memref<8192xi32, #tpu.memory_space<hbm>>
    tpu.wait_dma2 semaphore(%arg18 : memref<!tpu.dma_semaphore, #tpu.memory_space<semaphore_mem>>) src(%arg12 : memref<8192xi32, #tpu.memory_space<vmem>>) dst(%dma_wait3A_27 : memref<8192xi32, #tpu.memory_space<hbm>>)
    %dma_wait3A_28 = arith.constant 0 : i32
    %dma_wait3A_29 = tpu.memref_slice %arg5[%dma_wait3A_28] : memref<4194304xi32, #tpu.memory_space<hbm>> -> memref<8192xi32, #tpu.memory_space<hbm>>
    %dma_wait3A_30 = arith.constant 0 : i32
    %dma_wait3A_31 = tpu.memref_slice %arg5[%dma_wait3A_30] : memref<4194304xi32, #tpu.memory_space<hbm>> -> memref<8192xi32, #tpu.memory_space<hbm>>
    tpu.wait_dma2 semaphore(%arg18 : memref<!tpu.dma_semaphore, #tpu.memory_space<semaphore_mem>>) src(%arg14 : memref<8192xi32, #tpu.memory_space<vmem>>) dst(%dma_wait3A_31 : memref<8192xi32, #tpu.memory_space<hbm>>)
    return
  }
}

</mosaic_0001>

<sc_bundles>
// kernel: kernel.3.cloned.1.call-start
scs
__scs_entry_jumppad:
0x0: {  	(pc) =	sbr.rel $0x88, $3  }
0x1: {  	(tag) =	ssettag $0x0;
	lr =	simm.s32 $0x1  }
0x2: {  	[smem:$0x3F9E] =	sst lr;
	_ =	strace $0xD0000000  }
0x3: {  	_ = 	snop  }
0x4: {  	_ = 	snop  }
0x5: {  	_ = 	snop  }
0x6: {  	_ = 	snop  }
0x7: {  	_ = 	snop  }
__scs_overlays_trampoline_lowered:
0x8: {  	[smem:$0x3FAD] =	sst s0  }
0x9: {  	[smem:$0x3FAE] =	sst s1  }
0xa: {  	[smem:$0x3FAF] =	sst s2  }
0xb: {  	[smem:$0x3FB0] =	sst s3  }
0xc: {  	[smem:$0x3FB1] =	sst s4  }
0xd: {  	[smem:$0x3FB2] =	sst s5  }
0xe: {  	[smem:$0x3FB3] =	sst s6  }
0xf: {  	[smem:$0x3FB4] =	sst s7  }
0x10: {  	[smem:$0x3FB5] =	sst s8  }
0x11: {  	[smem:$0x3FB6] =	sst s9;
	s0 =	simm.s32 @!p0 $0x0  }
0x12: {  	s1 =	sld [smem:$0x3F9C];
	s0 =	simm.s32 @p0 $0x1  }
0x13: {  	[smem:$0x3FB7] =	sst s0;
	s0 =	simm.s32 @!p1 $0x0  }
0x14: {  	s2 =	sld [smem:$0x3F9B];
	s0 =	simm.s32 @p1 $0x1  }
0x15: {  	[smem:$0x3FB8] =	sst s0;
	s0 =	simm.s32 @!p2 $0x0  }
0x16: {  	s3 =	sld [smem:$0x3FDB];
	s0 =	simm.s32 @p2 $0x1  }
0x17: {  	s4 =	simm.s32 $0x1BF5;
	[smem:$0x3FBA] =	sst s0  }
0x18: {  	s0 =	sld [smem:$0x3F9D];
	_ =	swait.ge [sflag:s4], $0x0  }
0x19: {  	s7 =	sld [smem:$0x3F9E]  }
0x1a: {  	s8 =	sadd.s32 $0xFFFFE003, lr  }
0x1b: {  	s9 =	sadd.s32 $0xFFFFFEF7, lr;
	s5 =	simm.s32 $0xFFFFFFFF;
	p2 =	slt.u32 s8, $0xFFFFF086  }
0x1c: {  	p1 =	slt.u32 s9, $0xF7A;
	s5 =	simm.s32 @!p2 $0x0  }
0x1d: {  	s5 =	simm.s32 @p1 $0x1;
	p0 =	seq.s32 s7, s2  }
0x1e: {  	s7 =	smul.u32 @!p0 $0xF7A, s2;
	p2 =	seq.s32 @!p0 s5, $0x0  }
0x1f: {  	s9 =	smul.u32 $0xF7A, s1;
	s8 =	simm.s32 @!p0 $0x1BF5;
	p2 =	por !p2, p0  }
0x20: {  	[sflag:s8] =	ssyncset.s32 @!p0 $0xFFFFF086;
	s6 =	sadd.s32 @!p0 s3, s7;
	s7 =	simm.s32 @!p0 $0x108  }
0x21: {  	s3 =	sadd.s32 s3, s9;
	s6 =	sadd.s32 @!p0 $0x88, s6;
	s7 =	simm.s32 @p2 $0x1082  }
0x22: {  	[simem:s7], [sflag:s8] =	dma.local @!p0 [hbm:s6], $0xF7A  }
0x23: {  	s9 =	sor.u32 $0xD0000000, s2;
	s6 =	simm.s32 $0x108;
	_ =	swait.ge @!p0 [sflag:s8], $0x0  }
0x24: {  	s3 =	sadd.s32 $0x88, s3;
	s6 =	simm.s32 @!p1 $0x1082;
	[sflag:s4] =	ssyncset.s32 $0xFFFFF086  }
0x25: {  	[simem:s6], [sflag:s4] =	dma.local [hbm:s3], $0xF7A  }
0x26: {  	[smem:$0x3F9E] =	sst s1;
	(tag) =	ssettag s2;
	_ =	strace s9  }
0x27: {  	s1 =	sld [smem:$0x3FAE]  }
0x28: {  	s2 =	sld [smem:$0x3FAF]  }
0x29: {  	s4 =	sld [smem:$0x3FB1]  }
0x2a: {  	p0 =	seq.s32 s5, $0x0;
	s5 =	sld [smem:$0x3FB2]  }
0x2b: {  	s6 =	sld [smem:$0x3FB3]  }
0x2c: {  	s7 =	sld [smem:$0x3FB4]  }
0x2d: {  	s3 =	simm.s32 $0x108;
	s8 =	sld [smem:$0x3FB5]  }
0x2e: {  	s3 =	simm.s32 @!p0 $0x1082;
	s9 =	sld [smem:$0x3FB6]  }
0x2f: {  	lr =	sadd.s32 s0, s3;
	s0 =	sld [smem:$0x3FAD]  }
0x30: {  	s3 =	sld [smem:$0x3FB0]  }
0x31: {  	[smem:$0x3FB9] =	sst s10  }
0x32: {  	s10 =	sld [smem:$0x3FB7];
	_ =	sdelay $0x3  }
0x33: {  	p0 =	seq.s32 s10, $0x1;
	s10 =	sld [smem:$0x3FB9];
	_ =	sdelay $0x3  }
0x34: {  	[smem:$0x3FB9] =	sst s10  }
0x35: {  	s10 =	sld [smem:$0x3FB8];
	_ =	sdelay $0x3  }
0x36: {  	p1 =	seq.s32 s10, $0x1;
	s10 =	sld [smem:$0x3FB9];
	_ =	sdelay $0x3  }
0x37: {  	[smem:$0x3FB9] =	sst s10  }
0x38: {  	s10 =	sld [smem:$0x3FBA]  }
0x39: {  	_ = 	snop;
	(pc) =	sbr.ind lr, $3  }
0x3a: {  	_ = 	snop  }
0x3b: {  	_ = 	snop  }
0x3c: {  	p2 =	seq.s32 s10, $0x1;
	s10 =	sld [smem:$0x3FB9]  }
0x3d: {  	_ =	shalt  }
0x3e: {  	_ =	shalt  }
0x3f: {  	_ =	shalt  }
0x40: {  	_ =	shalt  }
0x41: {  	_ =	shalt  }
0x42: {  	_ =	shalt  }
0x43: {  	_ =	shalt  }
0x44: {  	_ =	shalt  }
0x45: {  	_ =	shalt  }
0x46: {  	_ =	shalt  }
0x47: {  	_ =	shalt  }
0x48: {  	_ =	shalt  }
0x49: {  	_ =	shalt  }
0x4a: {  	_ =	shalt  }
0x4b: {  	_ =	shalt  }
0x4c: {  	_ =	shalt  }
0x4d: {  	_ =	shalt  }
0x4e: {  	_ =	shalt  }
0x4f: {  	_ =	shalt  }
0x50: {  	_ =	shalt  }
0x51: {  	_ =	shalt  }
0x52: {  	_ =	shalt  }
0x53: {  	_ =	shalt  }
0x54: {  	_ =	shalt  }
0x55: {  	_ =	shalt  }
0x56: {  	_ =	shalt  }
0x57: {  	_ =	shalt  }
0x58: {  	_ =	shalt  }
0x59: {  	_ =	shalt  }
0x5a: {  	_ =	shalt  }
0x5b: {  	_ =	shalt  }
0x5c: {  	_ =	shalt  }
0x5d: {  	_ =	shalt  }
0x5e: {  	_ =	shalt  }
0x5f: {  	_ =	shalt  }
0x60: {  	_ =	shalt  }
0x61: {  	_ =	shalt  }
0x62: {  	_ =	shalt  }
0x63: {  	_ =	shalt  }
0x64: {  	_ =	shalt  }
0x65: {  	_ =	shalt  }
0x66: {  	_ =	shalt  }
0x67: {  	_ =	shalt  }
0x68: {  	_ =	shalt  }
0x69: {  	_ =	shalt  }
0x6a: {  	_ =	shalt  }
0x6b: {  	_ =	shalt  }
0x6c: {  	_ =	shalt  }
0x6d: {  	_ =	shalt  }
0x6e: {  	_ =	shalt  }
0x6f: {  	_ =	shalt  }
0x70: {  	_ =	shalt  }
0x71: {  	_ =	shalt  }
0x72: {  	_ =	shalt  }
0x73: {  	_ =	shalt  }
0x74: {  	_ =	shalt  }
0x75: {  	_ =	shalt  }
0x76: {  	_ =	shalt  }
0x77: {  	_ =	shalt  }
0x78: {  	_ =	shalt  }
0x79: {  	_ =	shalt  }
0x7a: {  	_ =	shalt  }
0x7b: {  	_ =	shalt  }
0x7c: {  	_ =	shalt  }
0x7d: {  	_ =	shalt  }
0x7e: {  	_ =	shalt  }
0x7f: {  	_ =	shalt  }
0x80: {  	_ =	shalt  }
0x81: {  	_ =	shalt  }
0x82: {  	_ =	shalt  }
0x83: {  	_ =	shalt  }
0x84: {  	_ =	shalt  }
0x85: {  	_ =	shalt  }
0x86: {  	_ =	shalt  }
0x87: {  	_ =	shalt  }
.Lfunc_end0:
.L_simem_size_0:
called_computation_lowered:
.L_overlay_start_0:
0x88: {  	s2 =	sld [smem:$0x3FD9]  }
0x89: {  	s3 =	sld [smem:$0x3FFE];
	_ =	sdelay $0x1  }
0x8a: {  	s1 =	srdreg.scid  }
0x8b: {  	s0 =	sand.u32 $0x1, s1  }
0x8c: {  	s14 =	sshll.u32 s0, $0xA;
	s2 =	sadd.s32 s3, s2  }
0x8d: {  	s2 =	sadd.s32 s2, s14  }
0x8e: {  	[smem:$0x3FC5] =	sst s2  }
0x8f: {  	_ = 	snop  }
0x90: {  	s2 =	sld [smem:$0x3FD0];
	_ =	sdelay $0x2  }
0x91: {  	s15 =	simm.s32 $0xA;
	s4 =	simm.s32 $0x10  }
0x92: {  	[smem:s4], [sflag:s15] =	dma.local [hbm:s2], $0x1  }
0x93: {  	_ =	swait.eq [sflag:s15], $0x1  }
0x94: {  	[sflag:s15] =	ssyncset.done $0x0  }
0x95: {  	[sflag:s15] =	ssyncadd.s32 $0xFFFFFFFF  }
0x96: {  	s16 =	sld [smem:$0x10];
	(tm) =	ssettm $0x1  }
0x97: {  	s17 =	sld [smem:$0x3FFB];
	_ =	sdelay $0x3  }
0x98: {  	_ =	strace s17  }
0x99: {  	s3 =	sld [smem:$0x3FFC];
	_ =	sdelay $0x3  }
0x9a: {  	_ =	strace s3  }
0x9b: {  	s3 =	sld [smem:$0x3FFD];
	_ =	sdelay $0x3  }
0x9c: {  	_ =	strace s3  }
0x9d: {  	_ =	strace $0x8FFFFFFF  }
0x9e: {  	s18 =	sld [smem:$0x3FDB];
	_ =	sdelay $0x1  }
0x9f: {  	s19 =	simm.s32 $_scs_section_size  }
0xa0: {  	s5 =	simm.s32 $_size__tile_overlayer_lowered;
	s6 =	simm.s32 $_tile_overlayer_lowered  }
0xa1: {  	s22 =	simm.s32 $0x1BFF;
	s21 =	sshll.u32 s6, $0x1;
	s3 =	sadd.s32 s19, s18  }
0xa2: {  	s7 =	simm.s32 $0x0;
	s20 =	sshll.u32 s5, $0x1;
	s5 =	sadd.s32 s21, s3  }
0xa3: {  	[timem:s7], [sflag:s22] =	dma.local [hbm:s5], s20  }
0xa4: {  	_ =	swait.ge [sflag:s22], s20  }
0xa5: {  	s4 =	ssub.s32 $0x0, s20;
	[sflag:s22] =	ssyncset.done $0x0  }
0xa6: {  	[sflag:s22] =	ssyncadd.s32 s4;
	_ =	sdelay $0x1  }
0xa7: {  	s23 =	simm.s32 $0x1B8B  }
0xa8: {  	_ =	swait.ge [sflag:s23], $0x1  }
0xa9: {  	[sflag:s23] =	ssyncset.done $0x0  }
0xaa: {  	s25 =	simm.s32 $0x1B8E;
	s24 =	sld [smem:$0x3FFE];
	[sflag:s23] =	ssyncadd.s32 $0xFFFFFFFF  }
0xab: {  	s26 =	simm.s32 $execute0_lowered;
	[smem:$0x3FD2] =	sst s25  }
0xac: {  	s5 =	sshll.u32 s26, $0x1;
	_ =	strace $0x80000046;
	[dreg:$0x1] =	wrdreg $0xFFFFFFFF  }
0xad: {  	s28 =	simm.s32 $_size_execute0_lowered;
	s3 =	sadd.s32 s3, s5;
	[dreg:$0x0] =	wrdreg $0x0  }
0xae: {  	s5 =	sshll.u32 s28, $0x1;
	[dreg:$0x2] =	wrdreg s3  }
0xaf: {  	[dreg:$0x3] =	wrdreg s5  }
0xb0: {  	[dreg:$0x4] =	wrdreg $0xC0  }
0xb1: {  	_ =	task [dreg:s7], $0x5FFFF  }
0xb2: {  	[dreg:$0x1] =	wrdreg $0xFFFFFFFF  }
0xb3: {  	[dreg:$0x0] =	wrdreg $0x60  }
0xb4: {  	[dreg:$0x2] =	wrdreg s24  }
0xb5: {  	[dreg:$0x3] =	wrdreg s16  }
0xb6: {  	[dreg:$0x4] =	wrdreg $0x9  }
0xb7: {  	_ =	task.clear_ibuf [dreg:s7], $0x5FFFF;
	_ =	strace $0x90000046  }
0xb8: {  	s29 =	simm.s32 $0x9;
	_ =	strace $0x80000048  }
0xb9: {  	_ =	swait.ge [sflag:s29], $0x1  }
0xba: {  	[sflag:s29] =	ssyncadd.s32 $0xFFFFFFFF  }
0xbb: {  	_ =	strace $0x90000048  }
0xbc: {  	_ =	sfence  }
0xbd: {  	s30 =	sld [smem:$0x0];
	_ =	sdelay $0x2  }
0xbe: {  	s31 =	sshll.u32 s1, $0xD;
	s1 =	sshrl.u32 s1, $0x2  }
0xbf: {  	s3 =	sand.u32 $0x4000, s31;
	s1 =	sadd.s32 s1, s30  }
0xc0: {  	s0 =	sor.u32 s3, s0;
	s1 =	sshll.u32 s1, $0x11  }
0xc1: {  	s0 =	sor.u32 s1, s0  }
0xc2: {  	s0 =	sadd.s32 $0x8F2B, s0  }
0xc3: {  	[sflag:s0] =	ssyncadd.remote.s32 $0x1  }
0xc4: {  	_ =	sfence.sel $0xFFFF  }
0xc5: {  	[dreg:$0x0] =	wrdreg $0xFFFFFFFF;
	(pc) =	sbr.abs _section_cstart, $3  }
0xc6: {  	[dreg:$0x1] =	wrdreg $0xFFFFFFFF  }
0xc7: {  	_ =	task.clear_ibuf [dreg:s7], $0x2FFFF;
	_ =	strace $0x9FFFFFFF  }
0xc8: {  	(tm) =	ssettm $0x7FFFFFFF  }
0xc9: {  	_ =	shalt  }
tec
execute0_lowered:
.L_overlay_start_1:
0x0: {  	(tag) =	ssettag $0x1  }
0x1: {  	s0 =	rddreg [dreg:$0x0]  }
0x2: {  	s1 =	rddreg [dreg:$0x1];
	s2 =	simm.s32 $0x0;
	s3 =	srdreg.scid  }
0x3: {  	s6 =	stileid.u32;
	s14 =	simm.s32 $0x5;
	s17 =	simm.s32 $0x80  }
0x4: {  	s21 =	simm.s32 $0xFD80;
	s22 =	simm.s32 $0x13D80;
	s28 =	simm.s32 $0xFF00  }
0x5: {  	s29 =	simm.s32 $0x13F00;
	s30 =	simm.s32 $0xFF80;
	s31 =	simm.s32 $0x13F80  }
0x6: {  	s11 =	simm.s32 $0x18000;
	s12 =	simm.s32 $0x2;
	s15 =	simm.s32 $0x0  }
0x7: {  	[smem:$0x7FF] =	sst s2;
	s4 =	sadd.s32 $0x1A00, s0;
	s5 =	sadd.s32 $0x181A00, s0  }
0x8: {  	s3 =	sand.u32 $0x1, s3;
	s7 =	sshll.u32 s6, $0x12;
	s6 =	sadd.s32 $0x201A00, s0  }
0x9: {  	_ =	strace $0x80000047;
	s8 =	ssub.s32 $0x2, s3;
	s3 =	sshll.u32 s3, $0x11  }
0xa: {  	s9 =	sshrl.u32 s8, $0x1;
	s7 =	sor.u32 s3, s7;
	s3 =	simm.s32 $0x14000  }
0xb: {  	s23 =	ssub.s32 s8, s9;
	s8 =	sadd.s32 $0x81A00, s0;
	s24 =	sadd.s32 $0xFFFFE000, s7  }
0xc: {  	s10 =	sshrl.u32 s7, $0x3;
	s9 =	sadd.s32 $0x101A00, s0;
	[dreg:$0x3] =	wrdreg s24  }
0xd: {  	s25 =	sor.u32 $0x3C00, s10;
	s26 =	smax.u32 s23, $0x1;
	s23 =	simm.s32 $0xFE00  }
0xe: {  	s24 =	simm.s32 $0x13E00;
	s10 =	sadd.s32 s5, s25;
	[dreg:$0x6] =	wrdreg s26  }
0xf: {  	s0 =	sadd.s32 s6, s25;
	s25 =	simm.s32 $0xFE80;
	[dreg:$0x4] =	wrdreg s10  }
0x10: {  	s26 =	simm.s32 $0x13E80;
	[dreg:$0x5] =	wrdreg s0;
	s0 =	simm.s32 $0x1  }
.LBB2_1:
0x11: {  	[dreg:$0x7] =	wrdreg s15;
	s13 =	simm.s32 $0x0  }
.LBB2_2:
0x12: {  	s16 =	sshll.u32 s13, $0xE  }
0x13: {  	s10 =	sor.u32 s7, s16  }
0x14: {  	s15 =	sshrl.u32 s10, $0x3  }
0x15: {  	s18 =	simm.s32 $0x0;
	s10 =	sadd.s32 s4, s15  }
0x16: {  	[tilespmem:s18], [sflag:$0x5] =	stream.linear.gather [hbm4b:s10+s18], $0x2000, $0x38;
	[tilespmem:$0x1C000] =	vst v63  }
0x17: {  	_ =	swait.ge [sflag:s14], $0x2000  }
0x18: {  	[sflag:s14] =	ssyncset.done $0x0  }
0x19: {  	s19 =	simm.s32 $0x2000;
	s20 =	sadd.s32 s15, s8;
	[sflag:s14] =	ssyncadd.s32 $0xFFFFE000  }
0x1a: {  	[tilespmem:s19], [sflag:$0x5] =	stream.linear.gather [hbm4b:s20+s18], $0x2000, $0x38;
	[tilespmem:$0x1C000] =	vst v63  }
0x1b: {  	_ =	swait.ge [sflag:s14], $0x2000  }
0x1c: {  	[sflag:s14] =	ssyncset.done $0x0  }
0x1d: {  	s19 =	sadd.s32 s15, s9;
	s20 =	simm.s32 $0x4000;
	[sflag:s14] =	ssyncadd.s32 $0xFFFFE000  }
0x1e: {  	[tilespmem:s20], [sflag:$0x5] =	stream.linear.gather [hbm4b:s19+s18], $0x2000, $0x38;
	[tilespmem:$0x1C000] =	vst v63  }
0x1f: {  	_ =	swait.ge [sflag:s14], $0x2000  }
0x20: {  	[sflag:s14] =	ssyncset.done $0x0  }
0x21: {  	[sflag:s14] =	ssyncadd.s32 $0xFFFFE000  }
0x22: {  	s20 =	sand.u32 $0x1FF0, s18;
	v0 =	vld [tilespmem:s18+$0x0]  }
0x23: {  	v1 =	vld [tilespmem:s20+$0x2000]  }
0x24: {  	v2 =	vld [tilespmem:s20+$0x4000];
	_ =	sdelay $0x3  }
0x25: {  	v3 =	vmul.f32 $1.280000000e+02, v0;
	v4 =	vmul.f32 $1.280000000e+02, v1  }
0x26: {  	v5 =	vmul.f32 $1.280000000e+02, v2  }
0x27: {  	v3 =	vtrunc.f32 v3;
	v4 =	vtrunc.f32 v4  }
0x28: {  	v3 =	vcvt.f32.s32 v3;
	v4 =	vcvt.f32.s32 v4  }
0x29: {  	vm0 =	vgt.f32 v1, $0.0e+00;
	vm1 =	vgt.f32 v0, $0.0e+00;
	v1 =	vtrunc.f32 v5  }
0x2a: {  	v0 =	vcvt.f32.s32 v1;
	v1 =	vshll.u32 v3, $0xE;
	v3 =	vshll.u32 v4, $0x7  }
0x2b: {  	vm2 =	vgt.f32 v2, $0.0e+00;
	vm0 =	vmand vm1, vm0;
	v1 =	vadd.s32 v1, v3  }
0x2c: {  	vm0 =	vmand vm0, vm2;
	v0 =	vadd.s32 v0, v1  }
0x2d: {  	s10 =	simm.s32 $0xC000;
	s19 =	simm.s32 $0x10;
	v0 =	vnsel vm0, $0x200000, v0  }
.LBB2_3:
0x2e: {  	p0 =	sne.s32 s19, $0x1FF0;
	[tilespmem:s10+$0x0] =	vst v0;
	s18 =	sadd.s32 $0x10, s18;
	s10 =	sadd.s32 $0x10, s10  }
0x2f: {  	s20 =	sand.u32 $0x1FF0, s19;
	s19 =	sadd.s32 $0x10, s19;
	v0 =	vld [tilespmem:s18+$0x0]  }
0x30: {  	v1 =	vld [tilespmem:s20+$0x2000];
	_ =	sdelay $0x1  }
0x31: {  	v2 =	vld [tilespmem:s20+$0x4000];
	_ =	sdelay $0x1  }
0x32: {  	v3 =	vmul.f32 $1.280000000e+02, v0  }
0x33: {  	v4 =	vmul.f32 $1.280000000e+02, v1;
	vm0 =	vgt.f32 v1, $0.0e+00  }
0x34: {  	v1 =	vtrunc.f32 v3  }
0x35: {  	v3 =	vtrunc.f32 v4;
	v4 =	vmul.f32 $1.280000000e+02, v2;
	vm1 =	vgt.f32 v2, $0.0e+00  }
0x36: {  	v1 =	vcvt.f32.s32 v1;
	v2 =	vcvt.f32.s32 v3  }
.Ltmp0:
0x37: {  	vm2 =	vgt.f32 v0, $0.0e+00;
	v3 =	vtrunc.f32 v4;
	(pc) =	sbr.rel @p0 .LBB2_3-.Ltmp0, $4  }
0x38: {  	v1 =	vshll.u32 v1, $0xE;
	v0 =	vcvt.f32.s32 v3;
	v2 =	vshll.u32 v2, $0x7  }
0x39: {  	vm0 =	vmand vm2, vm0;
	v1 =	vadd.s32 v1, v2  }
0x3a: {  	vm0 =	vmand vm0, vm1;
	v0 =	vadd.s32 v0, v1  }
0x3b: {  	v0 =	vnsel vm0, $0x200000, v0  }
0x3c: {  	p0 =	seq.s32 s13, $0x0  }
0x3d: {  	[tilespmem:s10+$0x0] =	vst v0;
	s10 =	simm.s32 @!p0 $0x3  }
0x3e: {  	_ =	swait.ge @!p0 [sflag:s10], $0x2000  }
0x3f: {  	[sflag:s10] =	ssyncset.done @!p0 $0x0  }
0x40: {  	[sflag:s10] =	ssyncadd.s32 @!p0 $0xFFFFE000  }
0x41: {  	_ =	swait.ge @!p0 [sflag:s10], $0x2000  }
0x42: {  	[sflag:s10] =	ssyncset.done @!p0 $0x0  }
0x43: {  	s20 =	simm.s32 $0xC000;
	s18 =	simm.s32 $0x10000;
	[sflag:s10] =	ssyncadd.s32 @!p0 $0xFFFFE000  }
0x44: {  	[tilespmem:s18], [sflag:$0x1] =	stream.indirect.gather [hbm4b:s1+s17], $0x1, s20, s17, $0xb8;
	[tilespmem:$0x1C000] =	vst v63  }
0x45: {  	s19 =	simm.s32 $0xC080;
	s20 =	simm.s32 $0x10080  }
0x46: {  	[tilespmem:s20], [sflag:$0x1] =	stream.indirect.gather [hbm4b:s1+s17], $0x1, s19, s17, $0xb8;
	[tilespmem:$0x1C000] =	vst v63  }
0x47: {  	s19 =	simm.s32 $0xC100;
	s20 =	simm.s32 $0x10100  }
0x48: {  	[tilespmem:s20], [sflag:$0x1] =	stream.indirect.gather [hbm4b:s1+s17], $0x1, s19, s17, $0xb8;
	[tilespmem:$0x1C000] =	vst v63  }
0x49: {  	s19 =	simm.s32 $0xC180;
	s20 =	simm.s32 $0x10180  }
0x4a: {  	[tilespmem:s20], [sflag:$0x1] =	stream.indirect.gather [hbm4b:s1+s17], $0x1, s19, s17, $0xb8;
	[tilespmem:$0x1C000] =	vst v63  }
0x4b: {  	s19 =	simm.s32 $0xC200;
	s20 =	simm.s32 $0x10200  }
0x4c: {  	[tilespmem:s20], [sflag:$0x1] =	stream.indirect.gather [hbm4b:s1+s17], $0x1, s19, s17, $0xb8;
	[tilespmem:$0x1C000] =	vst v63  }
0x4d: {  	s19 =	simm.s32 $0xC280;
	s20 =	simm.s32 $0x10280  }
0x4e: {  	[tilespmem:s20], [sflag:$0x1] =	stream.indirect.gather [hbm4b:s1+s17], $0x1, s19, s17, $0xb8;
	[tilespmem:$0x1C000] =	vst v63  }
0x4f: {  	s19 =	simm.s32 $0xC300;
	s20 =	simm.s32 $0x10300  }
0x50: {  	[tilespmem:s20], [sflag:$0x1] =	stream.indirect.gather [hbm4b:s1+s17], $0x1, s19, s17, $0xb8;
	[tilespmem:$0x1C000] =	vst v63  }
0x51: {  	s19 =	simm.s32 $0xC380;
	s20 =	simm.s32 $0x10380  }
0x52: {  	[tilespmem:s20], [sflag:$0x1] =	stream.indirect.gather [hbm4b:s1+s17], $0x1, s19, s17, $0xb8;
	[tilespmem:$0x1C000] =	vst v63  }
0x53: {  	s19 =	simm.s32 $0xC400;
	s20 =	simm.s32 $0x10400  }
0x54: {  	[tilespmem:s20], [sflag:$0x1] =	stream.indirect.gather [hbm4b:s1+s17], $0x1, s19, s17, $0xb8;
	[tilespmem:$0x1C000] =	vst v63  }
0x55: {  	s19 =	simm.s32 $0xC480;
	s20 =	simm.s32 $0x10480  }
0x56: {  	[tilespmem:s20], [sflag:$0x1] =	stream.indirect.gather [hbm4b:s1+s17], $0x1, s19, s17, $0xb8;
	[tilespmem:$0x1C000] =	vst v63  }
0x57: {  	s19 =	simm.s32 $0xC500;
	s20 =	simm.s32 $0x10500  }
0x58: {  	[tilespmem:s20], [sflag:$0x1] =	stream.indirect.gather [hbm4b:s1+s17], $0x1, s19, s17, $0xb8;
	[tilespmem:$0x1C000] =	vst v63  }
0x59: {  	s19 =	simm.s32 $0xC580;
	s20 =	simm.s32 $0x10580  }
0x5a: {  	[tilespmem:s20], [sflag:$0x1] =	stream.indirect.gather [hbm4b:s1+s17], $0x1, s19, s17, $0xb8;
	[tilespmem:$0x1C000] =	vst v63  }
0x5b: {  	s19 =	simm.s32 $0xC600;
	s20 =	simm.s32 $0x10600  }
0x5c: {  	[tilespmem:s20], [sflag:$0x1] =	stream.indirect.gather [hbm4b:s1+s17], $0x1, s19, s17, $0xb8;
	[tilespmem:$0x1C000] =	vst v63  }
0x5d: {  	s19 =	simm.s32 $0xC680;
	s20 =	simm.s32 $0x10680  }
0x5e: {  	[tilespmem:s20], [sflag:$0x1] =	stream.indirect.gather [hbm4b:s1+s17], $0x1, s19, s17, $0xb8;
	[tilespmem:$0x1C000] =	vst v63  }
0x5f: {  	s19 =	simm.s32 $0xC700;
	s20 =	simm.s32 $0x10700  }
0x60: {  	[tilespmem:s20], [sflag:$0x1] =	stream.indirect.gather [hbm4b:s1+s17], $0x1, s19, s17, $0xb8;
	[tilespmem:$0x1C000] =	vst v63  }
0x61: {  	s19 =	simm.s32 $0xC780;
	s20 =	simm.s32 $0x10780  }
0x62: {  	[tilespmem:s20], [sflag:$0x1] =	stream.indirect.gather [hbm4b:s1+s17], $0x1, s19, s17, $0xb8;
	[tilespmem:$0x1C000] =	vst v63  }
0x63: {  	s19 =	simm.s32 $0xC800;
	s20 =	simm.s32 $0x10800  }
0x64: {  	[tilespmem:s20], [sflag:$0x1] =	stream.indirect.gather [hbm4b:s1+s17], $0x1, s19, s17, $0xb8;
	[tilespmem:$0x1C000] =	vst v63  }
0x65: {  	s19 =	simm.s32 $0xC880;
	s20 =	simm.s32 $0x10880  }
0x66: {  	[tilespmem:s20], [sflag:$0x1] =	stream.indirect.gather [hbm4b:s1+s17], $0x1, s19, s17, $0xb8;
	[tilespmem:$0x1C000] =	vst v63  }
0x67: {  	s19 =	simm.s32 $0xC900;
	s20 =	simm.s32 $0x10900  }
0x68: {  	[tilespmem:s20], [sflag:$0x1] =	stream.indirect.gather [hbm4b:s1+s17], $0x1, s19, s17, $0xb8;
	[tilespmem:$0x1C000] =	vst v63  }
0x69: {  	s19 =	simm.s32 $0xC980;
	s20 =	simm.s32 $0x10980  }
0x6a: {  	[tilespmem:s20], [sflag:$0x1] =	stream.indirect.gather [hbm4b:s1+s17], $0x1, s19, s17, $0xb8;
	[tilespmem:$0x1C000] =	vst v63  }
0x6b: {  	s19 =	simm.s32 $0xCA00;
	s20 =	simm.s32 $0x10A00  }
0x6c: {  	[tilespmem:s20], [sflag:$0x1] =	stream.indirect.gather [hbm4b:s1+s17], $0x1, s19, s17, $0xb8;
	[tilespmem:$0x1C000] =	vst v63  }
0x6d: {  	s19 =	simm.s32 $0xCA80;
	s20 =	simm.s32 $0x10A80  }
0x6e: {  	[tilespmem:s20], [sflag:$0x1] =	stream.indirect.gather [hbm4b:s1+s17], $0x1, s19, s17, $0xb8;
	[tilespmem:$0x1C000] =	vst v63  }
0x6f: {  	s19 =	simm.s32 $0xCB00;
	s20 =	simm.s32 $0x10B00  }
0x70: {  	[tilespmem:s20], [sflag:$0x1] =	stream.indirect.gather [hbm4b:s1+s17], $0x1, s19, s17, $0xb8;
	[tilespmem:$0x1C000] =	vst v63  }
0x71: {  	s19 =	simm.s32 $0xCB80;
	s20 =	simm.s32 $0x10B80  }
0x72: {  	[tilespmem:s20], [sflag:$0x1] =	stream.indirect.gather [hbm4b:s1+s17], $0x1, s19, s17, $0xb8;
	[tilespmem:$0x1C000] =	vst v63  }
0x73: {  	s19 =	simm.s32 $0xCC00;
	s20 =	simm.s32 $0x10C00  }
0x74: {  	[tilespmem:s20], [sflag:$0x1] =	stream.indirect.gather [hbm4b:s1+s17], $0x1, s19, s17, $0xb8;
	[tilespmem:$0x1C000] =	vst v63  }
0x75: {  	s19 =	simm.s32 $0xCC80;
	s20 =	simm.s32 $0x10C80  }
0x76: {  	[tilespmem:s20], [sflag:$0x1] =	stream.indirect.gather [hbm4b:s1+s17], $0x1, s19, s17, $0xb8;
	[tilespmem:$0x1C000] =	vst v63  }
0x77: {  	s19 =	simm.s32 $0xCD00;
	s20 =	simm.s32 $0x10D00  }
0x78: {  	[tilespmem:s20], [sflag:$0x1] =	stream.indirect.gather [hbm4b:s1+s17], $0x1, s19, s17, $0xb8;
	[tilespmem:$0x1C000] =	vst v63  }
0x79: {  	s19 =	simm.s32 $0xCD80;
	s20 =	simm.s32 $0x10D80  }
0x7a: {  	[tilespmem:s20], [sflag:$0x1] =	stream.indirect.gather [hbm4b:s1+s17], $0x1, s19, s17, $0xb8;
	[tilespmem:$0x1C000] =	vst v63  }
0x7b: {  	s19 =	simm.s32 $0xCE00;
	s20 =	simm.s32 $0x10E00  }
0x7c: {  	[tilespmem:s20], [sflag:$0x1] =	stream.indirect.gather [hbm4b:s1+s17], $0x1, s19, s17, $0xb8;
	[tilespmem:$0x1C000] =	vst v63  }
0x7d: {  	s19 =	simm.s32 $0xCE80;
	s20 =	simm.s32 $0x10E80  }
0x7e: {  	[tilespmem:s20], [sflag:$0x1] =	stream.indirect.gather [hbm4b:s1+s17], $0x1, s19, s17, $0xb8;
	[tilespmem:$0x1C000] =	vst v63  }
0x7f: {  	s19 =	simm.s32 $0xCF00;
	s20 =	simm.s32 $0x10F00  }
0x80: {  	[tilespmem:s20], [sflag:$0x1] =	stream.indirect.gather [hbm4b:s1+s17], $0x1, s19, s17, $0xb8;
	[tilespmem:$0x1C000] =	vst v63  }
0x81: {  	s19 =	simm.s32 $0xCF80;
	s20 =	simm.s32 $0x10F80  }
0x82: {  	[tilespmem:s20], [sflag:$0x1] =	stream.indirect.gather [hbm4b:s1+s17], $0x1, s19, s17, $0xb8;
	[tilespmem:$0x1C000] =	vst v63  }
0x83: {  	s19 =	simm.s32 $0xD000;
	s20 =	simm.s32 $0x11000  }
0x84: {  	[tilespmem:s20], [sflag:$0x1] =	stream.indirect.gather [hbm4b:s1+s17], $0x1, s19, s17, $0xb8;
	[tilespmem:$0x1C000] =	vst v63  }
0x85: {  	s19 =	simm.s32 $0xD080;
	s20 =	simm.s32 $0x11080  }
0x86: {  	[tilespmem:s20], [sflag:$0x1] =	stream.indirect.gather [hbm4b:s1+s17], $0x1, s19, s17, $0xb8;
	[tilespmem:$0x1C000] =	vst v63  }
0x87: {  	s19 =	simm.s32 $0xD100;
	s20 =	simm.s32 $0x11100  }
0x88: {  	[tilespmem:s20], [sflag:$0x1] =	stream.indirect.gather [hbm4b:s1+s17], $0x1, s19, s17, $0xb8;
	[tilespmem:$0x1C000] =	vst v63  }
0x89: {  	s19 =	simm.s32 $0xD180;
	s20 =	simm.s32 $0x11180  }
0x8a: {  	[tilespmem:s20], [sflag:$0x1] =	stream.indirect.gather [hbm4b:s1+s17], $0x1, s19, s17, $0xb8;
	[tilespmem:$0x1C000] =	vst v63  }
0x8b: {  	s19 =	simm.s32 $0xD200;
	s20 =	simm.s32 $0x11200  }
0x8c: {  	[tilespmem:s20], [sflag:$0x1] =	stream.indirect.gather [hbm4b:s1+s17], $0x1, s19, s17, $0xb8;
	[tilespmem:$0x1C000] =	vst v63  }
0x8d: {  	s19 =	simm.s32 $0xD280;
	s20 =	simm.s32 $0x11280  }
0x8e: {  	[tilespmem:s20], [sflag:$0x1] =	stream.indirect.gather [hbm4b:s1+s17], $0x1, s19, s17, $0xb8;
	[tilespmem:$0x1C000] =	vst v63  }
0x8f: {  	s19 =	simm.s32 $0xD300;
	s20 =	simm.s32 $0x11300  }
0x90: {  	[tilespmem:s20], [sflag:$0x1] =	stream.indirect.gather [hbm4b:s1+s17], $0x1, s19, s17, $0xb8;
	[tilespmem:$0x1C000] =	vst v63  }
0x91: {  	s19 =	simm.s32 $0xD380;
	s20 =	simm.s32 $0x11380  }
0x92: {  	[tilespmem:s20], [sflag:$0x1] =	stream.indirect.gather [hbm4b:s1+s17], $0x1, s19, s17, $0xb8;
	[tilespmem:$0x1C000] =	vst v63  }
0x93: {  	s19 =	simm.s32 $0xD400;
	s20 =	simm.s32 $0x11400  }
0x94: {  	[tilespmem:s20], [sflag:$0x1] =	stream.indirect.gather [hbm4b:s1+s17], $0x1, s19, s17, $0xb8;
	[tilespmem:$0x1C000] =	vst v63  }
0x95: {  	s19 =	simm.s32 $0xD480;
	s20 =	simm.s32 $0x11480  }
0x96: {  	[tilespmem:s20], [sflag:$0x1] =	stream.indirect.gather [hbm4b:s1+s17], $0x1, s19, s17, $0xb8;
	[tilespmem:$0x1C000] =	vst v63  }
0x97: {  	s19 =	simm.s32 $0xD500;
	s20 =	simm.s32 $0x11500  }
0x98: {  	[tilespmem:s20], [sflag:$0x1] =	stream.indirect.gather [hbm4b:s1+s17], $0x1, s19, s17, $0xb8;
	[tilespmem:$0x1C000] =	vst v63  }
0x99: {  	s19 =	simm.s32 $0xD580;
	s20 =	simm.s32 $0x11580  }
0x9a: {  	[tilespmem:s20], [sflag:$0x1] =	stream.indirect.gather [hbm4b:s1+s17], $0x1, s19, s17, $0xb8;
	[tilespmem:$0x1C000] =	vst v63  }
0x9b: {  	s19 =	simm.s32 $0xD600;
	s20 =	simm.s32 $0x11600  }
0x9c: {  	[tilespmem:s20], [sflag:$0x1] =	stream.indirect.gather [hbm4b:s1+s17], $0x1, s19, s17, $0xb8;
	[tilespmem:$0x1C000] =	vst v63  }
0x9d: {  	s19 =	simm.s32 $0xD680;
	s20 =	simm.s32 $0x11680  }
0x9e: {  	[tilespmem:s20], [sflag:$0x1] =	stream.indirect.gather [hbm4b:s1+s17], $0x1, s19, s17, $0xb8;
	[tilespmem:$0x1C000] =	vst v63  }
0x9f: {  	s19 =	simm.s32 $0xD700;
	s20 =	simm.s32 $0x11700  }
0xa0: {  	[tilespmem:s20], [sflag:$0x1] =	stream.indirect.gather [hbm4b:s1+s17], $0x1, s19, s17, $0xb8;
	[tilespmem:$0x1C000] =	vst v63  }
0xa1: {  	s19 =	simm.s32 $0xD780;
	s20 =	simm.s32 $0x11780  }
0xa2: {  	[tilespmem:s20], [sflag:$0x1] =	stream.indirect.gather [hbm4b:s1+s17], $0x1, s19, s17, $0xb8;
	[tilespmem:$0x1C000] =	vst v63  }
0xa3: {  	s19 =	simm.s32 $0xD800;
	s20 =	simm.s32 $0x11800  }
0xa4: {  	[tilespmem:s20], [sflag:$0x1] =	stream.indirect.gather [hbm4b:s1+s17], $0x1, s19, s17, $0xb8;
	[tilespmem:$0x1C000] =	vst v63  }
0xa5: {  	s19 =	simm.s32 $0xD880;
	s20 =	simm.s32 $0x11880  }
0xa6: {  	[tilespmem:s20], [sflag:$0x1] =	stream.indirect.gather [hbm4b:s1+s17], $0x1, s19, s17, $0xb8;
	[tilespmem:$0x1C000] =	vst v63  }
0xa7: {  	s19 =	simm.s32 $0xD900;
	s20 =	simm.s32 $0x11900  }
0xa8: {  	[tilespmem:s20], [sflag:$0x1] =	stream.indirect.gather [hbm4b:s1+s17], $0x1, s19, s17, $0xb8;
	[tilespmem:$0x1C000] =	vst v63  }
0xa9: {  	s19 =	simm.s32 $0xD980;
	s20 =	simm.s32 $0x11980  }
0xaa: {  	[tilespmem:s20], [sflag:$0x1] =	stream.indirect.gather [hbm4b:s1+s17], $0x1, s19, s17, $0xb8;
	[tilespmem:$0x1C000] =	vst v63  }
0xab: {  	s19 =	simm.s32 $0xDA00;
	s20 =	simm.s32 $0x11A00  }
0xac: {  	[tilespmem:s20], [sflag:$0x1] =	stream.indirect.gather [hbm4b:s1+s17], $0x1, s19, s17, $0xb8;
	[tilespmem:$0x1C000] =	vst v63  }
0xad: {  	s19 =	simm.s32 $0xDA80;
	s20 =	simm.s32 $0x11A80  }
0xae: {  	[tilespmem:s20], [sflag:$0x1] =	stream.indirect.gather [hbm4b:s1+s17], $0x1, s19, s17, $0xb8;
	[tilespmem:$0x1C000] =	vst v63  }
0xaf: {  	s19 =	simm.s32 $0xDB00;
	s20 =	simm.s32 $0x11B00  }
0xb0: {  	[tilespmem:s20], [sflag:$0x1] =	stream.indirect.gather [hbm4b:s1+s17], $0x1, s19, s17, $0xb8;
	[tilespmem:$0x1C000] =	vst v63  }
0xb1: {  	s19 =	simm.s32 $0xDB80;
	s20 =	simm.s32 $0x11B80  }
0xb2: {  	[tilespmem:s20], [sflag:$0x1] =	stream.indirect.gather [hbm4b:s1+s17], $0x1, s19, s17, $0xb8;
	[tilespmem:$0x1C000] =	vst v63  }
0xb3: {  	s19 =	simm.s32 $0xDC00;
	s20 =	simm.s32 $0x11C00  }
0xb4: {  	[tilespmem:s20], [sflag:$0x1] =	stream.indirect.gather [hbm4b:s1+s17], $0x1, s19, s17, $0xb8;
	[tilespmem:$0x1C000] =	vst v63  }
0xb5: {  	s19 =	simm.s32 $0xDC80;
	s20 =	simm.s32 $0x11C80  }
0xb6: {  	[tilespmem:s20], [sflag:$0x1] =	stream.indirect.gather [hbm4b:s1+s17], $0x1, s19, s17, $0xb8;
	[tilespmem:$0x1C000] =	vst v63  }
0xb7: {  	s19 =	simm.s32 $0xDD00;
	s20 =	simm.s32 $0x11D00  }
0xb8: {  	[tilespmem:s20], [sflag:$0x1] =	stream.indirect.gather [hbm4b:s1+s17], $0x1, s19, s17, $0xb8;
	[tilespmem:$0x1C000] =	vst v63  }
0xb9: {  	s19 =	simm.s32 $0xDD80;
	s20 =	simm.s32 $0x11D80  }
0xba: {  	[tilespmem:s20], [sflag:$0x1] =	stream.indirect.gather [hbm4b:s1+s17], $0x1, s19, s17, $0xb8;
	[tilespmem:$0x1C000] =	vst v63  }
0xbb: {  	s19 =	simm.s32 $0xDE00;
	s20 =	simm.s32 $0x11E00  }
0xbc: {  	[tilespmem:s20], [sflag:$0x1] =	stream.indirect.gather [hbm4b:s1+s17], $0x1, s19, s17, $0xb8;
	[tilespmem:$0x1C000] =	vst v63  }
0xbd: {  	s19 =	simm.s32 $0xDE80;
	s20 =	simm.s32 $0x11E80  }
0xbe: {  	[tilespmem:s20], [sflag:$0x1] =	stream.indirect.gather [hbm4b:s1+s17], $0x1, s19, s17, $0xb8;
	[tilespmem:$0x1C000] =	vst v63  }
.Ltmp1:
0xbf: {  	_ = 	snop;
	(pc) =	sbr.rel @p0 .LBB2_8-.Ltmp1, $4  }
0xc0: {  	s19 =	simm.s32 $0xDF00;
	s20 =	simm.s32 $0x11F00  }
0xc1: {  	[tilespmem:s20], [sflag:$0x1] =	stream.indirect.gather [hbm4b:s1+s17], $0x1, s19, s17, $0xb8;
	[tilespmem:$0x1C000] =	vst v63  }
0xc2: {  	s19 =	simm.s32 $0xDF80;
	s20 =	simm.s32 $0x11F80  }
0xc3: {  	[tilespmem:s20], [sflag:$0x1] =	stream.indirect.gather [hbm4b:s1+s17], $0x1, s19, s17, $0xb8;
	[tilespmem:$0x1C000] =	vst v63  }
0xc4: {  	_ =	swait.ge [sflag:s12], $0x2000  }
0xc5: {  	[sflag:s12] =	ssyncset.done $0x0  }
0xc6: {  	s10 =	simm.s32 $0x0;
	[sflag:s12] =	ssyncadd.s32 $0xFFFFE000  }
0xc7: {  	v0 =	vld [tilespmem:s10+$0x12000]  }
0xc8: {  	s18 =	simm.s32 $0x40  }
.LBB2_6:
0xc9: {  	p1 =	sne.s32 s18, $0x7FC0  }
.Ltmp2:
0xca: {  	_ = 	snop;
	(pc) =	sbr.rel @p1 .LBB2_6-.Ltmp2, $4  }
0xcb: {  	_ = 	snop  }
0xcc: {  	s19 =	sshra.s32 s18, $0x2;
	s18 =	sadd.s32 $0x40, s18;
	v1 =	vand.u32 $0x7FFFFFFF, v0;
	v2 =	vshrl.u32 v0, $0x1F  }
0xcd: {  	v0 =	vld [tilespmem:s19+$0x12000];
	[tilespmem:s10+$0x1A000] =	vst v2  }
0xce: {  	[tilespmem:s10+$0x16000] =	vst v1;
	s10 =	smov.u32 s19  }
0xcf: {  	_ =	sdelay $0x1  }
0xd0: {  	s18 =	rddreg [dreg:$0x3]  }
0xd1: {  	s16 =	sadd.s32 s16, s18;
	v1 =	vshrl.u32 v0, $0x1F  }
0xd2: {  	s16 =	sshrl.u32 s16, $0x3;
	v63 =	vand.u32 $0x7FFFFFFF, v0;
	[tilespmem:s10+$0x1A000] =	vst v1  }
0xd3: {  	s20 =	simm.s32 $0x16000;
	s19 =	sadd.s32 s5, s16;
	[tilespmem:s10+$0x16000] =	vst v63  }
0xd4: {  	[hbm4b:s19+s2] =	stream.linear.scatter [tilespmem:s20], [sflag:$0x4], $0x2000, $0x38;
	[tilespmem:$0x1C000] =	vst v63  }
0xd5: {  	s19 =	sadd.s32 s6, s16;
	s20 =	simm.s32 $0x1A000  }
0xd6: {  	[hbm4b:s19+s2] =	stream.linear.scatter [tilespmem:s20], [sflag:$0x4], $0x2000, $0x38;
	[tilespmem:$0x1C000] =	vst v63  }
.LBB2_8:
0xd7: {  	s10 =	sor.u32 $0x400, s15  }
0xd8: {  	s19 =	simm.s32 $0x0;
	s16 =	simm.s32 $0x6000;
	s18 =	sadd.s32 s4, s10  }
0xd9: {  	[tilespmem:s16], [sflag:$0x5] =	stream.linear.gather [hbm4b:s18+s19], $0x2000, $0x38;
	[tilespmem:$0x1C000] =	vst v63  }
0xda: {  	_ =	swait.ge [sflag:s14], $0x2000  }
0xdb: {  	[sflag:s14] =	ssyncset.done $0x0  }
0xdc: {  	s20 =	simm.s32 $0x8000;
	s18 =	sadd.s32 s10, s8;
	[sflag:s14] =	ssyncadd.s32 $0xFFFFE000  }
0xdd: {  	[tilespmem:s20], [sflag:$0x5] =	stream.linear.gather [hbm4b:s18+s19], $0x2000, $0x38;
	[tilespmem:$0x1C000] =	vst v63  }
0xde: {  	_ =	swait.ge [sflag:s14], $0x2000  }
0xdf: {  	[sflag:s14] =	ssyncset.done $0x0  }
0xe0: {  	s10 =	sadd.s32 s10, s9;
	s20 =	simm.s32 $0xA000;
	[sflag:s14] =	ssyncadd.s32 $0xFFFFE000  }
0xe1: {  	[tilespmem:s20], [sflag:$0x5] =	stream.linear.gather [hbm4b:s10+s19], $0x2000, $0x38;
	[tilespmem:$0x1C000] =	vst v63  }
0xe2: {  	_ =	swait.ge [sflag:s14], $0x2000  }
0xe3: {  	[sflag:s14] =	ssyncset.done $0x0  }
0xe4: {  	[sflag:s14] =	ssyncadd.s32 $0xFFFFE000  }
0xe5: {  	s20 =	sand.u32 $0x1FF0, s19;
	v0 =	vld [tilespmem:s16+$0x0]  }
0xe6: {  	v1 =	vld [tilespmem:s20+$0x8000]  }
0xe7: {  	v2 =	vld [tilespmem:s20+$0xA000];
	_ =	sdelay $0x3  }
0xe8: {  	v3 =	vmul.f32 $1.280000000e+02, v0;
	v4 =	vmul.f32 $1.280000000e+02, v1  }
0xe9: {  	v5 =	vmul.f32 $1.280000000e+02, v2  }
0xea: {  	v3 =	vtrunc.f32 v3;
	v4 =	vtrunc.f32 v4  }
0xeb: {  	v3 =	vcvt.f32.s32 v3;
	v4 =	vcvt.f32.s32 v4  }
0xec: {  	vm0 =	vgt.f32 v1, $0.0e+00;
	vm1 =	vgt.f32 v0, $0.0e+00;
	v1 =	vtrunc.f32 v5  }
0xed: {  	v0 =	vcvt.f32.s32 v1;
	v1 =	vshll.u32 v3, $0xE;
	v3 =	vshll.u32 v4, $0x7  }
0xee: {  	vm2 =	vgt.f32 v2, $0.0e+00;
	vm0 =	vmand vm1, vm0;
	v1 =	vadd.s32 v1, v3  }
0xef: {  	vm0 =	vmand vm0, vm2;
	v0 =	vadd.s32 v0, v1  }
0xf0: {  	s18 =	simm.s32 $0x10;
	s10 =	simm.s32 $0xE000;
	v0 =	vnsel vm0, $0x200000, v0  }
.LBB2_9:
0xf1: {  	p1 =	sne.s32 s18, $0x1FF0;
	[tilespmem:s10+$0x0] =	vst v0;
	s16 =	sadd.s32 $0x10, s16;
	s10 =	sadd.s32 $0x10, s10  }
0xf2: {  	s19 =	sand.u32 $0x1FF0, s18;
	s18 =	sadd.s32 $0x10, s18;
	v0 =	vld [tilespmem:s16+$0x0]  }
0xf3: {  	v1 =	vld [tilespmem:s19+$0x8000];
	_ =	sdelay $0x1  }
0xf4: {  	v2 =	vld [tilespmem:s19+$0xA000];
	_ =	sdelay $0x1  }
0xf5: {  	v3 =	vmul.f32 $1.280000000e+02, v0  }
0xf6: {  	v4 =	vmul.f32 $1.280000000e+02, v1;
	vm0 =	vgt.f32 v1, $0.0e+00  }
0xf7: {  	v1 =	vtrunc.f32 v3  }
0xf8: {  	v3 =	vtrunc.f32 v4;
	v4 =	vmul.f32 $1.280000000e+02, v2;
	vm1 =	vgt.f32 v2, $0.0e+00  }
0xf9: {  	v1 =	vcvt.f32.s32 v1;
	v2 =	vcvt.f32.s32 v3  }
.Ltmp3:
0xfa: {  	vm2 =	vgt.f32 v0, $0.0e+00;
	v3 =	vtrunc.f32 v4;
	(pc) =	sbr.rel @p1 .LBB2_9-.Ltmp3, $4  }
0xfb: {  	v1 =	vshll.u32 v1, $0xE;
	v0 =	vcvt.f32.s32 v3;
	v2 =	vshll.u32 v2, $0x7  }
0xfc: {  	vm0 =	vmand vm2, vm0;
	v1 =	vadd.s32 v1, v2  }
0xfd: {  	vm0 =	vmand vm0, vm1;
	v0 =	vadd.s32 v0, v1  }
0xfe: {  	v0 =	vnsel vm0, $0x200000, v0  }
0xff: {  	[tilespmem:s10+$0x0] =	vst v0;
	s10 =	simm.s32 @!p0 $0x4  }
0x100: {  	_ =	swait.ge @!p0 [sflag:s10], $0x2000  }
0x101: {  	[sflag:s10] =	ssyncset.done @!p0 $0x0  }
0x102: {  	[sflag:s10] =	ssyncadd.s32 @!p0 $0xFFFFE000  }
0x103: {  	_ =	swait.ge @!p0 [sflag:s10], $0x2000  }
0x104: {  	[sflag:s10] =	ssyncset.done @!p0 $0x0  }
0x105: {  	s20 =	simm.s32 $0xE000;
	s16 =	simm.s32 $0x12000;
	[sflag:s10] =	ssyncadd.s32 @!p0 $0xFFFFE000  }
0x106: {  	[tilespmem:s16], [sflag:$0x2] =	stream.indirect.gather [hbm4b:s1+s17], $0x1, s20, s17, $0xb8;
	[tilespmem:$0x1C000] =	vst v63  }
0x107: {  	s18 =	simm.s32 $0x12080;
	s16 =	simm.s32 $0xE080  }
0x108: {  	[tilespmem:s18], [sflag:$0x2] =	stream.indirect.gather [hbm4b:s1+s17], $0x1, s16, s17, $0xb8;
	[tilespmem:$0x1C000] =	vst v63  }
0x109: {  	s19 =	simm.s32 $0xE100;
	s20 =	simm.s32 $0x12100  }
0x10a: {  	[tilespmem:s20], [sflag:$0x2] =	stream.indirect.gather [hbm4b:s1+s17], $0x1, s19, s17, $0xb8;
	[tilespmem:$0x1C000] =	vst v63  }
0x10b: {  	s16 =	simm.s32 $0xE180;
	s18 =	simm.s32 $0x12180  }
0x10c: {  	[tilespmem:s18], [sflag:$0x2] =	stream.indirect.gather [hbm4b:s1+s17], $0x1, s16, s17, $0xb8;
	[tilespmem:$0x1C000] =	vst v63  }
0x10d: {  	s19 =	simm.s32 $0xE200;
	s20 =	simm.s32 $0x12200  }
0x10e: {  	[tilespmem:s20], [sflag:$0x2] =	stream.indirect.gather [hbm4b:s1+s17], $0x1, s19, s17, $0xb8;
	[tilespmem:$0x1C000] =	vst v63  }
0x10f: {  	s16 =	simm.s32 $0xE280;
	s18 =	simm.s32 $0x12280  }
0x110: {  	[tilespmem:s18], [sflag:$0x2] =	stream.indirect.gather [hbm4b:s1+s17], $0x1, s16, s17, $0xb8;
	[tilespmem:$0x1C000] =	vst v63  }
0x111: {  	s19 =	simm.s32 $0xE300;
	s20 =	simm.s32 $0x12300  }
0x112: {  	[tilespmem:s20], [sflag:$0x2] =	stream.indirect.gather [hbm4b:s1+s17], $0x1, s19, s17, $0xb8;
	[tilespmem:$0x1C000] =	vst v63  }
0x113: {  	s16 =	simm.s32 $0xE380;
	s18 =	simm.s32 $0x12380  }
0x114: {  	[tilespmem:s18], [sflag:$0x2] =	stream.indirect.gather [hbm4b:s1+s17], $0x1, s16, s17, $0xb8;
	[tilespmem:$0x1C000] =	vst v63  }
0x115: {  	s19 =	simm.s32 $0xE400;
	s20 =	simm.s32 $0x12400  }
0x116: {  	[tilespmem:s20], [sflag:$0x2] =	stream.indirect.gather [hbm4b:s1+s17], $0x1, s19, s17, $0xb8;
	[tilespmem:$0x1C000] =	vst v63  }
0x117: {  	s16 =	simm.s32 $0xE480;
	s18 =	simm.s32 $0x12480  }
0x118: {  	[tilespmem:s18], [sflag:$0x2] =	stream.indirect.gather [hbm4b:s1+s17], $0x1, s16, s17, $0xb8;
	[tilespmem:$0x1C000] =	vst v63  }
0x119: {  	s19 =	simm.s32 $0xE500;
	s20 =	simm.s32 $0x12500  }
0x11a: {  	[tilespmem:s20], [sflag:$0x2] =	stream.indirect.gather [hbm4b:s1+s17], $0x1, s19, s17, $0xb8;
	[tilespmem:$0x1C000] =	vst v63  }
0x11b: {  	s16 =	simm.s32 $0xE580;
	s18 =	simm.s32 $0x12580  }
0x11c: {  	[tilespmem:s18], [sflag:$0x2] =	stream.indirect.gather [hbm4b:s1+s17], $0x1, s16, s17, $0xb8;
	[tilespmem:$0x1C000] =	vst v63  }
0x11d: {  	s19 =	simm.s32 $0xE600;
	s20 =	simm.s32 $0x12600  }
0x11e: {  	[tilespmem:s20], [sflag:$0x2] =	stream.indirect.gather [hbm4b:s1+s17], $0x1, s19, s17, $0xb8;
	[tilespmem:$0x1C000] =	vst v63  }
0x11f: {  	s16 =	simm.s32 $0xE680;
	s18 =	simm.s32 $0x12680  }
0x120: {  	[tilespmem:s18], [sflag:$0x2] =	stream.indirect.gather [hbm4b:s1+s17], $0x1, s16, s17, $0xb8;
	[tilespmem:$0x1C000] =	vst v63  }
0x121: {  	s19 =	simm.s32 $0xE700;
	s20 =	simm.s32 $0x12700  }
0x122: {  	[tilespmem:s20], [sflag:$0x2] =	stream.indirect.gather [hbm4b:s1+s17], $0x1, s19, s17, $0xb8;
	[tilespmem:$0x1C000] =	vst v63  }
0x123: {  	s16 =	simm.s32 $0xE780;
	s18 =	simm.s32 $0x12780  }
0x124: {  	[tilespmem:s18], [sflag:$0x2] =	stream.indirect.gather [hbm4b:s1+s17], $0x1, s16, s17, $0xb8;
	[tilespmem:$0x1C000] =	vst v63  }
0x125: {  	s19 =	simm.s32 $0xE800;
	s20 =	simm.s32 $0x12800  }
0x126: {  	[tilespmem:s20], [sflag:$0x2] =	stream.indirect.gather [hbm4b:s1+s17], $0x1, s19, s17, $0xb8;
	[tilespmem:$0x1C000] =	vst v63  }
0x127: {  	s16 =	simm.s32 $0xE880;
	s18 =	simm.s32 $0x12880  }
0x128: {  	[tilespmem:s18], [sflag:$0x2] =	stream.indirect.gather [hbm4b:s1+s17], $0x1, s16, s17, $0xb8;
	[tilespmem:$0x1C000] =	vst v63  }
0x129: {  	s19 =	simm.s32 $0xE900;
	s20 =	simm.s32 $0x12900  }
0x12a: {  	[tilespmem:s20], [sflag:$0x2] =	stream.indirect.gather [hbm4b:s1+s17], $0x1, s19, s17, $0xb8;
	[tilespmem:$0x1C000] =	vst v63  }
0x12b: {  	s16 =	simm.s32 $0xE980;
	s18 =	simm.s32 $0x12980  }
0x12c: {  	[tilespmem:s18], [sflag:$0x2] =	stream.indirect.gather [hbm4b:s1+s17], $0x1, s16, s17, $0xb8;
	[tilespmem:$0x1C000] =	vst v63  }
0x12d: {  	s19 =	simm.s32 $0xEA00;
	s20 =	simm.s32 $0x12A00  }
0x12e: {  	[tilespmem:s20], [sflag:$0x2] =	stream.indirect.gather [hbm4b:s1+s17], $0x1, s19, s17, $0xb8;
	[tilespmem:$0x1C000] =	vst v63  }
0x12f: {  	s16 =	simm.s32 $0xEA80;
	s18 =	simm.s32 $0x12A80  }
0x130: {  	[tilespmem:s18], [sflag:$0x2] =	stream.indirect.gather [hbm4b:s1+s17], $0x1, s16, s17, $0xb8;
	[tilespmem:$0x1C000] =	vst v63  }
0x131: {  	s19 =	simm.s32 $0xEB00;
	s20 =	simm.s32 $0x12B00  }
0x132: {  	[tilespmem:s20], [sflag:$0x2] =	stream.indirect.gather [hbm4b:s1+s17], $0x1, s19, s17, $0xb8;
	[tilespmem:$0x1C000] =	vst v63  }
0x133: {  	s16 =	simm.s32 $0xEB80;
	s18 =	simm.s32 $0x12B80  }
0x134: {  	[tilespmem:s18], [sflag:$0x2] =	stream.indirect.gather [hbm4b:s1+s17], $0x1, s16, s17, $0xb8;
	[tilespmem:$0x1C000] =	vst v63  }
0x135: {  	s19 =	simm.s32 $0xEC00;
	s20 =	simm.s32 $0x12C00  }
0x136: {  	[tilespmem:s20], [sflag:$0x2] =	stream.indirect.gather [hbm4b:s1+s17], $0x1, s19, s17, $0xb8;
	[tilespmem:$0x1C000] =	vst v63  }
0x137: {  	s16 =	simm.s32 $0xEC80;
	s18 =	simm.s32 $0x12C80  }
0x138: {  	[tilespmem:s18], [sflag:$0x2] =	stream.indirect.gather [hbm4b:s1+s17], $0x1, s16, s17, $0xb8;
	[tilespmem:$0x1C000] =	vst v63  }
0x139: {  	s19 =	simm.s32 $0xED00;
	s20 =	simm.s32 $0x12D00  }
0x13a: {  	[tilespmem:s20], [sflag:$0x2] =	stream.indirect.gather [hbm4b:s1+s17], $0x1, s19, s17, $0xb8;
	[tilespmem:$0x1C000] =	vst v63  }
0x13b: {  	s16 =	simm.s32 $0xED80;
	s18 =	simm.s32 $0x12D80  }
0x13c: {  	[tilespmem:s18], [sflag:$0x2] =	stream.indirect.gather [hbm4b:s1+s17], $0x1, s16, s17, $0xb8;
	[tilespmem:$0x1C000] =	vst v63  }
0x13d: {  	s19 =	simm.s32 $0xEE00;
	s20 =	simm.s32 $0x12E00  }
0x13e: {  	[tilespmem:s20], [sflag:$0x2] =	stream.indirect.gather [hbm4b:s1+s17], $0x1, s19, s17, $0xb8;
	[tilespmem:$0x1C000] =	vst v63  }
0x13f: {  	s16 =	simm.s32 $0xEE80;
	s18 =	simm.s32 $0x12E80  }
0x140: {  	[tilespmem:s18], [sflag:$0x2] =	stream.indirect.gather [hbm4b:s1+s17], $0x1, s16, s17, $0xb8;
	[tilespmem:$0x1C000] =	vst v63  }
0x141: {  	s19 =	simm.s32 $0xEF00;
	s20 =	simm.s32 $0x12F00  }
0x142: {  	[tilespmem:s20], [sflag:$0x2] =	stream.indirect.gather [hbm4b:s1+s17], $0x1, s19, s17, $0xb8;
	[tilespmem:$0x1C000] =	vst v63  }
0x143: {  	s16 =	simm.s32 $0xEF80;
	s18 =	simm.s32 $0x12F80  }
0x144: {  	[tilespmem:s18], [sflag:$0x2] =	stream.indirect.gather [hbm4b:s1+s17], $0x1, s16, s17, $0xb8;
	[tilespmem:$0x1C000] =	vst v63  }
0x145: {  	s19 =	simm.s32 $0xF000;
	s20 =	simm.s32 $0x13000  }
0x146: {  	[tilespmem:s20], [sflag:$0x2] =	stream.indirect.gather [hbm4b:s1+s17], $0x1, s19, s17, $0xb8;
	[tilespmem:$0x1C000] =	vst v63  }
0x147: {  	s16 =	simm.s32 $0xF080;
	s18 =	simm.s32 $0x13080  }
0x148: {  	[tilespmem:s18], [sflag:$0x2] =	stream.indirect.gather [hbm4b:s1+s17], $0x1, s16, s17, $0xb8;
	[tilespmem:$0x1C000] =	vst v63  }
0x149: {  	s19 =	simm.s32 $0xF100;
	s20 =	simm.s32 $0x13100  }
0x14a: {  	[tilespmem:s20], [sflag:$0x2] =	stream.indirect.gather [hbm4b:s1+s17], $0x1, s19, s17, $0xb8;
	[tilespmem:$0x1C000] =	vst v63  }
0x14b: {  	s16 =	simm.s32 $0xF180;
	s18 =	simm.s32 $0x13180  }
0x14c: {  	[tilespmem:s18], [sflag:$0x2] =	stream.indirect.gather [hbm4b:s1+s17], $0x1, s16, s17, $0xb8;
	[tilespmem:$0x1C000] =	vst v63  }
0x14d: {  	s19 =	simm.s32 $0xF200;
	s20 =	simm.s32 $0x13200  }
0x14e: {  	[tilespmem:s20], [sflag:$0x2] =	stream.indirect.gather [hbm4b:s1+s17], $0x1, s19, s17, $0xb8;
	[tilespmem:$0x1C000] =	vst v63  }
0x14f: {  	s16 =	simm.s32 $0xF280;
	s18 =	simm.s32 $0x13280  }
0x150: {  	[tilespmem:s18], [sflag:$0x2] =	stream.indirect.gather [hbm4b:s1+s17], $0x1, s16, s17, $0xb8;
	[tilespmem:$0x1C000] =	vst v63  }
0x151: {  	s19 =	simm.s32 $0xF300;
	s20 =	simm.s32 $0x13300  }
0x152: {  	[tilespmem:s20], [sflag:$0x2] =	stream.indirect.gather [hbm4b:s1+s17], $0x1, s19, s17, $0xb8;
	[tilespmem:$0x1C000] =	vst v63  }
0x153: {  	s16 =	simm.s32 $0xF380;
	s18 =	simm.s32 $0x13380  }
0x154: {  	[tilespmem:s18], [sflag:$0x2] =	stream.indirect.gather [hbm4b:s1+s17], $0x1, s16, s17, $0xb8;
	[tilespmem:$0x1C000] =	vst v63  }
0x155: {  	s19 =	simm.s32 $0xF400;
	s20 =	simm.s32 $0x13400  }
0x156: {  	[tilespmem:s20], [sflag:$0x2] =	stream.indirect.gather [hbm4b:s1+s17], $0x1, s19, s17, $0xb8;
	[tilespmem:$0x1C000] =	vst v63  }
0x157: {  	s16 =	simm.s32 $0xF480;
	s18 =	simm.s32 $0x13480  }
0x158: {  	[tilespmem:s18], [sflag:$0x2] =	stream.indirect.gather [hbm4b:s1+s17], $0x1, s16, s17, $0xb8;
	[tilespmem:$0x1C000] =	vst v63  }
0x159: {  	s19 =	simm.s32 $0xF500;
	s20 =	simm.s32 $0x13500  }
0x15a: {  	[tilespmem:s20], [sflag:$0x2] =	stream.indirect.gather [hbm4b:s1+s17], $0x1, s19, s17, $0xb8;
	[tilespmem:$0x1C000] =	vst v63  }
0x15b: {  	s16 =	simm.s32 $0xF580;
	s18 =	simm.s32 $0x13580  }
0x15c: {  	[tilespmem:s18], [sflag:$0x2] =	stream.indirect.gather [hbm4b:s1+s17], $0x1, s16, s17, $0xb8;
	[tilespmem:$0x1C000] =	vst v63  }
0x15d: {  	s19 =	simm.s32 $0xF600;
	s20 =	simm.s32 $0x13600  }
0x15e: {  	[tilespmem:s20], [sflag:$0x2] =	stream.indirect.gather [hbm4b:s1+s17], $0x1, s19, s17, $0xb8;
	[tilespmem:$0x1C000] =	vst v63  }
0x15f: {  	s16 =	simm.s32 $0xF680;
	s18 =	simm.s32 $0x13680  }
0x160: {  	[tilespmem:s18], [sflag:$0x2] =	stream.indirect.gather [hbm4b:s1+s17], $0x1, s16, s17, $0xb8;
	[tilespmem:$0x1C000] =	vst v63  }
0x161: {  	s19 =	simm.s32 $0xF700;
	s20 =	simm.s32 $0x13700  }
0x162: {  	[tilespmem:s20], [sflag:$0x2] =	stream.indirect.gather [hbm4b:s1+s17], $0x1, s19, s17, $0xb8;
	[tilespmem:$0x1C000] =	vst v63  }
0x163: {  	s16 =	simm.s32 $0xF780;
	s18 =	simm.s32 $0x13780  }
0x164: {  	[tilespmem:s18], [sflag:$0x2] =	stream.indirect.gather [hbm4b:s1+s17], $0x1, s16, s17, $0xb8;
	[tilespmem:$0x1C000] =	vst v63  }
0x165: {  	s19 =	simm.s32 $0xF800;
	s20 =	simm.s32 $0x13800  }
0x166: {  	[tilespmem:s20], [sflag:$0x2] =	stream.indirect.gather [hbm4b:s1+s17], $0x1, s19, s17, $0xb8;
	[tilespmem:$0x1C000] =	vst v63  }
0x167: {  	s16 =	simm.s32 $0xF880;
	s18 =	simm.s32 $0x13880  }
0x168: {  	[tilespmem:s18], [sflag:$0x2] =	stream.indirect.gather [hbm4b:s1+s17], $0x1, s16, s17, $0xb8;
	[tilespmem:$0x1C000] =	vst v63  }
0x169: {  	s19 =	simm.s32 $0xF900;
	s20 =	simm.s32 $0x13900  }
0x16a: {  	[tilespmem:s20], [sflag:$0x2] =	stream.indirect.gather [hbm4b:s1+s17], $0x1, s19, s17, $0xb8;
	[tilespmem:$0x1C000] =	vst v63  }
0x16b: {  	s16 =	simm.s32 $0xF980;
	s18 =	simm.s32 $0x13980  }
0x16c: {  	[tilespmem:s18], [sflag:$0x2] =	stream.indirect.gather [hbm4b:s1+s17], $0x1, s16, s17, $0xb8;
	[tilespmem:$0x1C000] =	vst v63  }
0x16d: {  	s19 =	simm.s32 $0xFA00;
	s20 =	simm.s32 $0x13A00  }
0x16e: {  	[tilespmem:s20], [sflag:$0x2] =	stream.indirect.gather [hbm4b:s1+s17], $0x1, s19, s17, $0xb8;
	[tilespmem:$0x1C000] =	vst v63  }
0x16f: {  	s16 =	simm.s32 $0xFA80;
	s18 =	simm.s32 $0x13A80  }
0x170: {  	[tilespmem:s18], [sflag:$0x2] =	stream.indirect.gather [hbm4b:s1+s17], $0x1, s16, s17, $0xb8;
	[tilespmem:$0x1C000] =	vst v63  }
0x171: {  	s19 =	simm.s32 $0xFB00;
	s20 =	simm.s32 $0x13B00  }
0x172: {  	[tilespmem:s20], [sflag:$0x2] =	stream.indirect.gather [hbm4b:s1+s17], $0x1, s19, s17, $0xb8;
	[tilespmem:$0x1C000] =	vst v63  }
0x173: {  	s16 =	simm.s32 $0xFB80;
	s18 =	simm.s32 $0x13B80  }
0x174: {  	[tilespmem:s18], [sflag:$0x2] =	stream.indirect.gather [hbm4b:s1+s17], $0x1, s16, s17, $0xb8;
	[tilespmem:$0x1C000] =	vst v63  }
0x175: {  	s19 =	simm.s32 $0xFC00;
	s20 =	simm.s32 $0x13C00  }
0x176: {  	[tilespmem:s20], [sflag:$0x2] =	stream.indirect.gather [hbm4b:s1+s17], $0x1, s19, s17, $0xb8;
	[tilespmem:$0x1C000] =	vst v63  }
0x177: {  	s16 =	simm.s32 $0xFC80;
	s18 =	simm.s32 $0x13C80  }
0x178: {  	[tilespmem:s18], [sflag:$0x2] =	stream.indirect.gather [hbm4b:s1+s17], $0x1, s16, s17, $0xb8;
	[tilespmem:$0x1C000] =	vst v63  }
0x179: {  	s19 =	simm.s32 $0xFD00;
	s20 =	simm.s32 $0x13D00  }
0x17a: {  	[tilespmem:s20], [sflag:$0x2] =	stream.indirect.gather [hbm4b:s1+s17], $0x1, s19, s17, $0xb8;
	[tilespmem:$0x1C000] =	vst v63  }
0x17b: {  	_ = 	snop  }
0x17c: {  	[tilespmem:s22], [sflag:$0x2] =	stream.indirect.gather [hbm4b:s1+s17], $0x1, s21, s17, $0xb8;
	[tilespmem:$0x1C000] =	vst v63  }
0x17d: {  	_ = 	snop  }
0x17e: {  	[tilespmem:s24], [sflag:$0x2] =	stream.indirect.gather [hbm4b:s1+s17], $0x1, s23, s17, $0xb8;
	[tilespmem:$0x1C000] =	vst v63  }
0x17f: {  	_ = 	snop  }
0x180: {  	[tilespmem:s26], [sflag:$0x2] =	stream.indirect.gather [hbm4b:s1+s17], $0x1, s25, s17, $0xb8;
	[tilespmem:$0x1C000] =	vst v63  }
0x181: {  	_ = 	snop  }
0x182: {  	[tilespmem:s29], [sflag:$0x2] =	stream.indirect.gather [hbm4b:s1+s17], $0x1, s28, s17, $0xb8;
	[tilespmem:$0x1C000] =	vst v63  }
0x183: {  	_ = 	snop  }
0x184: {  	[tilespmem:s31], [sflag:$0x2] =	stream.indirect.gather [hbm4b:s1+s17], $0x1, s30, s17, $0xb8;
	[tilespmem:$0x1C000] =	vst v63  }
0x185: {  	_ =	swait.ge [sflag:s0], $0x2000  }
0x186: {  	[sflag:s0] =	ssyncset.done $0x0  }
0x187: {  	s10 =	simm.s32 $0x0;
	[sflag:s0] =	ssyncadd.s32 $0xFFFFE000  }
0x188: {  	v0 =	vld [tilespmem:s10+$0x10000]  }
0x189: {  	s16 =	simm.s32 $0x40  }
.LBB2_11:
0x18a: {  	p0 =	sne.s32 s16, $0x7FC0  }
.Ltmp4:
0x18b: {  	_ = 	snop;
	(pc) =	sbr.rel @p0 .LBB2_11-.Ltmp4, $4  }
0x18c: {  	_ = 	snop  }
0x18d: {  	s18 =	sshra.s32 s16, $0x2;
	s16 =	sadd.s32 $0x40, s16;
	v1 =	vand.u32 $0x7FFFFFFF, v0;
	v2 =	vshrl.u32 v0, $0x1F  }
0x18e: {  	v0 =	vld [tilespmem:s18+$0x10000];
	[tilespmem:s10+$0x18000] =	vst v2  }
0x18f: {  	[tilespmem:s10+$0x14000] =	vst v1;
	s10 =	smov.u32 s18  }
0x190: {  	_ =	sdelay $0x1  }
0x191: {  	s13 =	sadd.s32 $0x1, s13  }
0x192: {  	p0 =	sne.s32 s13, $0x8;
	v1 =	vshrl.u32 v0, $0x1F  }
.Ltmp5:
0x193: {  	v63 =	vand.u32 $0x7FFFFFFF, v0;
	[tilespmem:s10+$0x18000] =	vst v1;
	(pc) =	sbr.rel @p0 .LBB2_2-.Ltmp5, $4  }
0x194: {  	s19 =	sadd.s32 s5, s15;
	[tilespmem:s10+$0x14000] =	vst v63  }
0x195: {  	[hbm4b:s19+s2] =	stream.linear.scatter [tilespmem:s3], [sflag:$0x3], $0x2000, $0x38;
	[tilespmem:$0x1C000] =	vst v63  }
0x196: {  	s20 =	sadd.s32 s6, s15  }
0x197: {  	[hbm4b:s20+s2] =	stream.linear.scatter [tilespmem:s11], [sflag:$0x3], $0x2000, $0x38;
	[tilespmem:$0x1C000] =	vst v63  }
0x198: {  	_ =	swait.ge [sflag:s12], $0x2000  }
0x199: {  	[sflag:s12] =	ssyncset.done $0x0  }
0x19a: {  	s10 =	simm.s32 $0x0;
	[sflag:s12] =	ssyncadd.s32 $0xFFFFE000  }
0x19b: {  	v0 =	vld [tilespmem:s10+$0x12000]  }
0x19c: {  	s13 =	simm.s32 $0x40  }
.LBB2_14:
0x19d: {  	p0 =	sne.s32 s13, $0x7FC0  }
.Ltmp6:
0x19e: {  	_ = 	snop;
	(pc) =	sbr.rel @p0 .LBB2_14-.Ltmp6, $4  }
0x19f: {  	_ = 	snop  }
0x1a0: {  	s15 =	sshra.s32 s13, $0x2;
	s13 =	sadd.s32 $0x40, s13;
	v1 =	vand.u32 $0x7FFFFFFF, v0;
	v2 =	vshrl.u32 v0, $0x1F  }
0x1a1: {  	v0 =	vld [tilespmem:s15+$0x12000];
	[tilespmem:s10+$0x1A000] =	vst v2  }
0x1a2: {  	[tilespmem:s10+$0x16000] =	vst v1;
	s10 =	smov.u32 s15  }
0x1a3: {  	_ =	sdelay $0x2  }
0x1a4: {  	v1 =	vshrl.u32 v0, $0x1F  }
0x1a5: {  	v63 =	vand.u32 $0x7FFFFFFF, v0;
	[tilespmem:s10+$0x1A000] =	vst v1  }
0x1a6: {  	s15 =	rddreg [dreg:$0x4];
	s13 =	simm.s32 $0x16000;
	[tilespmem:s10+$0x16000] =	vst v63  }
0x1a7: {  	[hbm4b:s15+s2] =	stream.linear.scatter [tilespmem:s13], [sflag:$0x5], $0x2000, $0x38;
	[tilespmem:$0x1C000] =	vst v63  }
0x1a8: {  	_ =	swait.ge [sflag:s14], $0x2000  }
0x1a9: {  	[sflag:s14] =	ssyncset.done $0x0  }
0x1aa: {  	s18 =	simm.s32 $0x1A000;
	s16 =	rddreg [dreg:$0x5];
	[sflag:s14] =	ssyncadd.s32 $0xFFFFE000  }
0x1ab: {  	[hbm4b:s16+s2] =	stream.linear.scatter [tilespmem:s18], [sflag:$0x5], $0x2000, $0x38;
	[tilespmem:$0x1C000] =	vst v63  }
0x1ac: {  	_ =	swait.ge [sflag:s14], $0x2000  }
0x1ad: {  	[sflag:s14] =	ssyncset.done $0x0  }
0x1ae: {  	s19 =	simm.s32 $0x3;
	[sflag:s14] =	ssyncadd.s32 $0xFFFFE000  }
0x1af: {  	_ =	swait.ge [sflag:s19], $0x2000  }
0x1b0: {  	[sflag:s19] =	ssyncset.done $0x0  }
0x1b1: {  	[sflag:s19] =	ssyncadd.s32 $0xFFFFE000  }
0x1b2: {  	_ =	swait.ge [sflag:s19], $0x2000  }
0x1b3: {  	s15 =	rddreg [dreg:$0x7]  }
0x1b4: {  	s20 =	rddreg [dreg:$0x6];
	s15 =	sadd.s32 $0x1, s15  }
0x1b5: {  	p0 =	sne.s32 s15, s20  }
.Ltmp7:
0x1b6: {  	_ = 	snop;
	(pc) =	sbr.rel @p0 .LBB2_1-.Ltmp7, $3  }
0x1b7: {  	_ =	sdelay $0x1  }
0x1b8: {  	[sflag:s19] =	ssyncset.done $0x0  }
0x1b9: {  	[sflag:s19] =	ssyncadd.s32 $0xFFFFE000  }
0x1ba: {  	_ =	sfence.sel $0x180000  }
0x1bb: {  	[bflag:$0x0] =	sbarrier.arrive $0xFFFF  }
0x1bc: {  	_ =	strace $0x90000047  }
0x1bd: {  	s0 =	stileid.u32;
	[bflag:$0x2] =	sbarrier.arrive $0xFFFF  }
0x1be: {  	p0 =	sne.s32 s0, $0x0;
	s0 =	rddreg [dreg:$0x2]  }
0x1bf: {  	s0 =	sadd.s32 @!p0 $0x100000, s0  }
0x1c0: {  	[sflag:s0] =	ssyncadd.tile.s32 @!p0 $0x1;
	_ =	shalt  }
.Lfunc_end2:
_tile_overlayer_lowered:
.L_overlay_start_2:
0x1c1: {  	(tag) =	ssettag $0x2  }
0x1c2: {  	s0 =	rddreg [dreg:$0x0];
	s2 =	stileid.u32  }
0x1c3: {  	s1 =	rddreg [dreg:$0x1];
	p0 =	sne.s32 s2, $0x0  }
0x1c4: {  	s3 =	rddreg [dreg:$0x2];
	[bflag:$0x3] =	sbarrier.arrive $0xFFFF;
	s2 =	simm.s32 @!p0 $0x1C05  }
0x1c5: {  	[timem:s3], [sflag:s2] =	dma.local @!p0 [hbm:s0], s1  }
0x1c6: {  	s0 =	simm.s32 @!p0 $0x5  }
0x1c7: {  	_ =	swait.ge @!p0 [sflag:s0], s1  }
0x1c8: {  	s1 =	ssub.s32 @!p0 $0x0, s1;
	[sflag:s0] =	ssyncset.done @!p0 $0x0  }
0x1c9: {  	[sflag:s0] =	ssyncadd.s32 @!p0 s1  }
0x1ca: {  	[bflag:$0x3] =	sbarrier.arrive $0xFFFF  }
0x1cb: {  	_ =	shalt  }

</sc_bundles>
